<compile_context>
chip_gen: v7x
topology: tpu7x:2x2x1
jax: 0.10.2.dev20260603
libtpu: 0.0.44.dev20260713+nightly
codegen_flags: <defaults>
</compile_context>

<pallas_src>
import functools

import jax
import jax.numpy as jnp
from jax import lax
from jax.experimental import pallas as pl
from jax.experimental.pallas import tpu as pltpu
from jax.experimental.pallas import tpu_sc as plsc

VOCAB = 1_000_000
EMBED_DIM = 64
BATCH = 16384
HIST = 50

NUM_CORES = 2
NUM_SUBCORES = 16
NUM_WORKERS = NUM_CORES * NUM_SUBCORES

TOTAL_ROWS = BATCH * HIST
ROWS_PER_WORKER = TOTAL_ROWS // NUM_WORKERS
G = 32
IDX_ROWS = ROWS_PER_WORKER // G
CHUNK = 512
K = CHUNK // G
NCHUNKS = ROWS_PER_WORKER // CHUNK
NBUF = 2

_mesh = plsc.VectorSubcoreMesh(core_axis_name="c", subcore_axis_name="s")


@functools.partial(
    pl.kernel,
    mesh=_mesh,
    out_type=jax.ShapeDtypeStruct((NUM_WORKERS, NCHUNKS, CHUNK, EMBED_DIM),
                                  jnp.float32),
    scratch_types=[
        pltpu.VMEM((IDX_ROWS, G), jnp.int32),
        pltpu.VMEM((NBUF, CHUNK, EMBED_DIM), jnp.float32),
        pltpu.SemaphoreType.DMA((NBUF,)),
        pltpu.SemaphoreType.DMA((NBUF,)),
    ],
    compiler_params=pltpu.CompilerParams(use_tc_tiling_on_sc=False),
)
def _gather_kernel(idx_hbm, table_hbm, out_hbm, idx_all, rows_v, gsem, wsem):
    wid = lax.axis_index("s") * NUM_CORES + lax.axis_index("c")
    pltpu.sync_copy(idx_hbm.at[wid], idx_all)

    def fire_gathers(c, b):
        for j in range(K):
            pltpu.async_copy(
                table_hbm.at[idx_all.at[c * K + j]],
                rows_v.at[b, pl.ds(j * G, G)],
                gsem.at[b],
            )

    def wait_gathers(b):
        pltpu.make_async_copy(
            table_hbm.at[pl.ds(0, CHUNK)], rows_v.at[b], gsem.at[b]).wait()

    def start_wb(c, b):
        pltpu.async_copy(rows_v.at[b], out_hbm.at[wid, c], wsem.at[b])

    def wait_wb(b):
        pltpu.make_async_copy(
            rows_v.at[b], out_hbm.at[0, 0], wsem.at[b]).wait()

    for b in range(NBUF):
        fire_gathers(b, b)

    @pl.loop(0, NCHUNKS - NBUF, step=NBUF)
    def _main(g0):
        for b in range(NBUF):
            c = g0 + b
            wait_gathers(b)
            start_wb(c, b)
            wait_wb(b)
            fire_gathers(c + NBUF, b)

    for b in range(NBUF):
        c = NCHUNKS - NBUF + b
        wait_gathers(b)
        start_wb(c, b)
        wait_wb(b)


def kernel(x, table):
    idx = x.reshape(NUM_WORKERS, IDX_ROWS, G).astype(jnp.int32)
    out = _gather_kernel(idx, table)
    return out.reshape(BATCH, HIST, EMBED_DIM)

# --- scband reference (transcript-rebuilt; emitter-appended) ---
"""Pipeline reference for scband-get-embeddings-53601191854483 (READ-ONLY COPY).

The authoritative reference and input builder live on the scoring server;
editing this copy changes nothing except your own understanding.
"""

import jax, jax.numpy as jnp
import numpy as np

VOCAB = 1000000
EMBED_DIM = 64
BATCH = 16384
HIST = 50

def setup_inputs(seed: int = 0) -> dict:
    key = jax.random.key(seed)
    k_tab, k_idx = jax.random.split(key)
    # w2v_array copied into nn.Embedding weight; row 0 is padding_idx but
    # data.copy_ overwrites it with w2v values; we keep it as sampled data.
    table = jax.random.normal(k_tab, (VOCAB, EMBED_DIM), dtype=jnp.float32)
    x = jax.random.randint(k_idx, (BATCH, HIST), 0, VOCAB, dtype=jnp.int64)
    return {"x": x, "table": table}

def reference(x, table):
    # word_embed = self.word_embedding(x)
    word_embed = jnp.take(table, x, axis=0)
    return word_embed

if __name__ == "__main__":
    import jax
    _d = setup_inputs()
    print(jax.jit(kernel)(*tuple(_d.values())))

</pallas_src>

<mosaic_0001>
#map = affine_map<(d0, d1) -> (0, 0, 0)>
#map1 = affine_map<(d0, d1) -> (0, 0)>
#map2 = affine_map<(d0, d1) -> (0, 0, 0, 0)>
module attributes {stable_mosaic.version = 14 : i64} {
  func.func @_gather_kernel(%arg0: i32, %arg1: i32, %arg2: memref<32x800x32xi32, #tpu.memory_space<hbm>>, %arg3: memref<1000000x64xf32, #tpu.memory_space<hbm>>, %arg4: memref<32x50x512x64xf32, #tpu.memory_space<hbm>>, %arg5: memref<800x32xi32, #tpu.memory_space<vmem>>, %arg6: memref<2x512x64xf32, #tpu.memory_space<vmem>>, %arg7: memref<2x!tpu.dma_semaphore, #tpu.memory_space<semaphore_mem>>, %arg8: memref<2x!tpu.dma_semaphore, #tpu.memory_space<semaphore_mem>>) attributes {dimension_semantics = [#tpu.dimension_semantics<core_parallel>, #tpu.dimension_semantics<subcore_parallel>], iteration_bounds = array<i64: 2, 16>, scalar_prefetch = 0 : i64, scratch_operands = 4 : i64, tpu.core_type = #tpu.core_type<sc_vector_subcore>, window_params = [{transform_indices = #map}, {transform_indices = #map1}, {transform_indices = #map2}]} {
    %mul3A = arith.constant 2 : i32
    %mul3A_0 = arith.muli %arg1, %mul3A : i32
    %add3A = arith.addi %mul3A_0, %arg0 : i32
    "tpu.region"() ({
      %run_scoped3A = tpu.sem_alloc : memref<!tpu.dma_semaphore, #tpu.memory_space<semaphore_mem>>
      %dma_start3A_605 = arith.constant 0 : i32
      %dma_start3A_606 = arith.constant 0 : i32
      %dma_start3A_607 = tpu.memref_slice %arg2[%add3A, %dma_start3A_605, %dma_start3A_606] : memref<32x800x32xi32, #tpu.memory_space<hbm>> -> memref<1x800x32xi32, #tpu.memory_space<hbm>>
      %dma_start3A_608 = tpu.memref_squeeze %dma_start3A_607 : memref<1x800x32xi32, #tpu.memory_space<hbm>> -> memref<800x32xi32, #tpu.memory_space<hbm>>
      %dma_start3A_609 = arith.constant 0 : i32
      %dma_start3A_610 = arith.constant 0 : i32
      %dma_start3A_611 = tpu.memref_slice %arg2[%add3A, %dma_start3A_609, %dma_start3A_610] : memref<32x800x32xi32, #tpu.memory_space<hbm>> -> memref<1x800x32xi32, #tpu.memory_space<hbm>>
      %dma_start3A_612 = tpu.memref_squeeze %dma_start3A_611 : memref<1x800x32xi32, #tpu.memory_space<hbm>> -> memref<800x32xi32, #tpu.memory_space<hbm>>
      tpu.enqueue_dma source(%dma_start3A_612 : memref<800x32xi32, #tpu.memory_space<hbm>>) target(%arg5 : memref<800x32xi32, #tpu.memory_space<vmem>>) target_semaphore(%run_scoped3A : memref<!tpu.dma_semaphore, #tpu.memory_space<semaphore_mem>>)
      %dma_wait3A_613 = arith.constant 0 : i32
      %dma_wait3A_614 = arith.constant 0 : i32
      %dma_wait3A_615 = tpu.memref_slice %arg2[%add3A, %dma_wait3A_613, %dma_wait3A_614] : memref<32x800x32xi32, #tpu.memory_space<hbm>> -> memref<1x800x32xi32, #tpu.memory_space<hbm>>
      %dma_wait3A_616 = tpu.memref_squeeze %dma_wait3A_615 : memref<1x800x32xi32, #tpu.memory_space<hbm>> -> memref<800x32xi32, #tpu.memory_space<hbm>>
      %dma_wait3A_617 = arith.constant 0 : i32
      %dma_wait3A_618 = arith.constant 0 : i32
      %dma_wait3A_619 = tpu.memref_slice %arg2[%add3A, %dma_wait3A_617, %dma_wait3A_618] : memref<32x800x32xi32, #tpu.memory_space<hbm>> -> memref<1x800x32xi32, #tpu.memory_space<hbm>>
      %dma_wait3A_620 = tpu.memref_squeeze %dma_wait3A_619 : memref<1x800x32xi32, #tpu.memory_space<hbm>> -> memref<800x32xi32, #tpu.memory_space<hbm>>
      tpu.wait_dma2 semaphore(%run_scoped3A : memref<!tpu.dma_semaphore, #tpu.memory_space<semaphore_mem>>) src(%dma_wait3A_620 : memref<800x32xi32, #tpu.memory_space<hbm>>) dst(%arg5 : memref<800x32xi32, #tpu.memory_space<vmem>>)
      tpu.yield
    }) : () -> ()
    %dma_start3A = arith.constant 0 : i32
    %dma_start3A_1 = arith.constant 0 : i32
    %dma_start3A_2 = arith.constant 0 : i32
    %dma_start3A_3 = arith.constant 0 : i32
    %dma_start3A_4 = arith.constant 0 : i32
    %dma_start3A_5 = tpu.memref_slice %arg6[%dma_start3A_1, %dma_start3A_3, %dma_start3A_4] : memref<2x512x64xf32, #tpu.memory_space<vmem>> -> memref<1x32x64xf32, #tpu.memory_space<vmem>>
    %dma_start3A_6 = tpu.memref_squeeze %dma_start3A_5 : memref<1x32x64xf32, #tpu.memory_space<vmem>> -> memref<32x64xf32, #tpu.memory_space<vmem>>
    %dma_start3A_7 = arith.constant 0 : i32
    %dma_start3A_8 = tpu.memref_slice %arg5[%dma_start3A, %dma_start3A_7] : memref<800x32xi32, #tpu.memory_space<vmem>> -> memref<1x32xi32, #tpu.memory_space<vmem>>
    %dma_start3A_9 = tpu.memref_squeeze %dma_start3A_8 : memref<1x32xi32, #tpu.memory_space<vmem>> -> memref<32xi32, #tpu.memory_space<vmem>>
    %dma_start3A_10 = arith.constant 0 : i32
    %dma_start3A_11 = arith.constant 0 : i32
    %dma_start3A_12 = tpu.memref_slice %arg3[%dma_start3A_10, %dma_start3A_11] : memref<1000000x64xf32, #tpu.memory_space<hbm>> -> memref<1000000x64xf32, #tpu.memory_space<hbm>>
    %dma_start3A_13 = tpu.memref_slice %arg7[%dma_start3A_2] : memref<2x!tpu.dma_semaphore, #tpu.memory_space<semaphore_mem>> -> memref<1x!tpu.dma_semaphore, #tpu.memory_space<semaphore_mem>>
    %dma_start3A_14 = tpu.memref_squeeze %dma_start3A_13 : memref<1x!tpu.dma_semaphore, #tpu.memory_space<semaphore_mem>> -> memref<!tpu.dma_semaphore, #tpu.memory_space<semaphore_mem>>
    tpu.enqueue_indirect_dma source(%dma_start3A_12 : memref<1000000x64xf32, #tpu.memory_space<hbm>>) target(%dma_start3A_6 : memref<32x64xf32, #tpu.memory_space<vmem>>) offsets(%dma_start3A_9 : memref<32xi32, #tpu.memory_space<vmem>>) semaphore(%dma_start3A_14 : memref<!tpu.dma_semaphore, #tpu.memory_space<semaphore_mem>>)
    %dma_start3A_15 = arith.constant 1 : i32
    %dma_start3A_16 = arith.constant 0 : i32
    %dma_start3A_17 = arith.constant 0 : i32
    %dma_start3A_18 = arith.constant 32 : i32
    %dma_start3A_19 = arith.constant 0 : i32
    %dma_start3A_20 = tpu.memref_slice %arg6[%dma_start3A_16, %dma_start3A_18, %dma_start3A_19] : memref<2x512x64xf32, #tpu.memory_space<vmem>> -> memref<1x32x64xf32, #tpu.memory_space<vmem>>
    %dma_start3A_21 = tpu.memref_squeeze %dma_start3A_20 : memref<1x32x64xf32, #tpu.memory_space<vmem>> -> memref<32x64xf32, #tpu.memory_space<vmem>>
    %dma_start3A_22 = arith.constant 0 : i32
    %dma_start3A_23 = tpu.memref_slice %arg5[%dma_start3A_15, %dma_start3A_22] : memref<800x32xi32, #tpu.memory_space<vmem>> -> memref<1x32xi32, #tpu.memory_space<vmem>>
    %dma_start3A_24 = tpu.memref_squeeze %dma_start3A_23 : memref<1x32xi32, #tpu.memory_space<vmem>> -> memref<32xi32, #tpu.memory_space<vmem>>
    %dma_start3A_25 = arith.constant 0 : i32
    %dma_start3A_26 = arith.constant 0 : i32
    %dma_start3A_27 = tpu.memref_slice %arg3[%dma_start3A_25, %dma_start3A_26] : memref<1000000x64xf32, #tpu.memory_space<hbm>> -> memref<1000000x64xf32, #tpu.memory_space<hbm>>
    %dma_start3A_28 = tpu.memref_slice %arg7[%dma_start3A_17] : memref<2x!tpu.dma_semaphore, #tpu.memory_space<semaphore_mem>> -> memref<1x!tpu.dma_semaphore, #tpu.memory_space<semaphore_mem>>
    %dma_start3A_29 = tpu.memref_squeeze %dma_start3A_28 : memref<1x!tpu.dma_semaphore, #tpu.memory_space<semaphore_mem>> -> memref<!tpu.dma_semaphore, #tpu.memory_space<semaphore_mem>>
    tpu.enqueue_indirect_dma source(%dma_start3A_27 : memref<1000000x64xf32, #tpu.memory_space<hbm>>) target(%dma_start3A_21 : memref<32x64xf32, #tpu.memory_space<vmem>>) offsets(%dma_start3A_24 : memref<32xi32, #tpu.memory_space<vmem>>) semaphore(%dma_start3A_29 : memref<!tpu.dma_semaphore, #tpu.memory_space<semaphore_mem>>)
    %dma_start3A_30 = arith.constant 2 : i32
    %dma_start3A_31 = arith.constant 0 : i32
    %dma_start3A_32 = arith.constant 0 : i32
    %dma_start3A_33 = arith.constant 64 : i32
    %dma_start3A_34 = arith.constant 0 : i32
    %dma_start3A_35 = tpu.memref_slice %arg6[%dma_start3A_31, %dma_start3A_33, %dma_start3A_34] : memref<2x512x64xf32, #tpu.memory_space<vmem>> -> memref<1x32x64xf32, #tpu.memory_space<vmem>>
    %dma_start3A_36 = tpu.memref_squeeze %dma_start3A_35 : memref<1x32x64xf32, #tpu.memory_space<vmem>> -> memref<32x64xf32, #tpu.memory_space<vmem>>
    %dma_start3A_37 = arith.constant 0 : i32
    %dma_start3A_38 = tpu.memref_slice %arg5[%dma_start3A_30, %dma_start3A_37] : memref<800x32xi32, #tpu.memory_space<vmem>> -> memref<1x32xi32, #tpu.memory_space<vmem>>
    %dma_start3A_39 = tpu.memref_squeeze %dma_start3A_38 : memref<1x32xi32, #tpu.memory_space<vmem>> -> memref<32xi32, #tpu.memory_space<vmem>>
    %dma_start3A_40 = arith.constant 0 : i32
    %dma_start3A_41 = arith.constant 0 : i32
    %dma_start3A_42 = tpu.memref_slice %arg3[%dma_start3A_40, %dma_start3A_41] : memref<1000000x64xf32, #tpu.memory_space<hbm>> -> memref<1000000x64xf32, #tpu.memory_space<hbm>>
    %dma_start3A_43 = tpu.memref_slice %arg7[%dma_start3A_32] : memref<2x!tpu.dma_semaphore, #tpu.memory_space<semaphore_mem>> -> memref<1x!tpu.dma_semaphore, #tpu.memory_space<semaphore_mem>>
    %dma_start3A_44 = tpu.memref_squeeze %dma_start3A_43 : memref<1x!tpu.dma_semaphore, #tpu.memory_space<semaphore_mem>> -> memref<!tpu.dma_semaphore, #tpu.memory_space<semaphore_mem>>
    tpu.enqueue_indirect_dma source(%dma_start3A_42 : memref<1000000x64xf32, #tpu.memory_space<hbm>>) target(%dma_start3A_36 : memref<32x64xf32, #tpu.memory_space<vmem>>) offsets(%dma_start3A_39 : memref<32xi32, #tpu.memory_space<vmem>>) semaphore(%dma_start3A_44 : memref<!tpu.dma_semaphore, #tpu.memory_space<semaphore_mem>>)
    %dma_start3A_45 = arith.constant 3 : i32
    %dma_start3A_46 = arith.constant 0 : i32
    %dma_start3A_47 = arith.constant 0 : i32
    %dma_start3A_48 = arith.constant 96 : i32
    %dma_start3A_49 = arith.constant 0 : i32
    %dma_start3A_50 = tpu.memref_slice %arg6[%dma_start3A_46, %dma_start3A_48, %dma_start3A_49] : memref<2x512x64xf32, #tpu.memory_space<vmem>> -> memref<1x32x64xf32, #tpu.memory_space<vmem>>
    %dma_start3A_51 = tpu.memref_squeeze %dma_start3A_50 : memref<1x32x64xf32, #tpu.memory_space<vmem>> -> memref<32x64xf32, #tpu.memory_space<vmem>>
    %dma_start3A_52 = arith.constant 0 : i32
    %dma_start3A_53 = tpu.memref_slice %arg5[%dma_start3A_45, %dma_start3A_52] : memref<800x32xi32, #tpu.memory_space<vmem>> -> memref<1x32xi32, #tpu.memory_space<vmem>>
    %dma_start3A_54 = tpu.memref_squeeze %dma_start3A_53 : memref<1x32xi32, #tpu.memory_space<vmem>> -> memref<32xi32, #tpu.memory_space<vmem>>
    %dma_start3A_55 = arith.constant 0 : i32
    %dma_start3A_56 = arith.constant 0 : i32
    %dma_start3A_57 = tpu.memref_slice %arg3[%dma_start3A_55, %dma_start3A_56] : memref<1000000x64xf32, #tpu.memory_space<hbm>> -> memref<1000000x64xf32, #tpu.memory_space<hbm>>
    %dma_start3A_58 = tpu.memref_slice %arg7[%dma_start3A_47] : memref<2x!tpu.dma_semaphore, #tpu.memory_space<semaphore_mem>> -> memref<1x!tpu.dma_semaphore, #tpu.memory_space<semaphore_mem>>
    %dma_start3A_59 = tpu.memref_squeeze %dma_start3A_58 : memref<1x!tpu.dma_semaphore, #tpu.memory_space<semaphore_mem>> -> memref<!tpu.dma_semaphore, #tpu.memory_space<semaphore_mem>>
    tpu.enqueue_indirect_dma source(%dma_start3A_57 : memref<1000000x64xf32, #tpu.memory_space<hbm>>) target(%dma_start3A_51 : memref<32x64xf32, #tpu.memory_space<vmem>>) offsets(%dma_start3A_54 : memref<32xi32, #tpu.memory_space<vmem>>) semaphore(%dma_start3A_59 : memref<!tpu.dma_semaphore, #tpu.memory_space<semaphore_mem>>)
    %dma_start3A_60 = arith.constant 4 : i32
    %dma_start3A_61 = arith.constant 0 : i32
    %dma_start3A_62 = arith.constant 0 : i32
    %dma_start3A_63 = arith.constant 128 : i32
    %dma_start3A_64 = arith.constant 0 : i32
    %dma_start3A_65 = tpu.memref_slice %arg6[%dma_start3A_61, %dma_start3A_63, %dma_start3A_64] : memref<2x512x64xf32, #tpu.memory_space<vmem>> -> memref<1x32x64xf32, #tpu.memory_space<vmem>>
    %dma_start3A_66 = tpu.memref_squeeze %dma_start3A_65 : memref<1x32x64xf32, #tpu.memory_space<vmem>> -> memref<32x64xf32, #tpu.memory_space<vmem>>
    %dma_start3A_67 = arith.constant 0 : i32
    %dma_start3A_68 = tpu.memref_slice %arg5[%dma_start3A_60, %dma_start3A_67] : memref<800x32xi32, #tpu.memory_space<vmem>> -> memref<1x32xi32, #tpu.memory_space<vmem>>
    %dma_start3A_69 = tpu.memref_squeeze %dma_start3A_68 : memref<1x32xi32, #tpu.memory_space<vmem>> -> memref<32xi32, #tpu.memory_space<vmem>>
    %dma_start3A_70 = arith.constant 0 : i32
    %dma_start3A_71 = arith.constant 0 : i32
    %dma_start3A_72 = tpu.memref_slice %arg3[%dma_start3A_70, %dma_start3A_71] : memref<1000000x64xf32, #tpu.memory_space<hbm>> -> memref<1000000x64xf32, #tpu.memory_space<hbm>>
    %dma_start3A_73 = tpu.memref_slice %arg7[%dma_start3A_62] : memref<2x!tpu.dma_semaphore, #tpu.memory_space<semaphore_mem>> -> memref<1x!tpu.dma_semaphore, #tpu.memory_space<semaphore_mem>>
    %dma_start3A_74 = tpu.memref_squeeze %dma_start3A_73 : memref<1x!tpu.dma_semaphore, #tpu.memory_space<semaphore_mem>> -> memref<!tpu.dma_semaphore, #tpu.memory_space<semaphore_mem>>
    tpu.enqueue_indirect_dma source(%dma_start3A_72 : memref<1000000x64xf32, #tpu.memory_space<hbm>>) target(%dma_start3A_66 : memref<32x64xf32, #tpu.memory_space<vmem>>) offsets(%dma_start3A_69 : memref<32xi32, #tpu.memory_space<vmem>>) semaphore(%dma_start3A_74 : memref<!tpu.dma_semaphore, #tpu.memory_space<semaphore_mem>>)
    %dma_start3A_75 = arith.constant 5 : i32
    %dma_start3A_76 = arith.constant 0 : i32
    %dma_start3A_77 = arith.constant 0 : i32
    %dma_start3A_78 = arith.constant 160 : i32
    %dma_start3A_79 = arith.constant 0 : i32
    %dma_start3A_80 = tpu.memref_slice %arg6[%dma_start3A_76, %dma_start3A_78, %dma_start3A_79] : memref<2x512x64xf32, #tpu.memory_space<vmem>> -> memref<1x32x64xf32, #tpu.memory_space<vmem>>
    %dma_start3A_81 = tpu.memref_squeeze %dma_start3A_80 : memref<1x32x64xf32, #tpu.memory_space<vmem>> -> memref<32x64xf32, #tpu.memory_space<vmem>>
    %dma_start3A_82 = arith.constant 0 : i32
    %dma_start3A_83 = tpu.memref_slice %arg5[%dma_start3A_75, %dma_start3A_82] : memref<800x32xi32, #tpu.memory_space<vmem>> -> memref<1x32xi32, #tpu.memory_space<vmem>>
    %dma_start3A_84 = tpu.memref_squeeze %dma_start3A_83 : memref<1x32xi32, #tpu.memory_space<vmem>> -> memref<32xi32, #tpu.memory_space<vmem>>
    %dma_start3A_85 = arith.constant 0 : i32
    %dma_start3A_86 = arith.constant 0 : i32
    %dma_start3A_87 = tpu.memref_slice %arg3[%dma_start3A_85, %dma_start3A_86] : memref<1000000x64xf32, #tpu.memory_space<hbm>> -> memref<1000000x64xf32, #tpu.memory_space<hbm>>
    %dma_start3A_88 = tpu.memref_slice %arg7[%dma_start3A_77] : memref<2x!tpu.dma_semaphore, #tpu.memory_space<semaphore_mem>> -> memref<1x!tpu.dma_semaphore, #tpu.memory_space<semaphore_mem>>
    %dma_start3A_89 = tpu.memref_squeeze %dma_start3A_88 : memref<1x!tpu.dma_semaphore, #tpu.memory_space<semaphore_mem>> -> memref<!tpu.dma_semaphore, #tpu.memory_space<semaphore_mem>>
    tpu.enqueue_indirect_dma source(%dma_start3A_87 : memref<1000000x64xf32, #tpu.memory_space<hbm>>) target(%dma_start3A_81 : memref<32x64xf32, #tpu.memory_space<vmem>>) offsets(%dma_start3A_84 : memref<32xi32, #tpu.memory_space<vmem>>) semaphore(%dma_start3A_89 : memref<!tpu.dma_semaphore, #tpu.memory_space<semaphore_mem>>)
    %dma_start3A_90 = arith.constant 6 : i32
    %dma_start3A_91 = arith.constant 0 : i32
    %dma_start3A_92 = arith.constant 0 : i32
    %dma_start3A_93 = arith.constant 192 : i32
    %dma_start3A_94 = arith.constant 0 : i32
    %dma_start3A_95 = tpu.memref_slice %arg6[%dma_start3A_91, %dma_start3A_93, %dma_start3A_94] : memref<2x512x64xf32, #tpu.memory_space<vmem>> -> memref<1x32x64xf32, #tpu.memory_space<vmem>>
    %dma_start3A_96 = tpu.memref_squeeze %dma_start3A_95 : memref<1x32x64xf32, #tpu.memory_space<vmem>> -> memref<32x64xf32, #tpu.memory_space<vmem>>
    %dma_start3A_97 = arith.constant 0 : i32
    %dma_start3A_98 = tpu.memref_slice %arg5[%dma_start3A_90, %dma_start3A_97] : memref<800x32xi32, #tpu.memory_space<vmem>> -> memref<1x32xi32, #tpu.memory_space<vmem>>
    %dma_start3A_99 = tpu.memref_squeeze %dma_start3A_98 : memref<1x32xi32, #tpu.memory_space<vmem>> -> memref<32xi32, #tpu.memory_space<vmem>>
    %dma_start3A_100 = arith.constant 0 : i32
    %dma_start3A_101 = arith.constant 0 : i32
    %dma_start3A_102 = tpu.memref_slice %arg3[%dma_start3A_100, %dma_start3A_101] : memref<1000000x64xf32, #tpu.memory_space<hbm>> -> memref<1000000x64xf32, #tpu.memory_space<hbm>>
    %dma_start3A_103 = tpu.memref_slice %arg7[%dma_start3A_92] : memref<2x!tpu.dma_semaphore, #tpu.memory_space<semaphore_mem>> -> memref<1x!tpu.dma_semaphore, #tpu.memory_space<semaphore_mem>>
    %dma_start3A_104 = tpu.memref_squeeze %dma_start3A_103 : memref<1x!tpu.dma_semaphore, #tpu.memory_space<semaphore_mem>> -> memref<!tpu.dma_semaphore, #tpu.memory_space<semaphore_mem>>
    tpu.enqueue_indirect_dma source(%dma_start3A_102 : memref<1000000x64xf32, #tpu.memory_space<hbm>>) target(%dma_start3A_96 : memref<32x64xf32, #tpu.memory_space<vmem>>) offsets(%dma_start3A_99 : memref<32xi32, #tpu.memory_space<vmem>>) semaphore(%dma_start3A_104 : memref<!tpu.dma_semaphore, #tpu.memory_space<semaphore_mem>>)
    %dma_start3A_105 = arith.constant 7 : i32
    %dma_start3A_106 = arith.constant 0 : i32
    %dma_start3A_107 = arith.constant 0 : i32
    %dma_start3A_108 = arith.constant 224 : i32
    %dma_start3A_109 = arith.constant 0 : i32
    %dma_start3A_110 = tpu.memref_slice %arg6[%dma_start3A_106, %dma_start3A_108, %dma_start3A_109] : memref<2x512x64xf32, #tpu.memory_space<vmem>> -> memref<1x32x64xf32, #tpu.memory_space<vmem>>
    %dma_start3A_111 = tpu.memref_squeeze %dma_start3A_110 : memref<1x32x64xf32, #tpu.memory_space<vmem>> -> memref<32x64xf32, #tpu.memory_space<vmem>>
    %dma_start3A_112 = arith.constant 0 : i32
    %dma_start3A_113 = tpu.memref_slice %arg5[%dma_start3A_105, %dma_start3A_112] : memref<800x32xi32, #tpu.memory_space<vmem>> -> memref<1x32xi32, #tpu.memory_space<vmem>>
    %dma_start3A_114 = tpu.memref_squeeze %dma_start3A_113 : memref<1x32xi32, #tpu.memory_space<vmem>> -> memref<32xi32, #tpu.memory_space<vmem>>
    %dma_start3A_115 = arith.constant 0 : i32
    %dma_start3A_116 = arith.constant 0 : i32
    %dma_start3A_117 = tpu.memref_slice %arg3[%dma_start3A_115, %dma_start3A_116] : memref<1000000x64xf32, #tpu.memory_space<hbm>> -> memref<1000000x64xf32, #tpu.memory_space<hbm>>
    %dma_start3A_118 = tpu.memref_slice %arg7[%dma_start3A_107] : memref<2x!tpu.dma_semaphore, #tpu.memory_space<semaphore_mem>> -> memref<1x!tpu.dma_semaphore, #tpu.memory_space<semaphore_mem>>
    %dma_start3A_119 = tpu.memref_squeeze %dma_start3A_118 : memref<1x!tpu.dma_semaphore, #tpu.memory_space<semaphore_mem>> -> memref<!tpu.dma_semaphore, #tpu.memory_space<semaphore_mem>>
    tpu.enqueue_indirect_dma source(%dma_start3A_117 : memref<1000000x64xf32, #tpu.memory_space<hbm>>) target(%dma_start3A_111 : memref<32x64xf32, #tpu.memory_space<vmem>>) offsets(%dma_start3A_114 : memref<32xi32, #tpu.memory_space<vmem>>) semaphore(%dma_start3A_119 : memref<!tpu.dma_semaphore, #tpu.memory_space<semaphore_mem>>)
    %dma_start3A_120 = arith.constant 8 : i32
    %dma_start3A_121 = arith.constant 0 : i32
    %dma_start3A_122 = arith.constant 0 : i32
    %dma_start3A_123 = arith.constant 256 : i32
    %dma_start3A_124 = arith.constant 0 : i32
    %dma_start3A_125 = tpu.memref_slice %arg6[%dma_start3A_121, %dma_start3A_123, %dma_start3A_124] : memref<2x512x64xf32, #tpu.memory_space<vmem>> -> memref<1x32x64xf32, #tpu.memory_space<vmem>>
    %dma_start3A_126 = tpu.memref_squeeze %dma_start3A_125 : memref<1x32x64xf32, #tpu.memory_space<vmem>> -> memref<32x64xf32, #tpu.memory_space<vmem>>
    %dma_start3A_127 = arith.constant 0 : i32
    %dma_start3A_128 = tpu.memref_slice %arg5[%dma_start3A_120, %dma_start3A_127] : memref<800x32xi32, #tpu.memory_space<vmem>> -> memref<1x32xi32, #tpu.memory_space<vmem>>
    %dma_start3A_129 = tpu.memref_squeeze %dma_start3A_128 : memref<1x32xi32, #tpu.memory_space<vmem>> -> memref<32xi32, #tpu.memory_space<vmem>>
    %dma_start3A_130 = arith.constant 0 : i32
    %dma_start3A_131 = arith.constant 0 : i32
    %dma_start3A_132 = tpu.memref_slice %arg3[%dma_start3A_130, %dma_start3A_131] : memref<1000000x64xf32, #tpu.memory_space<hbm>> -> memref<1000000x64xf32, #tpu.memory_space<hbm>>
    %dma_start3A_133 = tpu.memref_slice %arg7[%dma_start3A_122] : memref<2x!tpu.dma_semaphore, #tpu.memory_space<semaphore_mem>> -> memref<1x!tpu.dma_semaphore, #tpu.memory_space<semaphore_mem>>
    %dma_start3A_134 = tpu.memref_squeeze %dma_start3A_133 : memref<1x!tpu.dma_semaphore, #tpu.memory_space<semaphore_mem>> -> memref<!tpu.dma_semaphore, #tpu.memory_space<semaphore_mem>>
    tpu.enqueue_indirect_dma source(%dma_start3A_132 : memref<1000000x64xf32, #tpu.memory_space<hbm>>) target(%dma_start3A_126 : memref<32x64xf32, #tpu.memory_space<vmem>>) offsets(%dma_start3A_129 : memref<32xi32, #tpu.memory_space<vmem>>) semaphore(%dma_start3A_134 : memref<!tpu.dma_semaphore, #tpu.memory_space<semaphore_mem>>)
    %dma_start3A_135 = arith.constant 9 : i32
    %dma_start3A_136 = arith.constant 0 : i32
    %dma_start3A_137 = arith.constant 0 : i32
    %dma_start3A_138 = arith.constant 288 : i32
    %dma_start3A_139 = arith.constant 0 : i32
    %dma_start3A_140 = tpu.memref_slice %arg6[%dma_start3A_136, %dma_start3A_138, %dma_start3A_139] : memref<2x512x64xf32, #tpu.memory_space<vmem>> -> memref<1x32x64xf32, #tpu.memory_space<vmem>>
    %dma_start3A_141 = tpu.memref_squeeze %dma_start3A_140 : memref<1x32x64xf32, #tpu.memory_space<vmem>> -> memref<32x64xf32, #tpu.memory_space<vmem>>
    %dma_start3A_142 = arith.constant 0 : i32
    %dma_start3A_143 = tpu.memref_slice %arg5[%dma_start3A_135, %dma_start3A_142] : memref<800x32xi32, #tpu.memory_space<vmem>> -> memref<1x32xi32, #tpu.memory_space<vmem>>
    %dma_start3A_144 = tpu.memref_squeeze %dma_start3A_143 : memref<1x32xi32, #tpu.memory_space<vmem>> -> memref<32xi32, #tpu.memory_space<vmem>>
    %dma_start3A_145 = arith.constant 0 : i32
    %dma_start3A_146 = arith.constant 0 : i32
    %dma_start3A_147 = tpu.memref_slice %arg3[%dma_start3A_145, %dma_start3A_146] : memref<1000000x64xf32, #tpu.memory_space<hbm>> -> memref<1000000x64xf32, #tpu.memory_space<hbm>>
    %dma_start3A_148 = tpu.memref_slice %arg7[%dma_start3A_137] : memref<2x!tpu.dma_semaphore, #tpu.memory_space<semaphore_mem>> -> memref<1x!tpu.dma_semaphore, #tpu.memory_space<semaphore_mem>>
    %dma_start3A_149 = tpu.memref_squeeze %dma_start3A_148 : memref<1x!tpu.dma_semaphore, #tpu.memory_space<semaphore_mem>> -> memref<!tpu.dma_semaphore, #tpu.memory_space<semaphore_mem>>
    tpu.enqueue_indirect_dma source(%dma_start3A_147 : memref<1000000x64xf32, #tpu.memory_space<hbm>>) target(%dma_start3A_141 : memref<32x64xf32, #tpu.memory_space<vmem>>) offsets(%dma_start3A_144 : memref<32xi32, #tpu.memory_space<vmem>>) semaphore(%dma_start3A_149 : memref<!tpu.dma_semaphore, #tpu.memory_space<semaphore_mem>>)
    %dma_start3A_150 = arith.constant 10 : i32
    %dma_start3A_151 = arith.constant 0 : i32
    %dma_start3A_152 = arith.constant 0 : i32
    %dma_start3A_153 = arith.constant 320 : i32
    %dma_start3A_154 = arith.constant 0 : i32
    %dma_start3A_155 = tpu.memref_slice %arg6[%dma_start3A_151, %dma_start3A_153, %dma_start3A_154] : memref<2x512x64xf32, #tpu.memory_space<vmem>> -> memref<1x32x64xf32, #tpu.memory_space<vmem>>
    %dma_start3A_156 = tpu.memref_squeeze %dma_start3A_155 : memref<1x32x64xf32, #tpu.memory_space<vmem>> -> memref<32x64xf32, #tpu.memory_space<vmem>>
    %dma_start3A_157 = arith.constant 0 : i32
    %dma_start3A_158 = tpu.memref_slice %arg5[%dma_start3A_150, %dma_start3A_157] : memref<800x32xi32, #tpu.memory_space<vmem>> -> memref<1x32xi32, #tpu.memory_space<vmem>>
    %dma_start3A_159 = tpu.memref_squeeze %dma_start3A_158 : memref<1x32xi32, #tpu.memory_space<vmem>> -> memref<32xi32, #tpu.memory_space<vmem>>
    %dma_start3A_160 = arith.constant 0 : i32
    %dma_start3A_161 = arith.constant 0 : i32
    %dma_start3A_162 = tpu.memref_slice %arg3[%dma_start3A_160, %dma_start3A_161] : memref<1000000x64xf32, #tpu.memory_space<hbm>> -> memref<1000000x64xf32, #tpu.memory_space<hbm>>
    %dma_start3A_163 = tpu.memref_slice %arg7[%dma_start3A_152] : memref<2x!tpu.dma_semaphore, #tpu.memory_space<semaphore_mem>> -> memref<1x!tpu.dma_semaphore, #tpu.memory_space<semaphore_mem>>
    %dma_start3A_164 = tpu.memref_squeeze %dma_start3A_163 : memref<1x!tpu.dma_semaphore, #tpu.memory_space<semaphore_mem>> -> memref<!tpu.dma_semaphore, #tpu.memory_space<semaphore_mem>>
    tpu.enqueue_indirect_dma source(%dma_start3A_162 : memref<1000000x64xf32, #tpu.memory_space<hbm>>) target(%dma_start3A_156 : memref<32x64xf32, #tpu.memory_space<vmem>>) offsets(%dma_start3A_159 : memref<32xi32, #tpu.memory_space<vmem>>) semaphore(%dma_start3A_164 : memref<!tpu.dma_semaphore, #tpu.memory_space<semaphore_mem>>)
    %dma_start3A_165 = arith.constant 11 : i32
    %dma_start3A_166 = arith.constant 0 : i32
    %dma_start3A_167 = arith.constant 0 : i32
    %dma_start3A_168 = arith.constant 352 : i32
    %dma_start3A_169 = arith.constant 0 : i32
    %dma_start3A_170 = tpu.memref_slice %arg6[%dma_start3A_166, %dma_start3A_168, %dma_start3A_169] : memref<2x512x64xf32, #tpu.memory_space<vmem>> -> memref<1x32x64xf32, #tpu.memory_space<vmem>>
    %dma_start3A_171 = tpu.memref_squeeze %dma_start3A_170 : memref<1x32x64xf32, #tpu.memory_space<vmem>> -> memref<32x64xf32, #tpu.memory_space<vmem>>
    %dma_start3A_172 = arith.constant 0 : i32
    %dma_start3A_173 = tpu.memref_slice %arg5[%dma_start3A_165, %dma_start3A_172] : memref<800x32xi32, #tpu.memory_space<vmem>> -> memref<1x32xi32, #tpu.memory_space<vmem>>
    %dma_start3A_174 = tpu.memref_squeeze %dma_start3A_173 : memref<1x32xi32, #tpu.memory_space<vmem>> -> memref<32xi32, #tpu.memory_space<vmem>>
    %dma_start3A_175 = arith.constant 0 : i32
    %dma_start3A_176 = arith.constant 0 : i32
    %dma_start3A_177 = tpu.memref_slice %arg3[%dma_start3A_175, %dma_start3A_176] : memref<1000000x64xf32, #tpu.memory_space<hbm>> -> memref<1000000x64xf32, #tpu.memory_space<hbm>>
    %dma_start3A_178 = tpu.memref_slice %arg7[%dma_start3A_167] : memref<2x!tpu.dma_semaphore, #tpu.memory_space<semaphore_mem>> -> memref<1x!tpu.dma_semaphore, #tpu.memory_space<semaphore_mem>>
    %dma_start3A_179 = tpu.memref_squeeze %dma_start3A_178 : memref<1x!tpu.dma_semaphore, #tpu.memory_space<semaphore_mem>> -> memref<!tpu.dma_semaphore, #tpu.memory_space<semaphore_mem>>
    tpu.enqueue_indirect_dma source(%dma_start3A_177 : memref<1000000x64xf32, #tpu.memory_space<hbm>>) target(%dma_start3A_171 : memref<32x64xf32, #tpu.memory_space<vmem>>) offsets(%dma_start3A_174 : memref<32xi32, #tpu.memory_space<vmem>>) semaphore(%dma_start3A_179 : memref<!tpu.dma_semaphore, #tpu.memory_space<semaphore_mem>>)
    %dma_start3A_180 = arith.constant 12 : i32
    %dma_start3A_181 = arith.constant 0 : i32
    %dma_start3A_182 = arith.constant 0 : i32
    %dma_start3A_183 = arith.constant 384 : i32
    %dma_start3A_184 = arith.constant 0 : i32
    %dma_start3A_185 = tpu.memref_slice %arg6[%dma_start3A_181, %dma_start3A_183, %dma_start3A_184] : memref<2x512x64xf32, #tpu.memory_space<vmem>> -> memref<1x32x64xf32, #tpu.memory_space<vmem>>
    %dma_start3A_186 = tpu.memref_squeeze %dma_start3A_185 : memref<1x32x64xf32, #tpu.memory_space<vmem>> -> memref<32x64xf32, #tpu.memory_space<vmem>>
    %dma_start3A_187 = arith.constant 0 : i32
    %dma_start3A_188 = tpu.memref_slice %arg5[%dma_start3A_180, %dma_start3A_187] : memref<800x32xi32, #tpu.memory_space<vmem>> -> memref<1x32xi32, #tpu.memory_space<vmem>>
    %dma_start3A_189 = tpu.memref_squeeze %dma_start3A_188 : memref<1x32xi32, #tpu.memory_space<vmem>> -> memref<32xi32, #tpu.memory_space<vmem>>
    %dma_start3A_190 = arith.constant 0 : i32
    %dma_start3A_191 = arith.constant 0 : i32
    %dma_start3A_192 = tpu.memref_slice %arg3[%dma_start3A_190, %dma_start3A_191] : memref<1000000x64xf32, #tpu.memory_space<hbm>> -> memref<1000000x64xf32, #tpu.memory_space<hbm>>
    %dma_start3A_193 = tpu.memref_slice %arg7[%dma_start3A_182] : memref<2x!tpu.dma_semaphore, #tpu.memory_space<semaphore_mem>> -> memref<1x!tpu.dma_semaphore, #tpu.memory_space<semaphore_mem>>
    %dma_start3A_194 = tpu.memref_squeeze %dma_start3A_193 : memref<1x!tpu.dma_semaphore, #tpu.memory_space<semaphore_mem>> -> memref<!tpu.dma_semaphore, #tpu.memory_space<semaphore_mem>>
    tpu.enqueue_indirect_dma source(%dma_start3A_192 : memref<1000000x64xf32, #tpu.memory_space<hbm>>) target(%dma_start3A_186 : memref<32x64xf32, #tpu.memory_space<vmem>>) offsets(%dma_start3A_189 : memref<32xi32, #tpu.memory_space<vmem>>) semaphore(%dma_start3A_194 : memref<!tpu.dma_semaphore, #tpu.memory_space<semaphore_mem>>)
    %dma_start3A_195 = arith.constant 13 : i32
    %dma_start3A_196 = arith.constant 0 : i32
    %dma_start3A_197 = arith.constant 0 : i32
    %dma_start3A_198 = arith.constant 416 : i32
    %dma_start3A_199 = arith.constant 0 : i32
    %dma_start3A_200 = tpu.memref_slice %arg6[%dma_start3A_196, %dma_start3A_198, %dma_start3A_199] : memref<2x512x64xf32, #tpu.memory_space<vmem>> -> memref<1x32x64xf32, #tpu.memory_space<vmem>>
    %dma_start3A_201 = tpu.memref_squeeze %dma_start3A_200 : memref<1x32x64xf32, #tpu.memory_space<vmem>> -> memref<32x64xf32, #tpu.memory_space<vmem>>
    %dma_start3A_202 = arith.constant 0 : i32
    %dma_start3A_203 = tpu.memref_slice %arg5[%dma_start3A_195, %dma_start3A_202] : memref<800x32xi32, #tpu.memory_space<vmem>> -> memref<1x32xi32, #tpu.memory_space<vmem>>
    %dma_start3A_204 = tpu.memref_squeeze %dma_start3A_203 : memref<1x32xi32, #tpu.memory_space<vmem>> -> memref<32xi32, #tpu.memory_space<vmem>>
    %dma_start3A_205 = arith.constant 0 : i32
    %dma_start3A_206 = arith.constant 0 : i32
    %dma_start3A_207 = tpu.memref_slice %arg3[%dma_start3A_205, %dma_start3A_206] : memref<1000000x64xf32, #tpu.memory_space<hbm>> -> memref<1000000x64xf32, #tpu.memory_space<hbm>>
    %dma_start3A_208 = tpu.memref_slice %arg7[%dma_start3A_197] : memref<2x!tpu.dma_semaphore, #tpu.memory_space<semaphore_mem>> -> memref<1x!tpu.dma_semaphore, #tpu.memory_space<semaphore_mem>>
    %dma_start3A_209 = tpu.memref_squeeze %dma_start3A_208 : memref<1x!tpu.dma_semaphore, #tpu.memory_space<semaphore_mem>> -> memref<!tpu.dma_semaphore, #tpu.memory_space<semaphore_mem>>
    tpu.enqueue_indirect_dma source(%dma_start3A_207 : memref<1000000x64xf32, #tpu.memory_space<hbm>>) target(%dma_start3A_201 : memref<32x64xf32, #tpu.memory_space<vmem>>) offsets(%dma_start3A_204 : memref<32xi32, #tpu.memory_space<vmem>>) semaphore(%dma_start3A_209 : memref<!tpu.dma_semaphore, #tpu.memory_space<semaphore_mem>>)
    %dma_start3A_210 = arith.constant 14 : i32
    %dma_start3A_211 = arith.constant 0 : i32
    %dma_start3A_212 = arith.constant 0 : i32
    %dma_start3A_213 = arith.constant 448 : i32
    %dma_start3A_214 = arith.constant 0 : i32
    %dma_start3A_215 = tpu.memref_slice %arg6[%dma_start3A_211, %dma_start3A_213, %dma_start3A_214] : memref<2x512x64xf32, #tpu.memory_space<vmem>> -> memref<1x32x64xf32, #tpu.memory_space<vmem>>
    %dma_start3A_216 = tpu.memref_squeeze %dma_start3A_215 : memref<1x32x64xf32, #tpu.memory_space<vmem>> -> memref<32x64xf32, #tpu.memory_space<vmem>>
    %dma_start3A_217 = arith.constant 0 : i32
    %dma_start3A_218 = tpu.memref_slice %arg5[%dma_start3A_210, %dma_start3A_217] : memref<800x32xi32, #tpu.memory_space<vmem>> -> memref<1x32xi32, #tpu.memory_space<vmem>>
    %dma_start3A_219 = tpu.memref_squeeze %dma_start3A_218 : memref<1x32xi32, #tpu.memory_space<vmem>> -> memref<32xi32, #tpu.memory_space<vmem>>
    %dma_start3A_220 = arith.constant 0 : i32
    %dma_start3A_221 = arith.constant 0 : i32
    %dma_start3A_222 = tpu.memref_slice %arg3[%dma_start3A_220, %dma_start3A_221] : memref<1000000x64xf32, #tpu.memory_space<hbm>> -> memref<1000000x64xf32, #tpu.memory_space<hbm>>
    %dma_start3A_223 = tpu.memref_slice %arg7[%dma_start3A_212] : memref<2x!tpu.dma_semaphore, #tpu.memory_space<semaphore_mem>> -> memref<1x!tpu.dma_semaphore, #tpu.memory_space<semaphore_mem>>
    %dma_start3A_224 = tpu.memref_squeeze %dma_start3A_223 : memref<1x!tpu.dma_semaphore, #tpu.memory_space<semaphore_mem>> -> memref<!tpu.dma_semaphore, #tpu.memory_space<semaphore_mem>>
    tpu.enqueue_indirect_dma source(%dma_start3A_222 : memref<1000000x64xf32, #tpu.memory_space<hbm>>) target(%dma_start3A_216 : memref<32x64xf32, #tpu.memory_space<vmem>>) offsets(%dma_start3A_219 : memref<32xi32, #tpu.memory_space<vmem>>) semaphore(%dma_start3A_224 : memref<!tpu.dma_semaphore, #tpu.memory_space<semaphore_mem>>)
    %dma_start3A_225 = arith.constant 15 : i32
    %dma_start3A_226 = arith.constant 0 : i32
    %dma_start3A_227 = arith.constant 0 : i32
    %dma_start3A_228 = arith.constant 480 : i32
    %dma_start3A_229 = arith.constant 0 : i32
    %dma_start3A_230 = tpu.memref_slice %arg6[%dma_start3A_226, %dma_start3A_228, %dma_start3A_229] : memref<2x512x64xf32, #tpu.memory_space<vmem>> -> memref<1x32x64xf32, #tpu.memory_space<vmem>>
    %dma_start3A_231 = tpu.memref_squeeze %dma_start3A_230 : memref<1x32x64xf32, #tpu.memory_space<vmem>> -> memref<32x64xf32, #tpu.memory_space<vmem>>
    %dma_start3A_232 = arith.constant 0 : i32
    %dma_start3A_233 = tpu.memref_slice %arg5[%dma_start3A_225, %dma_start3A_232] : memref<800x32xi32, #tpu.memory_space<vmem>> -> memref<1x32xi32, #tpu.memory_space<vmem>>
    %dma_start3A_234 = tpu.memref_squeeze %dma_start3A_233 : memref<1x32xi32, #tpu.memory_space<vmem>> -> memref<32xi32, #tpu.memory_space<vmem>>
    %dma_start3A_235 = arith.constant 0 : i32
    %dma_start3A_236 = arith.constant 0 : i32
    %dma_start3A_237 = tpu.memref_slice %arg3[%dma_start3A_235, %dma_start3A_236] : memref<1000000x64xf32, #tpu.memory_space<hbm>> -> memref<1000000x64xf32, #tpu.memory_space<hbm>>
    %dma_start3A_238 = tpu.memref_slice %arg7[%dma_start3A_227] : memref<2x!tpu.dma_semaphore, #tpu.memory_space<semaphore_mem>> -> memref<1x!tpu.dma_semaphore, #tpu.memory_space<semaphore_mem>>
    %dma_start3A_239 = tpu.memref_squeeze %dma_start3A_238 : memref<1x!tpu.dma_semaphore, #tpu.memory_space<semaphore_mem>> -> memref<!tpu.dma_semaphore, #tpu.memory_space<semaphore_mem>>
    tpu.enqueue_indirect_dma source(%dma_start3A_237 : memref<1000000x64xf32, #tpu.memory_space<hbm>>) target(%dma_start3A_231 : memref<32x64xf32, #tpu.memory_space<vmem>>) offsets(%dma_start3A_234 : memref<32xi32, #tpu.memory_space<vmem>>) semaphore(%dma_start3A_239 : memref<!tpu.dma_semaphore, #tpu.memory_space<semaphore_mem>>)
    %dma_start3A_240 = arith.constant 16 : i32
    %dma_start3A_241 = arith.constant 1 : i32
    %dma_start3A_242 = arith.constant 1 : i32
    %dma_start3A_243 = arith.constant 0 : i32
    %dma_start3A_244 = arith.constant 0 : i32
    %dma_start3A_245 = tpu.memref_slice %arg6[%dma_start3A_241, %dma_start3A_243, %dma_start3A_244] : memref<2x512x64xf32, #tpu.memory_space<vmem>> -> memref<1x32x64xf32, #tpu.memory_space<vmem>>
    %dma_start3A_246 = tpu.memref_squeeze %dma_start3A_245 : memref<1x32x64xf32, #tpu.memory_space<vmem>> -> memref<32x64xf32, #tpu.memory_space<vmem>>
    %dma_start3A_247 = arith.constant 0 : i32
    %dma_start3A_248 = tpu.memref_slice %arg5[%dma_start3A_240, %dma_start3A_247] : memref<800x32xi32, #tpu.memory_space<vmem>> -> memref<1x32xi32, #tpu.memory_space<vmem>>
    %dma_start3A_249 = tpu.memref_squeeze %dma_start3A_248 : memref<1x32xi32, #tpu.memory_space<vmem>> -> memref<32xi32, #tpu.memory_space<vmem>>
    %dma_start3A_250 = arith.constant 0 : i32
    %dma_start3A_251 = arith.constant 0 : i32
    %dma_start3A_252 = tpu.memref_slice %arg3[%dma_start3A_250, %dma_start3A_251] : memref<1000000x64xf32, #tpu.memory_space<hbm>> -> memref<1000000x64xf32, #tpu.memory_space<hbm>>
    %dma_start3A_253 = tpu.memref_slice %arg7[%dma_start3A_242] : memref<2x!tpu.dma_semaphore, #tpu.memory_space<semaphore_mem>> -> memref<1x!tpu.dma_semaphore, #tpu.memory_space<semaphore_mem>>
    %dma_start3A_254 = tpu.memref_squeeze %dma_start3A_253 : memref<1x!tpu.dma_semaphore, #tpu.memory_space<semaphore_mem>> -> memref<!tpu.dma_semaphore, #tpu.memory_space<semaphore_mem>>
    tpu.enqueue_indirect_dma source(%dma_start3A_252 : memref<1000000x64xf32, #tpu.memory_space<hbm>>) target(%dma_start3A_246 : memref<32x64xf32, #tpu.memory_space<vmem>>) offsets(%dma_start3A_249 : memref<32xi32, #tpu.memory_space<vmem>>) semaphore(%dma_start3A_254 : memref<!tpu.dma_semaphore, #tpu.memory_space<semaphore_mem>>)
    %dma_start3A_255 = arith.constant 17 : i32
    %dma_start3A_256 = arith.constant 1 : i32
    %dma_start3A_257 = arith.constant 1 : i32
    %dma_start3A_258 = arith.constant 32 : i32
    %dma_start3A_259 = arith.constant 0 : i32
    %dma_start3A_260 = tpu.memref_slice %arg6[%dma_start3A_256, %dma_start3A_258, %dma_start3A_259] : memref<2x512x64xf32, #tpu.memory_space<vmem>> -> memref<1x32x64xf32, #tpu.memory_space<vmem>>
    %dma_start3A_261 = tpu.memref_squeeze %dma_start3A_260 : memref<1x32x64xf32, #tpu.memory_space<vmem>> -> memref<32x64xf32, #tpu.memory_space<vmem>>
    %dma_start3A_262 = arith.constant 0 : i32
    %dma_start3A_263 = tpu.memref_slice %arg5[%dma_start3A_255, %dma_start3A_262] : memref<800x32xi32, #tpu.memory_space<vmem>> -> memref<1x32xi32, #tpu.memory_space<vmem>>
    %dma_start3A_264 = tpu.memref_squeeze %dma_start3A_263 : memref<1x32xi32, #tpu.memory_space<vmem>> -> memref<32xi32, #tpu.memory_space<vmem>>
    %dma_start3A_265 = arith.constant 0 : i32
    %dma_start3A_266 = arith.constant 0 : i32
    %dma_start3A_267 = tpu.memref_slice %arg3[%dma_start3A_265, %dma_start3A_266] : memref<1000000x64xf32, #tpu.memory_space<hbm>> -> memref<1000000x64xf32, #tpu.memory_space<hbm>>
    %dma_start3A_268 = tpu.memref_slice %arg7[%dma_start3A_257] : memref<2x!tpu.dma_semaphore, #tpu.memory_space<semaphore_mem>> -> memref<1x!tpu.dma_semaphore, #tpu.memory_space<semaphore_mem>>
    %dma_start3A_269 = tpu.memref_squeeze %dma_start3A_268 : memref<1x!tpu.dma_semaphore, #tpu.memory_space<semaphore_mem>> -> memref<!tpu.dma_semaphore, #tpu.memory_space<semaphore_mem>>
    tpu.enqueue_indirect_dma source(%dma_start3A_267 : memref<1000000x64xf32, #tpu.memory_space<hbm>>) target(%dma_start3A_261 : memref<32x64xf32, #tpu.memory_space<vmem>>) offsets(%dma_start3A_264 : memref<32xi32, #tpu.memory_space<vmem>>) semaphore(%dma_start3A_269 : memref<!tpu.dma_semaphore, #tpu.memory_space<semaphore_mem>>)
    %dma_start3A_270 = arith.constant 18 : i32
    %dma_start3A_271 = arith.constant 1 : i32
    %dma_start3A_272 = arith.constant 1 : i32
    %dma_start3A_273 = arith.constant 64 : i32
    %dma_start3A_274 = arith.constant 0 : i32
    %dma_start3A_275 = tpu.memref_slice %arg6[%dma_start3A_271, %dma_start3A_273, %dma_start3A_274] : memref<2x512x64xf32, #tpu.memory_space<vmem>> -> memref<1x32x64xf32, #tpu.memory_space<vmem>>
    %dma_start3A_276 = tpu.memref_squeeze %dma_start3A_275 : memref<1x32x64xf32, #tpu.memory_space<vmem>> -> memref<32x64xf32, #tpu.memory_space<vmem>>
    %dma_start3A_277 = arith.constant 0 : i32
    %dma_start3A_278 = tpu.memref_slice %arg5[%dma_start3A_270, %dma_start3A_277] : memref<800x32xi32, #tpu.memory_space<vmem>> -> memref<1x32xi32, #tpu.memory_space<vmem>>
    %dma_start3A_279 = tpu.memref_squeeze %dma_start3A_278 : memref<1x32xi32, #tpu.memory_space<vmem>> -> memref<32xi32, #tpu.memory_space<vmem>>
    %dma_start3A_280 = arith.constant 0 : i32
    %dma_start3A_281 = arith.constant 0 : i32
    %dma_start3A_282 = tpu.memref_slice %arg3[%dma_start3A_280, %dma_start3A_281] : memref<1000000x64xf32, #tpu.memory_space<hbm>> -> memref<1000000x64xf32, #tpu.memory_space<hbm>>
    %dma_start3A_283 = tpu.memref_slice %arg7[%dma_start3A_272] : memref<2x!tpu.dma_semaphore, #tpu.memory_space<semaphore_mem>> -> memref<1x!tpu.dma_semaphore, #tpu.memory_space<semaphore_mem>>
    %dma_start3A_284 = tpu.memref_squeeze %dma_start3A_283 : memref<1x!tpu.dma_semaphore, #tpu.memory_space<semaphore_mem>> -> memref<!tpu.dma_semaphore, #tpu.memory_space<semaphore_mem>>
    tpu.enqueue_indirect_dma source(%dma_start3A_282 : memref<1000000x64xf32, #tpu.memory_space<hbm>>) target(%dma_start3A_276 : memref<32x64xf32, #tpu.memory_space<vmem>>) offsets(%dma_start3A_279 : memref<32xi32, #tpu.memory_space<vmem>>) semaphore(%dma_start3A_284 : memref<!tpu.dma_semaphore, #tpu.memory_space<semaphore_mem>>)
    %dma_start3A_285 = arith.constant 19 : i32
    %dma_start3A_286 = arith.constant 1 : i32
    %dma_start3A_287 = arith.constant 1 : i32
    %dma_start3A_288 = arith.constant 96 : i32
    %dma_start3A_289 = arith.constant 0 : i32
    %dma_start3A_290 = tpu.memref_slice %arg6[%dma_start3A_286, %dma_start3A_288, %dma_start3A_289] : memref<2x512x64xf32, #tpu.memory_space<vmem>> -> memref<1x32x64xf32, #tpu.memory_space<vmem>>
    %dma_start3A_291 = tpu.memref_squeeze %dma_start3A_290 : memref<1x32x64xf32, #tpu.memory_space<vmem>> -> memref<32x64xf32, #tpu.memory_space<vmem>>
    %dma_start3A_292 = arith.constant 0 : i32
    %dma_start3A_293 = tpu.memref_slice %arg5[%dma_start3A_285, %dma_start3A_292] : memref<800x32xi32, #tpu.memory_space<vmem>> -> memref<1x32xi32, #tpu.memory_space<vmem>>
    %dma_start3A_294 = tpu.memref_squeeze %dma_start3A_293 : memref<1x32xi32, #tpu.memory_space<vmem>> -> memref<32xi32, #tpu.memory_space<vmem>>
    %dma_start3A_295 = arith.constant 0 : i32
    %dma_start3A_296 = arith.constant 0 : i32
    %dma_start3A_297 = tpu.memref_slice %arg3[%dma_start3A_295, %dma_start3A_296] : memref<1000000x64xf32, #tpu.memory_space<hbm>> -> memref<1000000x64xf32, #tpu.memory_space<hbm>>
    %dma_start3A_298 = tpu.memref_slice %arg7[%dma_start3A_287] : memref<2x!tpu.dma_semaphore, #tpu.memory_space<semaphore_mem>> -> memref<1x!tpu.dma_semaphore, #tpu.memory_space<semaphore_mem>>
    %dma_start3A_299 = tpu.memref_squeeze %dma_start3A_298 : memref<1x!tpu.dma_semaphore, #tpu.memory_space<semaphore_mem>> -> memref<!tpu.dma_semaphore, #tpu.memory_space<semaphore_mem>>
    tpu.enqueue_indirect_dma source(%dma_start3A_297 : memref<1000000x64xf32, #tpu.memory_space<hbm>>) target(%dma_start3A_291 : memref<32x64xf32, #tpu.memory_space<vmem>>) offsets(%dma_start3A_294 : memref<32xi32, #tpu.memory_space<vmem>>) semaphore(%dma_start3A_299 : memref<!tpu.dma_semaphore, #tpu.memory_space<semaphore_mem>>)
    %dma_start3A_300 = arith.constant 20 : i32
    %dma_start3A_301 = arith.constant 1 : i32
    %dma_start3A_302 = arith.constant 1 : i32
    %dma_start3A_303 = arith.constant 128 : i32
    %dma_start3A_304 = arith.constant 0 : i32
    %dma_start3A_305 = tpu.memref_slice %arg6[%dma_start3A_301, %dma_start3A_303, %dma_start3A_304] : memref<2x512x64xf32, #tpu.memory_space<vmem>> -> memref<1x32x64xf32, #tpu.memory_space<vmem>>
    %dma_start3A_306 = tpu.memref_squeeze %dma_start3A_305 : memref<1x32x64xf32, #tpu.memory_space<vmem>> -> memref<32x64xf32, #tpu.memory_space<vmem>>
    %dma_start3A_307 = arith.constant 0 : i32
    %dma_start3A_308 = tpu.memref_slice %arg5[%dma_start3A_300, %dma_start3A_307] : memref<800x32xi32, #tpu.memory_space<vmem>> -> memref<1x32xi32, #tpu.memory_space<vmem>>
    %dma_start3A_309 = tpu.memref_squeeze %dma_start3A_308 : memref<1x32xi32, #tpu.memory_space<vmem>> -> memref<32xi32, #tpu.memory_space<vmem>>
    %dma_start3A_310 = arith.constant 0 : i32
    %dma_start3A_311 = arith.constant 0 : i32
    %dma_start3A_312 = tpu.memref_slice %arg3[%dma_start3A_310, %dma_start3A_311] : memref<1000000x64xf32, #tpu.memory_space<hbm>> -> memref<1000000x64xf32, #tpu.memory_space<hbm>>
    %dma_start3A_313 = tpu.memref_slice %arg7[%dma_start3A_302] : memref<2x!tpu.dma_semaphore, #tpu.memory_space<semaphore_mem>> -> memref<1x!tpu.dma_semaphore, #tpu.memory_space<semaphore_mem>>
    %dma_start3A_314 = tpu.memref_squeeze %dma_start3A_313 : memref<1x!tpu.dma_semaphore, #tpu.memory_space<semaphore_mem>> -> memref<!tpu.dma_semaphore, #tpu.memory_space<semaphore_mem>>
    tpu.enqueue_indirect_dma source(%dma_start3A_312 : memref<1000000x64xf32, #tpu.memory_space<hbm>>) target(%dma_start3A_306 : memref<32x64xf32, #tpu.memory_space<vmem>>) offsets(%dma_start3A_309 : memref<32xi32, #tpu.memory_space<vmem>>) semaphore(%dma_start3A_314 : memref<!tpu.dma_semaphore, #tpu.memory_space<semaphore_mem>>)
    %dma_start3A_315 = arith.constant 21 : i32
    %dma_start3A_316 = arith.constant 1 : i32
    %dma_start3A_317 = arith.constant 1 : i32
    %dma_start3A_318 = arith.constant 160 : i32
    %dma_start3A_319 = arith.constant 0 : i32
    %dma_start3A_320 = tpu.memref_slice %arg6[%dma_start3A_316, %dma_start3A_318, %dma_start3A_319] : memref<2x512x64xf32, #tpu.memory_space<vmem>> -> memref<1x32x64xf32, #tpu.memory_space<vmem>>
    %dma_start3A_321 = tpu.memref_squeeze %dma_start3A_320 : memref<1x32x64xf32, #tpu.memory_space<vmem>> -> memref<32x64xf32, #tpu.memory_space<vmem>>
    %dma_start3A_322 = arith.constant 0 : i32
    %dma_start3A_323 = tpu.memref_slice %arg5[%dma_start3A_315, %dma_start3A_322] : memref<800x32xi32, #tpu.memory_space<vmem>> -> memref<1x32xi32, #tpu.memory_space<vmem>>
    %dma_start3A_324 = tpu.memref_squeeze %dma_start3A_323 : memref<1x32xi32, #tpu.memory_space<vmem>> -> memref<32xi32, #tpu.memory_space<vmem>>
    %dma_start3A_325 = arith.constant 0 : i32
    %dma_start3A_326 = arith.constant 0 : i32
    %dma_start3A_327 = tpu.memref_slice %arg3[%dma_start3A_325, %dma_start3A_326] : memref<1000000x64xf32, #tpu.memory_space<hbm>> -> memref<1000000x64xf32, #tpu.memory_space<hbm>>
    %dma_start3A_328 = tpu.memref_slice %arg7[%dma_start3A_317] : memref<2x!tpu.dma_semaphore, #tpu.memory_space<semaphore_mem>> -> memref<1x!tpu.dma_semaphore, #tpu.memory_space<semaphore_mem>>
    %dma_start3A_329 = tpu.memref_squeeze %dma_start3A_328 : memref<1x!tpu.dma_semaphore, #tpu.memory_space<semaphore_mem>> -> memref<!tpu.dma_semaphore, #tpu.memory_space<semaphore_mem>>
    tpu.enqueue_indirect_dma source(%dma_start3A_327 : memref<1000000x64xf32, #tpu.memory_space<hbm>>) target(%dma_start3A_321 : memref<32x64xf32, #tpu.memory_space<vmem>>) offsets(%dma_start3A_324 : memref<32xi32, #tpu.memory_space<vmem>>) semaphore(%dma_start3A_329 : memref<!tpu.dma_semaphore, #tpu.memory_space<semaphore_mem>>)
    %dma_start3A_330 = arith.constant 22 : i32
    %dma_start3A_331 = arith.constant 1 : i32
    %dma_start3A_332 = arith.constant 1 : i32
    %dma_start3A_333 = arith.constant 192 : i32
    %dma_start3A_334 = arith.constant 0 : i32
    %dma_start3A_335 = tpu.memref_slice %arg6[%dma_start3A_331, %dma_start3A_333, %dma_start3A_334] : memref<2x512x64xf32, #tpu.memory_space<vmem>> -> memref<1x32x64xf32, #tpu.memory_space<vmem>>
    %dma_start3A_336 = tpu.memref_squeeze %dma_start3A_335 : memref<1x32x64xf32, #tpu.memory_space<vmem>> -> memref<32x64xf32, #tpu.memory_space<vmem>>
    %dma_start3A_337 = arith.constant 0 : i32
    %dma_start3A_338 = tpu.memref_slice %arg5[%dma_start3A_330, %dma_start3A_337] : memref<800x32xi32, #tpu.memory_space<vmem>> -> memref<1x32xi32, #tpu.memory_space<vmem>>
    %dma_start3A_339 = tpu.memref_squeeze %dma_start3A_338 : memref<1x32xi32, #tpu.memory_space<vmem>> -> memref<32xi32, #tpu.memory_space<vmem>>
    %dma_start3A_340 = arith.constant 0 : i32
    %dma_start3A_341 = arith.constant 0 : i32
    %dma_start3A_342 = tpu.memref_slice %arg3[%dma_start3A_340, %dma_start3A_341] : memref<1000000x64xf32, #tpu.memory_space<hbm>> -> memref<1000000x64xf32, #tpu.memory_space<hbm>>
    %dma_start3A_343 = tpu.memref_slice %arg7[%dma_start3A_332] : memref<2x!tpu.dma_semaphore, #tpu.memory_space<semaphore_mem>> -> memref<1x!tpu.dma_semaphore, #tpu.memory_space<semaphore_mem>>
    %dma_start3A_344 = tpu.memref_squeeze %dma_start3A_343 : memref<1x!tpu.dma_semaphore, #tpu.memory_space<semaphore_mem>> -> memref<!tpu.dma_semaphore, #tpu.memory_space<semaphore_mem>>
    tpu.enqueue_indirect_dma source(%dma_start3A_342 : memref<1000000x64xf32, #tpu.memory_space<hbm>>) target(%dma_start3A_336 : memref<32x64xf32, #tpu.memory_space<vmem>>) offsets(%dma_start3A_339 : memref<32xi32, #tpu.memory_space<vmem>>) semaphore(%dma_start3A_344 : memref<!tpu.dma_semaphore, #tpu.memory_space<semaphore_mem>>)
    %dma_start3A_345 = arith.constant 23 : i32
    %dma_start3A_346 = arith.constant 1 : i32
    %dma_start3A_347 = arith.constant 1 : i32
    %dma_start3A_348 = arith.constant 224 : i32
    %dma_start3A_349 = arith.constant 0 : i32
    %dma_start3A_350 = tpu.memref_slice %arg6[%dma_start3A_346, %dma_start3A_348, %dma_start3A_349] : memref<2x512x64xf32, #tpu.memory_space<vmem>> -> memref<1x32x64xf32, #tpu.memory_space<vmem>>
    %dma_start3A_351 = tpu.memref_squeeze %dma_start3A_350 : memref<1x32x64xf32, #tpu.memory_space<vmem>> -> memref<32x64xf32, #tpu.memory_space<vmem>>
    %dma_start3A_352 = arith.constant 0 : i32
    %dma_start3A_353 = tpu.memref_slice %arg5[%dma_start3A_345, %dma_start3A_352] : memref<800x32xi32, #tpu.memory_space<vmem>> -> memref<1x32xi32, #tpu.memory_space<vmem>>
    %dma_start3A_354 = tpu.memref_squeeze %dma_start3A_353 : memref<1x32xi32, #tpu.memory_space<vmem>> -> memref<32xi32, #tpu.memory_space<vmem>>
    %dma_start3A_355 = arith.constant 0 : i32
    %dma_start3A_356 = arith.constant 0 : i32
    %dma_start3A_357 = tpu.memref_slice %arg3[%dma_start3A_355, %dma_start3A_356] : memref<1000000x64xf32, #tpu.memory_space<hbm>> -> memref<1000000x64xf32, #tpu.memory_space<hbm>>
    %dma_start3A_358 = tpu.memref_slice %arg7[%dma_start3A_347] : memref<2x!tpu.dma_semaphore, #tpu.memory_space<semaphore_mem>> -> memref<1x!tpu.dma_semaphore, #tpu.memory_space<semaphore_mem>>
    %dma_start3A_359 = tpu.memref_squeeze %dma_start3A_358 : memref<1x!tpu.dma_semaphore, #tpu.memory_space<semaphore_mem>> -> memref<!tpu.dma_semaphore, #tpu.memory_space<semaphore_mem>>
    tpu.enqueue_indirect_dma source(%dma_start3A_357 : memref<1000000x64xf32, #tpu.memory_space<hbm>>) target(%dma_start3A_351 : memref<32x64xf32, #tpu.memory_space<vmem>>) offsets(%dma_start3A_354 : memref<32xi32, #tpu.memory_space<vmem>>) semaphore(%dma_start3A_359 : memref<!tpu.dma_semaphore, #tpu.memory_space<semaphore_mem>>)
    %dma_start3A_360 = arith.constant 24 : i32
    %dma_start3A_361 = arith.constant 1 : i32
    %dma_start3A_362 = arith.constant 1 : i32
    %dma_start3A_363 = arith.constant 256 : i32
    %dma_start3A_364 = arith.constant 0 : i32
    %dma_start3A_365 = tpu.memref_slice %arg6[%dma_start3A_361, %dma_start3A_363, %dma_start3A_364] : memref<2x512x64xf32, #tpu.memory_space<vmem>> -> memref<1x32x64xf32, #tpu.memory_space<vmem>>
    %dma_start3A_366 = tpu.memref_squeeze %dma_start3A_365 : memref<1x32x64xf32, #tpu.memory_space<vmem>> -> memref<32x64xf32, #tpu.memory_space<vmem>>
    %dma_start3A_367 = arith.constant 0 : i32
    %dma_start3A_368 = tpu.memref_slice %arg5[%dma_start3A_360, %dma_start3A_367] : memref<800x32xi32, #tpu.memory_space<vmem>> -> memref<1x32xi32, #tpu.memory_space<vmem>>
    %dma_start3A_369 = tpu.memref_squeeze %dma_start3A_368 : memref<1x32xi32, #tpu.memory_space<vmem>> -> memref<32xi32, #tpu.memory_space<vmem>>
    %dma_start3A_370 = arith.constant 0 : i32
    %dma_start3A_371 = arith.constant 0 : i32
    %dma_start3A_372 = tpu.memref_slice %arg3[%dma_start3A_370, %dma_start3A_371] : memref<1000000x64xf32, #tpu.memory_space<hbm>> -> memref<1000000x64xf32, #tpu.memory_space<hbm>>
    %dma_start3A_373 = tpu.memref_slice %arg7[%dma_start3A_362] : memref<2x!tpu.dma_semaphore, #tpu.memory_space<semaphore_mem>> -> memref<1x!tpu.dma_semaphore, #tpu.memory_space<semaphore_mem>>
    %dma_start3A_374 = tpu.memref_squeeze %dma_start3A_373 : memref<1x!tpu.dma_semaphore, #tpu.memory_space<semaphore_mem>> -> memref<!tpu.dma_semaphore, #tpu.memory_space<semaphore_mem>>
    tpu.enqueue_indirect_dma source(%dma_start3A_372 : memref<1000000x64xf32, #tpu.memory_space<hbm>>) target(%dma_start3A_366 : memref<32x64xf32, #tpu.memory_space<vmem>>) offsets(%dma_start3A_369 : memref<32xi32, #tpu.memory_space<vmem>>) semaphore(%dma_start3A_374 : memref<!tpu.dma_semaphore, #tpu.memory_space<semaphore_mem>>)
    %dma_start3A_375 = arith.constant 25 : i32
    %dma_start3A_376 = arith.constant 1 : i32
    %dma_start3A_377 = arith.constant 1 : i32
    %dma_start3A_378 = arith.constant 288 : i32
    %dma_start3A_379 = arith.constant 0 : i32
    %dma_start3A_380 = tpu.memref_slice %arg6[%dma_start3A_376, %dma_start3A_378, %dma_start3A_379] : memref<2x512x64xf32, #tpu.memory_space<vmem>> -> memref<1x32x64xf32, #tpu.memory_space<vmem>>
    %dma_start3A_381 = tpu.memref_squeeze %dma_start3A_380 : memref<1x32x64xf32, #tpu.memory_space<vmem>> -> memref<32x64xf32, #tpu.memory_space<vmem>>
    %dma_start3A_382 = arith.constant 0 : i32
    %dma_start3A_383 = tpu.memref_slice %arg5[%dma_start3A_375, %dma_start3A_382] : memref<800x32xi32, #tpu.memory_space<vmem>> -> memref<1x32xi32, #tpu.memory_space<vmem>>
    %dma_start3A_384 = tpu.memref_squeeze %dma_start3A_383 : memref<1x32xi32, #tpu.memory_space<vmem>> -> memref<32xi32, #tpu.memory_space<vmem>>
    %dma_start3A_385 = arith.constant 0 : i32
    %dma_start3A_386 = arith.constant 0 : i32
    %dma_start3A_387 = tpu.memref_slice %arg3[%dma_start3A_385, %dma_start3A_386] : memref<1000000x64xf32, #tpu.memory_space<hbm>> -> memref<1000000x64xf32, #tpu.memory_space<hbm>>
    %dma_start3A_388 = tpu.memref_slice %arg7[%dma_start3A_377] : memref<2x!tpu.dma_semaphore, #tpu.memory_space<semaphore_mem>> -> memref<1x!tpu.dma_semaphore, #tpu.memory_space<semaphore_mem>>
    %dma_start3A_389 = tpu.memref_squeeze %dma_start3A_388 : memref<1x!tpu.dma_semaphore, #tpu.memory_space<semaphore_mem>> -> memref<!tpu.dma_semaphore, #tpu.memory_space<semaphore_mem>>
    tpu.enqueue_indirect_dma source(%dma_start3A_387 : memref<1000000x64xf32, #tpu.memory_space<hbm>>) target(%dma_start3A_381 : memref<32x64xf32, #tpu.memory_space<vmem>>) offsets(%dma_start3A_384 : memref<32xi32, #tpu.memory_space<vmem>>) semaphore(%dma_start3A_389 : memref<!tpu.dma_semaphore, #tpu.memory_space<semaphore_mem>>)
    %dma_start3A_390 = arith.constant 26 : i32
    %dma_start3A_391 = arith.constant 1 : i32
    %dma_start3A_392 = arith.constant 1 : i32
    %dma_start3A_393 = arith.constant 320 : i32
    %dma_start3A_394 = arith.constant 0 : i32
    %dma_start3A_395 = tpu.memref_slice %arg6[%dma_start3A_391, %dma_start3A_393, %dma_start3A_394] : memref<2x512x64xf32, #tpu.memory_space<vmem>> -> memref<1x32x64xf32, #tpu.memory_space<vmem>>
    %dma_start3A_396 = tpu.memref_squeeze %dma_start3A_395 : memref<1x32x64xf32, #tpu.memory_space<vmem>> -> memref<32x64xf32, #tpu.memory_space<vmem>>
    %dma_start3A_397 = arith.constant 0 : i32
    %dma_start3A_398 = tpu.memref_slice %arg5[%dma_start3A_390, %dma_start3A_397] : memref<800x32xi32, #tpu.memory_space<vmem>> -> memref<1x32xi32, #tpu.memory_space<vmem>>
    %dma_start3A_399 = tpu.memref_squeeze %dma_start3A_398 : memref<1x32xi32, #tpu.memory_space<vmem>> -> memref<32xi32, #tpu.memory_space<vmem>>
    %dma_start3A_400 = arith.constant 0 : i32
    %dma_start3A_401 = arith.constant 0 : i32
    %dma_start3A_402 = tpu.memref_slice %arg3[%dma_start3A_400, %dma_start3A_401] : memref<1000000x64xf32, #tpu.memory_space<hbm>> -> memref<1000000x64xf32, #tpu.memory_space<hbm>>
    %dma_start3A_403 = tpu.memref_slice %arg7[%dma_start3A_392] : memref<2x!tpu.dma_semaphore, #tpu.memory_space<semaphore_mem>> -> memref<1x!tpu.dma_semaphore, #tpu.memory_space<semaphore_mem>>
    %dma_start3A_404 = tpu.memref_squeeze %dma_start3A_403 : memref<1x!tpu.dma_semaphore, #tpu.memory_space<semaphore_mem>> -> memref<!tpu.dma_semaphore, #tpu.memory_space<semaphore_mem>>
    tpu.enqueue_indirect_dma source(%dma_start3A_402 : memref<1000000x64xf32, #tpu.memory_space<hbm>>) target(%dma_start3A_396 : memref<32x64xf32, #tpu.memory_space<vmem>>) offsets(%dma_start3A_399 : memref<32xi32, #tpu.memory_space<vmem>>) semaphore(%dma_start3A_404 : memref<!tpu.dma_semaphore, #tpu.memory_space<semaphore_mem>>)
    %dma_start3A_405 = arith.constant 27 : i32
    %dma_start3A_406 = arith.constant 1 : i32
    %dma_start3A_407 = arith.constant 1 : i32
    %dma_start3A_408 = arith.constant 352 : i32
    %dma_start3A_409 = arith.constant 0 : i32
    %dma_start3A_410 = tpu.memref_slice %arg6[%dma_start3A_406, %dma_start3A_408, %dma_start3A_409] : memref<2x512x64xf32, #tpu.memory_space<vmem>> -> memref<1x32x64xf32, #tpu.memory_space<vmem>>
    %dma_start3A_411 = tpu.memref_squeeze %dma_start3A_410 : memref<1x32x64xf32, #tpu.memory_space<vmem>> -> memref<32x64xf32, #tpu.memory_space<vmem>>
    %dma_start3A_412 = arith.constant 0 : i32
    %dma_start3A_413 = tpu.memref_slice %arg5[%dma_start3A_405, %dma_start3A_412] : memref<800x32xi32, #tpu.memory_space<vmem>> -> memref<1x32xi32, #tpu.memory_space<vmem>>
    %dma_start3A_414 = tpu.memref_squeeze %dma_start3A_413 : memref<1x32xi32, #tpu.memory_space<vmem>> -> memref<32xi32, #tpu.memory_space<vmem>>
    %dma_start3A_415 = arith.constant 0 : i32
    %dma_start3A_416 = arith.constant 0 : i32
    %dma_start3A_417 = tpu.memref_slice %arg3[%dma_start3A_415, %dma_start3A_416] : memref<1000000x64xf32, #tpu.memory_space<hbm>> -> memref<1000000x64xf32, #tpu.memory_space<hbm>>
    %dma_start3A_418 = tpu.memref_slice %arg7[%dma_start3A_407] : memref<2x!tpu.dma_semaphore, #tpu.memory_space<semaphore_mem>> -> memref<1x!tpu.dma_semaphore, #tpu.memory_space<semaphore_mem>>
    %dma_start3A_419 = tpu.memref_squeeze %dma_start3A_418 : memref<1x!tpu.dma_semaphore, #tpu.memory_space<semaphore_mem>> -> memref<!tpu.dma_semaphore, #tpu.memory_space<semaphore_mem>>
    tpu.enqueue_indirect_dma source(%dma_start3A_417 : memref<1000000x64xf32, #tpu.memory_space<hbm>>) target(%dma_start3A_411 : memref<32x64xf32, #tpu.memory_space<vmem>>) offsets(%dma_start3A_414 : memref<32xi32, #tpu.memory_space<vmem>>) semaphore(%dma_start3A_419 : memref<!tpu.dma_semaphore, #tpu.memory_space<semaphore_mem>>)
    %dma_start3A_420 = arith.constant 28 : i32
    %dma_start3A_421 = arith.constant 1 : i32
    %dma_start3A_422 = arith.constant 1 : i32
    %dma_start3A_423 = arith.constant 384 : i32
    %dma_start3A_424 = arith.constant 0 : i32
    %dma_start3A_425 = tpu.memref_slice %arg6[%dma_start3A_421, %dma_start3A_423, %dma_start3A_424] : memref<2x512x64xf32, #tpu.memory_space<vmem>> -> memref<1x32x64xf32, #tpu.memory_space<vmem>>
    %dma_start3A_426 = tpu.memref_squeeze %dma_start3A_425 : memref<1x32x64xf32, #tpu.memory_space<vmem>> -> memref<32x64xf32, #tpu.memory_space<vmem>>
    %dma_start3A_427 = arith.constant 0 : i32
    %dma_start3A_428 = tpu.memref_slice %arg5[%dma_start3A_420, %dma_start3A_427] : memref<800x32xi32, #tpu.memory_space<vmem>> -> memref<1x32xi32, #tpu.memory_space<vmem>>
    %dma_start3A_429 = tpu.memref_squeeze %dma_start3A_428 : memref<1x32xi32, #tpu.memory_space<vmem>> -> memref<32xi32, #tpu.memory_space<vmem>>
    %dma_start3A_430 = arith.constant 0 : i32
    %dma_start3A_431 = arith.constant 0 : i32
    %dma_start3A_432 = tpu.memref_slice %arg3[%dma_start3A_430, %dma_start3A_431] : memref<1000000x64xf32, #tpu.memory_space<hbm>> -> memref<1000000x64xf32, #tpu.memory_space<hbm>>
    %dma_start3A_433 = tpu.memref_slice %arg7[%dma_start3A_422] : memref<2x!tpu.dma_semaphore, #tpu.memory_space<semaphore_mem>> -> memref<1x!tpu.dma_semaphore, #tpu.memory_space<semaphore_mem>>
    %dma_start3A_434 = tpu.memref_squeeze %dma_start3A_433 : memref<1x!tpu.dma_semaphore, #tpu.memory_space<semaphore_mem>> -> memref<!tpu.dma_semaphore, #tpu.memory_space<semaphore_mem>>
    tpu.enqueue_indirect_dma source(%dma_start3A_432 : memref<1000000x64xf32, #tpu.memory_space<hbm>>) target(%dma_start3A_426 : memref<32x64xf32, #tpu.memory_space<vmem>>) offsets(%dma_start3A_429 : memref<32xi32, #tpu.memory_space<vmem>>) semaphore(%dma_start3A_434 : memref<!tpu.dma_semaphore, #tpu.memory_space<semaphore_mem>>)
    %dma_start3A_435 = arith.constant 29 : i32
    %dma_start3A_436 = arith.constant 1 : i32
    %dma_start3A_437 = arith.constant 1 : i32
    %dma_start3A_438 = arith.constant 416 : i32
    %dma_start3A_439 = arith.constant 0 : i32
    %dma_start3A_440 = tpu.memref_slice %arg6[%dma_start3A_436, %dma_start3A_438, %dma_start3A_439] : memref<2x512x64xf32, #tpu.memory_space<vmem>> -> memref<1x32x64xf32, #tpu.memory_space<vmem>>
    %dma_start3A_441 = tpu.memref_squeeze %dma_start3A_440 : memref<1x32x64xf32, #tpu.memory_space<vmem>> -> memref<32x64xf32, #tpu.memory_space<vmem>>
    %dma_start3A_442 = arith.constant 0 : i32
    %dma_start3A_443 = tpu.memref_slice %arg5[%dma_start3A_435, %dma_start3A_442] : memref<800x32xi32, #tpu.memory_space<vmem>> -> memref<1x32xi32, #tpu.memory_space<vmem>>
    %dma_start3A_444 = tpu.memref_squeeze %dma_start3A_443 : memref<1x32xi32, #tpu.memory_space<vmem>> -> memref<32xi32, #tpu.memory_space<vmem>>
    %dma_start3A_445 = arith.constant 0 : i32
    %dma_start3A_446 = arith.constant 0 : i32
    %dma_start3A_447 = tpu.memref_slice %arg3[%dma_start3A_445, %dma_start3A_446] : memref<1000000x64xf32, #tpu.memory_space<hbm>> -> memref<1000000x64xf32, #tpu.memory_space<hbm>>
    %dma_start3A_448 = tpu.memref_slice %arg7[%dma_start3A_437] : memref<2x!tpu.dma_semaphore, #tpu.memory_space<semaphore_mem>> -> memref<1x!tpu.dma_semaphore, #tpu.memory_space<semaphore_mem>>
    %dma_start3A_449 = tpu.memref_squeeze %dma_start3A_448 : memref<1x!tpu.dma_semaphore, #tpu.memory_space<semaphore_mem>> -> memref<!tpu.dma_semaphore, #tpu.memory_space<semaphore_mem>>
    tpu.enqueue_indirect_dma source(%dma_start3A_447 : memref<1000000x64xf32, #tpu.memory_space<hbm>>) target(%dma_start3A_441 : memref<32x64xf32, #tpu.memory_space<vmem>>) offsets(%dma_start3A_444 : memref<32xi32, #tpu.memory_space<vmem>>) semaphore(%dma_start3A_449 : memref<!tpu.dma_semaphore, #tpu.memory_space<semaphore_mem>>)
    %dma_start3A_450 = arith.constant 30 : i32
    %dma_start3A_451 = arith.constant 1 : i32
    %dma_start3A_452 = arith.constant 1 : i32
    %dma_start3A_453 = arith.constant 448 : i32
    %dma_start3A_454 = arith.constant 0 : i32
    %dma_start3A_455 = tpu.memref_slice %arg6[%dma_start3A_451, %dma_start3A_453, %dma_start3A_454] : memref<2x512x64xf32, #tpu.memory_space<vmem>> -> memref<1x32x64xf32, #tpu.memory_space<vmem>>
    %dma_start3A_456 = tpu.memref_squeeze %dma_start3A_455 : memref<1x32x64xf32, #tpu.memory_space<vmem>> -> memref<32x64xf32, #tpu.memory_space<vmem>>
    %dma_start3A_457 = arith.constant 0 : i32
    %dma_start3A_458 = tpu.memref_slice %arg5[%dma_start3A_450, %dma_start3A_457] : memref<800x32xi32, #tpu.memory_space<vmem>> -> memref<1x32xi32, #tpu.memory_space<vmem>>
    %dma_start3A_459 = tpu.memref_squeeze %dma_start3A_458 : memref<1x32xi32, #tpu.memory_space<vmem>> -> memref<32xi32, #tpu.memory_space<vmem>>
    %dma_start3A_460 = arith.constant 0 : i32
    %dma_start3A_461 = arith.constant 0 : i32
    %dma_start3A_462 = tpu.memref_slice %arg3[%dma_start3A_460, %dma_start3A_461] : memref<1000000x64xf32, #tpu.memory_space<hbm>> -> memref<1000000x64xf32, #tpu.memory_space<hbm>>
    %dma_start3A_463 = tpu.memref_slice %arg7[%dma_start3A_452] : memref<2x!tpu.dma_semaphore, #tpu.memory_space<semaphore_mem>> -> memref<1x!tpu.dma_semaphore, #tpu.memory_space<semaphore_mem>>
    %dma_start3A_464 = tpu.memref_squeeze %dma_start3A_463 : memref<1x!tpu.dma_semaphore, #tpu.memory_space<semaphore_mem>> -> memref<!tpu.dma_semaphore, #tpu.memory_space<semaphore_mem>>
    tpu.enqueue_indirect_dma source(%dma_start3A_462 : memref<1000000x64xf32, #tpu.memory_space<hbm>>) target(%dma_start3A_456 : memref<32x64xf32, #tpu.memory_space<vmem>>) offsets(%dma_start3A_459 : memref<32xi32, #tpu.memory_space<vmem>>) semaphore(%dma_start3A_464 : memref<!tpu.dma_semaphore, #tpu.memory_space<semaphore_mem>>)
    %dma_start3A_465 = arith.constant 31 : i32
    %dma_start3A_466 = arith.constant 1 : i32
    %dma_start3A_467 = arith.constant 1 : i32
    %dma_start3A_468 = arith.constant 480 : i32
    %dma_start3A_469 = arith.constant 0 : i32
    %dma_start3A_470 = tpu.memref_slice %arg6[%dma_start3A_466, %dma_start3A_468, %dma_start3A_469] : memref<2x512x64xf32, #tpu.memory_space<vmem>> -> memref<1x32x64xf32, #tpu.memory_space<vmem>>
    %dma_start3A_471 = tpu.memref_squeeze %dma_start3A_470 : memref<1x32x64xf32, #tpu.memory_space<vmem>> -> memref<32x64xf32, #tpu.memory_space<vmem>>
    %dma_start3A_472 = arith.constant 0 : i32
    %dma_start3A_473 = tpu.memref_slice %arg5[%dma_start3A_465, %dma_start3A_472] : memref<800x32xi32, #tpu.memory_space<vmem>> -> memref<1x32xi32, #tpu.memory_space<vmem>>
    %dma_start3A_474 = tpu.memref_squeeze %dma_start3A_473 : memref<1x32xi32, #tpu.memory_space<vmem>> -> memref<32xi32, #tpu.memory_space<vmem>>
    %dma_start3A_475 = arith.constant 0 : i32
    %dma_start3A_476 = arith.constant 0 : i32
    %dma_start3A_477 = tpu.memref_slice %arg3[%dma_start3A_475, %dma_start3A_476] : memref<1000000x64xf32, #tpu.memory_space<hbm>> -> memref<1000000x64xf32, #tpu.memory_space<hbm>>
    %dma_start3A_478 = tpu.memref_slice %arg7[%dma_start3A_467] : memref<2x!tpu.dma_semaphore, #tpu.memory_space<semaphore_mem>> -> memref<1x!tpu.dma_semaphore, #tpu.memory_space<semaphore_mem>>
    %dma_start3A_479 = tpu.memref_squeeze %dma_start3A_478 : memref<1x!tpu.dma_semaphore, #tpu.memory_space<semaphore_mem>> -> memref<!tpu.dma_semaphore, #tpu.memory_space<semaphore_mem>>
    tpu.enqueue_indirect_dma source(%dma_start3A_477 : memref<1000000x64xf32, #tpu.memory_space<hbm>>) target(%dma_start3A_471 : memref<32x64xf32, #tpu.memory_space<vmem>>) offsets(%dma_start3A_474 : memref<32xi32, #tpu.memory_space<vmem>>) semaphore(%dma_start3A_479 : memref<!tpu.dma_semaphore, #tpu.memory_space<semaphore_mem>>)
    %scan3A = arith.constant 0 : i32
    %scan3A_480 = arith.constant 24 : i32
    %scan3A_481 = arith.addi %scan3A, %scan3A_480 : i32
    %scan3A_482 = arith.constant 1 : i32
    scf.for %scan3A_605 = %scan3A to %scan3A_481 step %scan3A_482  : i32 {
      %mul3A_606 = arith.constant 2 : i32
      %mul3A_607 = arith.muli %scan3A_605, %mul3A_606 : i32
      %add3A_608 = arith.constant 0 : i32
      %add3A_609 = arith.addi %add3A_608, %mul3A_607 : i32
      %add3A_610 = arith.constant 0 : i32
      %add3A_611 = arith.addi %add3A_609, %add3A_610 : i32
      %dma_wait3A_612 = arith.constant 0 : i32
      %dma_wait3A_613 = arith.constant 0 : i32
      %dma_wait3A_614 = arith.constant 0 : i32
      %dma_wait3A_615 = arith.constant 0 : i32
      %dma_wait3A_616 = tpu.memref_slice %arg6[%dma_wait3A_612, %dma_wait3A_614, %dma_wait3A_615] : memref<2x512x64xf32, #tpu.memory_space<vmem>> -> memref<1x512x64xf32, #tpu.memory_space<vmem>>
      %dma_wait3A_617 = tpu.memref_squeeze %dma_wait3A_616 : memref<1x512x64xf32, #tpu.memory_space<vmem>> -> memref<512x64xf32, #tpu.memory_space<vmem>>
      %dma_wait3A_618 = arith.constant 0 : i32
      %dma_wait3A_619 = arith.constant 0 : i32
      %dma_wait3A_620 = tpu.memref_slice %arg3[%dma_wait3A_618, %dma_wait3A_619] : memref<1000000x64xf32, #tpu.memory_space<hbm>> -> memref<512x64xf32, #tpu.memory_space<hbm>>
      %dma_wait3A_621 = tpu.memref_slice %arg7[%dma_wait3A_613] : memref<2x!tpu.dma_semaphore, #tpu.memory_space<semaphore_mem>> -> memref<1x!tpu.dma_semaphore, #tpu.memory_space<semaphore_mem>>
      %dma_wait3A_622 = tpu.memref_squeeze %dma_wait3A_621 : memref<1x!tpu.dma_semaphore, #tpu.memory_space<semaphore_mem>> -> memref<!tpu.dma_semaphore, #tpu.memory_space<semaphore_mem>>
      %dma_wait3A_623 = arith.constant 0 : i32
      %dma_wait3A_624 = arith.constant 0 : i32
      %dma_wait3A_625 = tpu.memref_slice %arg6[%dma_wait3A_612, %dma_wait3A_623, %dma_wait3A_624] : memref<2x512x64xf32, #tpu.memory_space<vmem>> -> memref<1x512x64xf32, #tpu.memory_space<vmem>>
      %dma_wait3A_626 = tpu.memref_squeeze %dma_wait3A_625 : memref<1x512x64xf32, #tpu.memory_space<vmem>> -> memref<512x64xf32, #tpu.memory_space<vmem>>
      %dma_wait3A_627 = arith.constant 0 : i32
      %dma_wait3A_628 = arith.constant 0 : i32
      %dma_wait3A_629 = tpu.memref_slice %arg3[%dma_wait3A_627, %dma_wait3A_628] : memref<1000000x64xf32, #tpu.memory_space<hbm>> -> memref<512x64xf32, #tpu.memory_space<hbm>>
      tpu.wait_dma2 semaphore(%dma_wait3A_622 : memref<!tpu.dma_semaphore, #tpu.memory_space<semaphore_mem>>) src(%dma_wait3A_629 : memref<512x64xf32, #tpu.memory_space<hbm>>) dst(%dma_wait3A_626 : memref<512x64xf32, #tpu.memory_space<vmem>>)
      %dma_start3A_630 = arith.constant 0 : i32
      %dma_start3A_631 = arith.constant 0 : i32
      %dma_start3A_632 = arith.constant 0 : i32
      %dma_start3A_633 = arith.constant 0 : i32
      %dma_start3A_634 = tpu.memref_slice %arg6[%dma_start3A_630, %dma_start3A_632, %dma_start3A_633] : memref<2x512x64xf32, #tpu.memory_space<vmem>> -> memref<1x512x64xf32, #tpu.memory_space<vmem>>
      %dma_start3A_635 = tpu.memref_squeeze %dma_start3A_634 : memref<1x512x64xf32, #tpu.memory_space<vmem>> -> memref<512x64xf32, #tpu.memory_space<vmem>>
      %dma_start3A_636 = arith.constant 0 : i32
      %dma_start3A_637 = arith.constant 0 : i32
      %dma_start3A_638 = tpu.memref_slice %arg4[%add3A, %add3A_611, %dma_start3A_636, %dma_start3A_637] : memref<32x50x512x64xf32, #tpu.memory_space<hbm>> -> memref<1x1x512x64xf32, #tpu.memory_space<hbm>>
      %dma_start3A_639 = tpu.memref_squeeze %dma_start3A_638 : memref<1x1x512x64xf32, #tpu.memory_space<hbm>> -> memref<512x64xf32, #tpu.memory_space<hbm>>
      %dma_start3A_640 = tpu.memref_slice %arg8[%dma_start3A_631] : memref<2x!tpu.dma_semaphore, #tpu.memory_space<semaphore_mem>> -> memref<1x!tpu.dma_semaphore, #tpu.memory_space<semaphore_mem>>
      %dma_start3A_641 = tpu.memref_squeeze %dma_start3A_640 : memref<1x!tpu.dma_semaphore, #tpu.memory_space<semaphore_mem>> -> memref<!tpu.dma_semaphore, #tpu.memory_space<semaphore_mem>>
      %dma_start3A_642 = arith.constant 0 : i32
      %dma_start3A_643 = arith.constant 0 : i32
      %dma_start3A_644 = tpu.memref_slice %arg4[%add3A, %add3A_611, %dma_start3A_642, %dma_start3A_643] : memref<32x50x512x64xf32, #tpu.memory_space<hbm>> -> memref<1x1x512x64xf32, #tpu.memory_space<hbm>>
      %dma_start3A_645 = tpu.memref_squeeze %dma_start3A_644 : memref<1x1x512x64xf32, #tpu.memory_space<hbm>> -> memref<512x64xf32, #tpu.memory_space<hbm>>
      %dma_start3A_646 = arith.constant 0 : i32
      %dma_start3A_647 = arith.constant 0 : i32
      %dma_start3A_648 = tpu.memref_slice %arg6[%dma_start3A_630, %dma_start3A_646, %dma_start3A_647] : memref<2x512x64xf32, #tpu.memory_space<vmem>> -> memref<1x512x64xf32, #tpu.memory_space<vmem>>
      %dma_start3A_649 = tpu.memref_squeeze %dma_start3A_648 : memref<1x512x64xf32, #tpu.memory_space<vmem>> -> memref<512x64xf32, #tpu.memory_space<vmem>>
      tpu.enqueue_dma source(%dma_start3A_649 : memref<512x64xf32, #tpu.memory_space<vmem>>) target(%dma_start3A_645 : memref<512x64xf32, #tpu.memory_space<hbm>>) target_semaphore(%dma_start3A_641 : memref<!tpu.dma_semaphore, #tpu.memory_space<semaphore_mem>>)
      %dma_wait3A_650 = arith.constant 0 : i32
      %dma_wait3A_651 = arith.constant 0 : i32
      %dma_wait3A_652 = arith.constant 0 : i32
      %dma_wait3A_653 = arith.constant 0 : i32
      %dma_wait3A_654 = arith.constant 0 : i32
      %dma_wait3A_655 = arith.constant 0 : i32
      %dma_wait3A_656 = tpu.memref_slice %arg6[%dma_wait3A_650, %dma_wait3A_654, %dma_wait3A_655] : memref<2x512x64xf32, #tpu.memory_space<vmem>> -> memref<1x512x64xf32, #tpu.memory_space<vmem>>
      %dma_wait3A_657 = tpu.memref_squeeze %dma_wait3A_656 : memref<1x512x64xf32, #tpu.memory_space<vmem>> -> memref<512x64xf32, #tpu.memory_space<vmem>>
      %dma_wait3A_658 = arith.constant 0 : i32
      %dma_wait3A_659 = arith.constant 0 : i32
      %dma_wait3A_660 = tpu.memref_slice %arg4[%dma_wait3A_651, %dma_wait3A_652, %dma_wait3A_658, %dma_wait3A_659] : memref<32x50x512x64xf32, #tpu.memory_space<hbm>> -> memref<1x1x512x64xf32, #tpu.memory_space<hbm>>
      %dma_wait3A_661 = tpu.memref_squeeze %dma_wait3A_660 : memref<1x1x512x64xf32, #tpu.memory_space<hbm>> -> memref<512x64xf32, #tpu.memory_space<hbm>>
      %dma_wait3A_662 = tpu.memref_slice %arg8[%dma_wait3A_653] : memref<2x!tpu.dma_semaphore, #tpu.memory_space<semaphore_mem>> -> memref<1x!tpu.dma_semaphore, #tpu.memory_space<semaphore_mem>>
      %dma_wait3A_663 = tpu.memref_squeeze %dma_wait3A_662 : memref<1x!tpu.dma_semaphore, #tpu.memory_space<semaphore_mem>> -> memref<!tpu.dma_semaphore, #tpu.memory_space<semaphore_mem>>
      %dma_wait3A_664 = arith.constant 0 : i32
      %dma_wait3A_665 = arith.constant 0 : i32
      %dma_wait3A_666 = tpu.memref_slice %arg4[%dma_wait3A_651, %dma_wait3A_652, %dma_wait3A_664, %dma_wait3A_665] : memref<32x50x512x64xf32, #tpu.memory_space<hbm>> -> memref<1x1x512x64xf32, #tpu.memory_space<hbm>>
      %dma_wait3A_667 = tpu.memref_squeeze %dma_wait3A_666 : memref<1x1x512x64xf32, #tpu.memory_space<hbm>> -> memref<512x64xf32, #tpu.memory_space<hbm>>
      %dma_wait3A_668 = arith.constant 0 : i32
      %dma_wait3A_669 = arith.constant 0 : i32
      %dma_wait3A_670 = tpu.memref_slice %arg6[%dma_wait3A_650, %dma_wait3A_668, %dma_wait3A_669] : memref<2x512x64xf32, #tpu.memory_space<vmem>> -> memref<1x512x64xf32, #tpu.memory_space<vmem>>
      %dma_wait3A_671 = tpu.memref_squeeze %dma_wait3A_670 : memref<1x512x64xf32, #tpu.memory_space<vmem>> -> memref<512x64xf32, #tpu.memory_space<vmem>>
      tpu.wait_dma2 semaphore(%dma_wait3A_663 : memref<!tpu.dma_semaphore, #tpu.memory_space<semaphore_mem>>) src(%dma_wait3A_671 : memref<512x64xf32, #tpu.memory_space<vmem>>) dst(%dma_wait3A_667 : memref<512x64xf32, #tpu.memory_space<hbm>>)
      %add3A_672 = arith.constant 2 : i32
      %add3A_673 = arith.addi %add3A_611, %add3A_672 : i32
      %mul3A_674 = arith.constant 16 : i32
      %mul3A_675 = arith.muli %add3A_673, %mul3A_674 : i32
      %add3A_676 = arith.constant 0 : i32
      %add3A_677 = arith.addi %mul3A_675, %add3A_676 : i32
      %dma_start3A_678 = arith.constant 0 : i32
      %dma_start3A_679 = arith.constant 0 : i32
      %dma_start3A_680 = arith.constant 0 : i32
      %dma_start3A_681 = arith.constant 0 : i32
      %dma_start3A_682 = tpu.memref_slice %arg6[%dma_start3A_678, %dma_start3A_680, %dma_start3A_681] : memref<2x512x64xf32, #tpu.memory_space<vmem>> -> memref<1x32x64xf32, #tpu.memory_space<vmem>>
      %dma_start3A_683 = tpu.memref_squeeze %dma_start3A_682 : memref<1x32x64xf32, #tpu.memory_space<vmem>> -> memref<32x64xf32, #tpu.memory_space<vmem>>
      %dma_start3A_684 = arith.constant 0 : i32
      %dma_start3A_685 = tpu.memref_slice %arg5[%add3A_677, %dma_start3A_684] : memref<800x32xi32, #tpu.memory_space<vmem>> -> memref<1x32xi32, #tpu.memory_space<vmem>>
      %dma_start3A_686 = tpu.memref_squeeze %dma_start3A_685 : memref<1x32xi32, #tpu.memory_space<vmem>> -> memref<32xi32, #tpu.memory_space<vmem>>
      %dma_start3A_687 = arith.constant 0 : i32
      %dma_start3A_688 = arith.constant 0 : i32
      %dma_start3A_689 = tpu.memref_slice %arg3[%dma_start3A_687, %dma_start3A_688] : memref<1000000x64xf32, #tpu.memory_space<hbm>> -> memref<1000000x64xf32, #tpu.memory_space<hbm>>
      %dma_start3A_690 = tpu.memref_slice %arg7[%dma_start3A_679] : memref<2x!tpu.dma_semaphore, #tpu.memory_space<semaphore_mem>> -> memref<1x!tpu.dma_semaphore, #tpu.memory_space<semaphore_mem>>
      %dma_start3A_691 = tpu.memref_squeeze %dma_start3A_690 : memref<1x!tpu.dma_semaphore, #tpu.memory_space<semaphore_mem>> -> memref<!tpu.dma_semaphore, #tpu.memory_space<semaphore_mem>>
      tpu.enqueue_indirect_dma source(%dma_start3A_689 : memref<1000000x64xf32, #tpu.memory_space<hbm>>) target(%dma_start3A_683 : memref<32x64xf32, #tpu.memory_space<vmem>>) offsets(%dma_start3A_686 : memref<32xi32, #tpu.memory_space<vmem>>) semaphore(%dma_start3A_691 : memref<!tpu.dma_semaphore, #tpu.memory_space<semaphore_mem>>)
      %mul3A_692 = arith.constant 16 : i32
      %mul3A_693 = arith.muli %add3A_673, %mul3A_692 : i32
      %add3A_694 = arith.constant 1 : i32
      %add3A_695 = arith.addi %mul3A_693, %add3A_694 : i32
      %dma_start3A_696 = arith.constant 0 : i32
      %dma_start3A_697 = arith.constant 0 : i32
      %dma_start3A_698 = arith.constant 32 : i32
      %dma_start3A_699 = arith.constant 0 : i32
      %dma_start3A_700 = tpu.memref_slice %arg6[%dma_start3A_696, %dma_start3A_698, %dma_start3A_699] : memref<2x512x64xf32, #tpu.memory_space<vmem>> -> memref<1x32x64xf32, #tpu.memory_space<vmem>>
      %dma_start3A_701 = tpu.memref_squeeze %dma_start3A_700 : memref<1x32x64xf32, #tpu.memory_space<vmem>> -> memref<32x64xf32, #tpu.memory_space<vmem>>
      %dma_start3A_702 = arith.constant 0 : i32
      %dma_start3A_703 = tpu.memref_slice %arg5[%add3A_695, %dma_start3A_702] : memref<800x32xi32, #tpu.memory_space<vmem>> -> memref<1x32xi32, #tpu.memory_space<vmem>>
      %dma_start3A_704 = tpu.memref_squeeze %dma_start3A_703 : memref<1x32xi32, #tpu.memory_space<vmem>> -> memref<32xi32, #tpu.memory_space<vmem>>
      %dma_start3A_705 = arith.constant 0 : i32
      %dma_start3A_706 = arith.constant 0 : i32
      %dma_start3A_707 = tpu.memref_slice %arg3[%dma_start3A_705, %dma_start3A_706] : memref<1000000x64xf32, #tpu.memory_space<hbm>> -> memref<1000000x64xf32, #tpu.memory_space<hbm>>
      %dma_start3A_708 = tpu.memref_slice %arg7[%dma_start3A_697] : memref<2x!tpu.dma_semaphore, #tpu.memory_space<semaphore_mem>> -> memref<1x!tpu.dma_semaphore, #tpu.memory_space<semaphore_mem>>
      %dma_start3A_709 = tpu.memref_squeeze %dma_start3A_708 : memref<1x!tpu.dma_semaphore, #tpu.memory_space<semaphore_mem>> -> memref<!tpu.dma_semaphore, #tpu.memory_space<semaphore_mem>>
      tpu.enqueue_indirect_dma source(%dma_start3A_707 : memref<1000000x64xf32, #tpu.memory_space<hbm>>) target(%dma_start3A_701 : memref<32x64xf32, #tpu.memory_space<vmem>>) offsets(%dma_start3A_704 : memref<32xi32, #tpu.memory_space<vmem>>) semaphore(%dma_start3A_709 : memref<!tpu.dma_semaphore, #tpu.memory_space<semaphore_mem>>)
      %mul3A_710 = arith.constant 16 : i32
      %mul3A_711 = arith.muli %add3A_673, %mul3A_710 : i32
      %add3A_712 = arith.constant 2 : i32
      %add3A_713 = arith.addi %mul3A_711, %add3A_712 : i32
      %dma_start3A_714 = arith.constant 0 : i32
      %dma_start3A_715 = arith.constant 0 : i32
      %dma_start3A_716 = arith.constant 64 : i32
      %dma_start3A_717 = arith.constant 0 : i32
      %dma_start3A_718 = tpu.memref_slice %arg6[%dma_start3A_714, %dma_start3A_716, %dma_start3A_717] : memref<2x512x64xf32, #tpu.memory_space<vmem>> -> memref<1x32x64xf32, #tpu.memory_space<vmem>>
      %dma_start3A_719 = tpu.memref_squeeze %dma_start3A_718 : memref<1x32x64xf32, #tpu.memory_space<vmem>> -> memref<32x64xf32, #tpu.memory_space<vmem>>
      %dma_start3A_720 = arith.constant 0 : i32
      %dma_start3A_721 = tpu.memref_slice %arg5[%add3A_713, %dma_start3A_720] : memref<800x32xi32, #tpu.memory_space<vmem>> -> memref<1x32xi32, #tpu.memory_space<vmem>>
      %dma_start3A_722 = tpu.memref_squeeze %dma_start3A_721 : memref<1x32xi32, #tpu.memory_space<vmem>> -> memref<32xi32, #tpu.memory_space<vmem>>
      %dma_start3A_723 = arith.constant 0 : i32
      %dma_start3A_724 = arith.constant 0 : i32
      %dma_start3A_725 = tpu.memref_slice %arg3[%dma_start3A_723, %dma_start3A_724] : memref<1000000x64xf32, #tpu.memory_space<hbm>> -> memref<1000000x64xf32, #tpu.memory_space<hbm>>
      %dma_start3A_726 = tpu.memref_slice %arg7[%dma_start3A_715] : memref<2x!tpu.dma_semaphore, #tpu.memory_space<semaphore_mem>> -> memref<1x!tpu.dma_semaphore, #tpu.memory_space<semaphore_mem>>
      %dma_start3A_727 = tpu.memref_squeeze %dma_start3A_726 : memref<1x!tpu.dma_semaphore, #tpu.memory_space<semaphore_mem>> -> memref<!tpu.dma_semaphore, #tpu.memory_space<semaphore_mem>>
      tpu.enqueue_indirect_dma source(%dma_start3A_725 : memref<1000000x64xf32, #tpu.memory_space<hbm>>) target(%dma_start3A_719 : memref<32x64xf32, #tpu.memory_space<vmem>>) offsets(%dma_start3A_722 : memref<32xi32, #tpu.memory_space<vmem>>) semaphore(%dma_start3A_727 : memref<!tpu.dma_semaphore, #tpu.memory_space<semaphore_mem>>)
      %mul3A_728 = arith.constant 16 : i32
      %mul3A_729 = arith.muli %add3A_673, %mul3A_728 : i32
      %add3A_730 = arith.constant 3 : i32
      %add3A_731 = arith.addi %mul3A_729, %add3A_730 : i32
      %dma_start3A_732 = arith.constant 0 : i32
      %dma_start3A_733 = arith.constant 0 : i32
      %dma_start3A_734 = arith.constant 96 : i32
      %dma_start3A_735 = arith.constant 0 : i32
      %dma_start3A_736 = tpu.memref_slice %arg6[%dma_start3A_732, %dma_start3A_734, %dma_start3A_735] : memref<2x512x64xf32, #tpu.memory_space<vmem>> -> memref<1x32x64xf32, #tpu.memory_space<vmem>>
      %dma_start3A_737 = tpu.memref_squeeze %dma_start3A_736 : memref<1x32x64xf32, #tpu.memory_space<vmem>> -> memref<32x64xf32, #tpu.memory_space<vmem>>
      %dma_start3A_738 = arith.constant 0 : i32
      %dma_start3A_739 = tpu.memref_slice %arg5[%add3A_731, %dma_start3A_738] : memref<800x32xi32, #tpu.memory_space<vmem>> -> memref<1x32xi32, #tpu.memory_space<vmem>>
      %dma_start3A_740 = tpu.memref_squeeze %dma_start3A_739 : memref<1x32xi32, #tpu.memory_space<vmem>> -> memref<32xi32, #tpu.memory_space<vmem>>
      %dma_start3A_741 = arith.constant 0 : i32
      %dma_start3A_742 = arith.constant 0 : i32
      %dma_start3A_743 = tpu.memref_slice %arg3[%dma_start3A_741, %dma_start3A_742] : memref<1000000x64xf32, #tpu.memory_space<hbm>> -> memref<1000000x64xf32, #tpu.memory_space<hbm>>
      %dma_start3A_744 = tpu.memref_slice %arg7[%dma_start3A_733] : memref<2x!tpu.dma_semaphore, #tpu.memory_space<semaphore_mem>> -> memref<1x!tpu.dma_semaphore, #tpu.memory_space<semaphore_mem>>
      %dma_start3A_745 = tpu.memref_squeeze %dma_start3A_744 : memref<1x!tpu.dma_semaphore, #tpu.memory_space<semaphore_mem>> -> memref<!tpu.dma_semaphore, #tpu.memory_space<semaphore_mem>>
      tpu.enqueue_indirect_dma source(%dma_start3A_743 : memref<1000000x64xf32, #tpu.memory_space<hbm>>) target(%dma_start3A_737 : memref<32x64xf32, #tpu.memory_space<vmem>>) offsets(%dma_start3A_740 : memref<32xi32, #tpu.memory_space<vmem>>) semaphore(%dma_start3A_745 : memref<!tpu.dma_semaphore, #tpu.memory_space<semaphore_mem>>)
      %mul3A_746 = arith.constant 16 : i32
      %mul3A_747 = arith.muli %add3A_673, %mul3A_746 : i32
      %add3A_748 = arith.constant 4 : i32
      %add3A_749 = arith.addi %mul3A_747, %add3A_748 : i32
      %dma_start3A_750 = arith.constant 0 : i32
      %dma_start3A_751 = arith.constant 0 : i32
      %dma_start3A_752 = arith.constant 128 : i32
      %dma_start3A_753 = arith.constant 0 : i32
      %dma_start3A_754 = tpu.memref_slice %arg6[%dma_start3A_750, %dma_start3A_752, %dma_start3A_753] : memref<2x512x64xf32, #tpu.memory_space<vmem>> -> memref<1x32x64xf32, #tpu.memory_space<vmem>>
      %dma_start3A_755 = tpu.memref_squeeze %dma_start3A_754 : memref<1x32x64xf32, #tpu.memory_space<vmem>> -> memref<32x64xf32, #tpu.memory_space<vmem>>
      %dma_start3A_756 = arith.constant 0 : i32
      %dma_start3A_757 = tpu.memref_slice %arg5[%add3A_749, %dma_start3A_756] : memref<800x32xi32, #tpu.memory_space<vmem>> -> memref<1x32xi32, #tpu.memory_space<vmem>>
      %dma_start3A_758 = tpu.memref_squeeze %dma_start3A_757 : memref<1x32xi32, #tpu.memory_space<vmem>> -> memref<32xi32, #tpu.memory_space<vmem>>
      %dma_start3A_759 = arith.constant 0 : i32
      %dma_start3A_760 = arith.constant 0 : i32
      %dma_start3A_761 = tpu.memref_slice %arg3[%dma_start3A_759, %dma_start3A_760] : memref<1000000x64xf32, #tpu.memory_space<hbm>> -> memref<1000000x64xf32, #tpu.memory_space<hbm>>
      %dma_start3A_762 = tpu.memref_slice %arg7[%dma_start3A_751] : memref<2x!tpu.dma_semaphore, #tpu.memory_space<semaphore_mem>> -> memref<1x!tpu.dma_semaphore, #tpu.memory_space<semaphore_mem>>
      %dma_start3A_763 = tpu.memref_squeeze %dma_start3A_762 : memref<1x!tpu.dma_semaphore, #tpu.memory_space<semaphore_mem>> -> memref<!tpu.dma_semaphore, #tpu.memory_space<semaphore_mem>>
      tpu.enqueue_indirect_dma source(%dma_start3A_761 : memref<1000000x64xf32, #tpu.memory_space<hbm>>) target(%dma_start3A_755 : memref<32x64xf32, #tpu.memory_space<vmem>>) offsets(%dma_start3A_758 : memref<32xi32, #tpu.memory_space<vmem>>) semaphore(%dma_start3A_763 : memref<!tpu.dma_semaphore, #tpu.memory_space<semaphore_mem>>)
      %mul3A_764 = arith.constant 16 : i32
      %mul3A_765 = arith.muli %add3A_673, %mul3A_764 : i32
      %add3A_766 = arith.constant 5 : i32
      %add3A_767 = arith.addi %mul3A_765, %add3A_766 : i32
      %dma_start3A_768 = arith.constant 0 : i32
      %dma_start3A_769 = arith.constant 0 : i32
      %dma_start3A_770 = arith.constant 160 : i32
      %dma_start3A_771 = arith.constant 0 : i32
      %dma_start3A_772 = tpu.memref_slice %arg6[%dma_start3A_768, %dma_start3A_770, %dma_start3A_771] : memref<2x512x64xf32, #tpu.memory_space<vmem>> -> memref<1x32x64xf32, #tpu.memory_space<vmem>>
      %dma_start3A_773 = tpu.memref_squeeze %dma_start3A_772 : memref<1x32x64xf32, #tpu.memory_space<vmem>> -> memref<32x64xf32, #tpu.memory_space<vmem>>
      %dma_start3A_774 = arith.constant 0 : i32
      %dma_start3A_775 = tpu.memref_slice %arg5[%add3A_767, %dma_start3A_774] : memref<800x32xi32, #tpu.memory_space<vmem>> -> memref<1x32xi32, #tpu.memory_space<vmem>>
      %dma_start3A_776 = tpu.memref_squeeze %dma_start3A_775 : memref<1x32xi32, #tpu.memory_space<vmem>> -> memref<32xi32, #tpu.memory_space<vmem>>
      %dma_start3A_777 = arith.constant 0 : i32
      %dma_start3A_778 = arith.constant 0 : i32
      %dma_start3A_779 = tpu.memref_slice %arg3[%dma_start3A_777, %dma_start3A_778] : memref<1000000x64xf32, #tpu.memory_space<hbm>> -> memref<1000000x64xf32, #tpu.memory_space<hbm>>
      %dma_start3A_780 = tpu.memref_slice %arg7[%dma_start3A_769] : memref<2x!tpu.dma_semaphore, #tpu.memory_space<semaphore_mem>> -> memref<1x!tpu.dma_semaphore, #tpu.memory_space<semaphore_mem>>
      %dma_start3A_781 = tpu.memref_squeeze %dma_start3A_780 : memref<1x!tpu.dma_semaphore, #tpu.memory_space<semaphore_mem>> -> memref<!tpu.dma_semaphore, #tpu.memory_space<semaphore_mem>>
      tpu.enqueue_indirect_dma source(%dma_start3A_779 : memref<1000000x64xf32, #tpu.memory_space<hbm>>) target(%dma_start3A_773 : memref<32x64xf32, #tpu.memory_space<vmem>>) offsets(%dma_start3A_776 : memref<32xi32, #tpu.memory_space<vmem>>) semaphore(%dma_start3A_781 : memref<!tpu.dma_semaphore, #tpu.memory_space<semaphore_mem>>)
      %mul3A_782 = arith.constant 16 : i32
      %mul3A_783 = arith.muli %add3A_673, %mul3A_782 : i32
      %add3A_784 = arith.constant 6 : i32
      %add3A_785 = arith.addi %mul3A_783, %add3A_784 : i32
      %dma_start3A_786 = arith.constant 0 : i32
      %dma_start3A_787 = arith.constant 0 : i32
      %dma_start3A_788 = arith.constant 192 : i32
      %dma_start3A_789 = arith.constant 0 : i32
      %dma_start3A_790 = tpu.memref_slice %arg6[%dma_start3A_786, %dma_start3A_788, %dma_start3A_789] : memref<2x512x64xf32, #tpu.memory_space<vmem>> -> memref<1x32x64xf32, #tpu.memory_space<vmem>>
      %dma_start3A_791 = tpu.memref_squeeze %dma_start3A_790 : memref<1x32x64xf32, #tpu.memory_space<vmem>> -> memref<32x64xf32, #tpu.memory_space<vmem>>
      %dma_start3A_792 = arith.constant 0 : i32
      %dma_start3A_793 = tpu.memref_slice %arg5[%add3A_785, %dma_start3A_792] : memref<800x32xi32, #tpu.memory_space<vmem>> -> memref<1x32xi32, #tpu.memory_space<vmem>>
      %dma_start3A_794 = tpu.memref_squeeze %dma_start3A_793 : memref<1x32xi32, #tpu.memory_space<vmem>> -> memref<32xi32, #tpu.memory_space<vmem>>
      %dma_start3A_795 = arith.constant 0 : i32
      %dma_start3A_796 = arith.constant 0 : i32
      %dma_start3A_797 = tpu.memref_slice %arg3[%dma_start3A_795, %dma_start3A_796] : memref<1000000x64xf32, #tpu.memory_space<hbm>> -> memref<1000000x64xf32, #tpu.memory_space<hbm>>
      %dma_start3A_798 = tpu.memref_slice %arg7[%dma_start3A_787] : memref<2x!tpu.dma_semaphore, #tpu.memory_space<semaphore_mem>> -> memref<1x!tpu.dma_semaphore, #tpu.memory_space<semaphore_mem>>
      %dma_start3A_799 = tpu.memref_squeeze %dma_start3A_798 : memref<1x!tpu.dma_semaphore, #tpu.memory_space<semaphore_mem>> -> memref<!tpu.dma_semaphore, #tpu.memory_space<semaphore_mem>>
      tpu.enqueue_indirect_dma source(%dma_start3A_797 : memref<1000000x64xf32, #tpu.memory_space<hbm>>) target(%dma_start3A_791 : memref<32x64xf32, #tpu.memory_space<vmem>>) offsets(%dma_start3A_794 : memref<32xi32, #tpu.memory_space<vmem>>) semaphore(%dma_start3A_799 : memref<!tpu.dma_semaphore, #tpu.memory_space<semaphore_mem>>)
      %mul3A_800 = arith.constant 16 : i32
      %mul3A_801 = arith.muli %add3A_673, %mul3A_800 : i32
      %add3A_802 = arith.constant 7 : i32
      %add3A_803 = arith.addi %mul3A_801, %add3A_802 : i32
      %dma_start3A_804 = arith.constant 0 : i32
      %dma_start3A_805 = arith.constant 0 : i32
      %dma_start3A_806 = arith.constant 224 : i32
      %dma_start3A_807 = arith.constant 0 : i32
      %dma_start3A_808 = tpu.memref_slice %arg6[%dma_start3A_804, %dma_start3A_806, %dma_start3A_807] : memref<2x512x64xf32, #tpu.memory_space<vmem>> -> memref<1x32x64xf32, #tpu.memory_space<vmem>>
      %dma_start3A_809 = tpu.memref_squeeze %dma_start3A_808 : memref<1x32x64xf32, #tpu.memory_space<vmem>> -> memref<32x64xf32, #tpu.memory_space<vmem>>
      %dma_start3A_810 = arith.constant 0 : i32
      %dma_start3A_811 = tpu.memref_slice %arg5[%add3A_803, %dma_start3A_810] : memref<800x32xi32, #tpu.memory_space<vmem>> -> memref<1x32xi32, #tpu.memory_space<vmem>>
      %dma_start3A_812 = tpu.memref_squeeze %dma_start3A_811 : memref<1x32xi32, #tpu.memory_space<vmem>> -> memref<32xi32, #tpu.memory_space<vmem>>
      %dma_start3A_813 = arith.constant 0 : i32
      %dma_start3A_814 = arith.constant 0 : i32
      %dma_start3A_815 = tpu.memref_slice %arg3[%dma_start3A_813, %dma_start3A_814] : memref<1000000x64xf32, #tpu.memory_space<hbm>> -> memref<1000000x64xf32, #tpu.memory_space<hbm>>
      %dma_start3A_816 = tpu.memref_slice %arg7[%dma_start3A_805] : memref<2x!tpu.dma_semaphore, #tpu.memory_space<semaphore_mem>> -> memref<1x!tpu.dma_semaphore, #tpu.memory_space<semaphore_mem>>
      %dma_start3A_817 = tpu.memref_squeeze %dma_start3A_816 : memref<1x!tpu.dma_semaphore, #tpu.memory_space<semaphore_mem>> -> memref<!tpu.dma_semaphore, #tpu.memory_space<semaphore_mem>>
      tpu.enqueue_indirect_dma source(%dma_start3A_815 : memref<1000000x64xf32, #tpu.memory_space<hbm>>) target(%dma_start3A_809 : memref<32x64xf32, #tpu.memory_space<vmem>>) offsets(%dma_start3A_812 : memref<32xi32, #tpu.memory_space<vmem>>) semaphore(%dma_start3A_817 : memref<!tpu.dma_semaphore, #tpu.memory_space<semaphore_mem>>)
      %mul3A_818 = arith.constant 16 : i32
      %mul3A_819 = arith.muli %add3A_673, %mul3A_818 : i32
      %add3A_820 = arith.constant 8 : i32
      %add3A_821 = arith.addi %mul3A_819, %add3A_820 : i32
      %dma_start3A_822 = arith.constant 0 : i32
      %dma_start3A_823 = arith.constant 0 : i32
      %dma_start3A_824 = arith.constant 256 : i32
      %dma_start3A_825 = arith.constant 0 : i32
      %dma_start3A_826 = tpu.memref_slice %arg6[%dma_start3A_822, %dma_start3A_824, %dma_start3A_825] : memref<2x512x64xf32, #tpu.memory_space<vmem>> -> memref<1x32x64xf32, #tpu.memory_space<vmem>>
      %dma_start3A_827 = tpu.memref_squeeze %dma_start3A_826 : memref<1x32x64xf32, #tpu.memory_space<vmem>> -> memref<32x64xf32, #tpu.memory_space<vmem>>
      %dma_start3A_828 = arith.constant 0 : i32
      %dma_start3A_829 = tpu.memref_slice %arg5[%add3A_821, %dma_start3A_828] : memref<800x32xi32, #tpu.memory_space<vmem>> -> memref<1x32xi32, #tpu.memory_space<vmem>>
      %dma_start3A_830 = tpu.memref_squeeze %dma_start3A_829 : memref<1x32xi32, #tpu.memory_space<vmem>> -> memref<32xi32, #tpu.memory_space<vmem>>
      %dma_start3A_831 = arith.constant 0 : i32
      %dma_start3A_832 = arith.constant 0 : i32
      %dma_start3A_833 = tpu.memref_slice %arg3[%dma_start3A_831, %dma_start3A_832] : memref<1000000x64xf32, #tpu.memory_space<hbm>> -> memref<1000000x64xf32, #tpu.memory_space<hbm>>
      %dma_start3A_834 = tpu.memref_slice %arg7[%dma_start3A_823] : memref<2x!tpu.dma_semaphore, #tpu.memory_space<semaphore_mem>> -> memref<1x!tpu.dma_semaphore, #tpu.memory_space<semaphore_mem>>
      %dma_start3A_835 = tpu.memref_squeeze %dma_start3A_834 : memref<1x!tpu.dma_semaphore, #tpu.memory_space<semaphore_mem>> -> memref<!tpu.dma_semaphore, #tpu.memory_space<semaphore_mem>>
      tpu.enqueue_indirect_dma source(%dma_start3A_833 : memref<1000000x64xf32, #tpu.memory_space<hbm>>) target(%dma_start3A_827 : memref<32x64xf32, #tpu.memory_space<vmem>>) offsets(%dma_start3A_830 : memref<32xi32, #tpu.memory_space<vmem>>) semaphore(%dma_start3A_835 : memref<!tpu.dma_semaphore, #tpu.memory_space<semaphore_mem>>)
      %mul3A_836 = arith.constant 16 : i32
      %mul3A_837 = arith.muli %add3A_673, %mul3A_836 : i32
      %add3A_838 = arith.constant 9 : i32
      %add3A_839 = arith.addi %mul3A_837, %add3A_838 : i32
      %dma_start3A_840 = arith.constant 0 : i32
      %dma_start3A_841 = arith.constant 0 : i32
      %dma_start3A_842 = arith.constant 288 : i32
      %dma_start3A_843 = arith.constant 0 : i32
      %dma_start3A_844 = tpu.memref_slice %arg6[%dma_start3A_840, %dma_start3A_842, %dma_start3A_843] : memref<2x512x64xf32, #tpu.memory_space<vmem>> -> memref<1x32x64xf32, #tpu.memory_space<vmem>>
      %dma_start3A_845 = tpu.memref_squeeze %dma_start3A_844 : memref<1x32x64xf32, #tpu.memory_space<vmem>> -> memref<32x64xf32, #tpu.memory_space<vmem>>
      %dma_start3A_846 = arith.constant 0 : i32
      %dma_start3A_847 = tpu.memref_slice %arg5[%add3A_839, %dma_start3A_846] : memref<800x32xi32, #tpu.memory_space<vmem>> -> memref<1x32xi32, #tpu.memory_space<vmem>>
      %dma_start3A_848 = tpu.memref_squeeze %dma_start3A_847 : memref<1x32xi32, #tpu.memory_space<vmem>> -> memref<32xi32, #tpu.memory_space<vmem>>
      %dma_start3A_849 = arith.constant 0 : i32
      %dma_start3A_850 = arith.constant 0 : i32
      %dma_start3A_851 = tpu.memref_slice %arg3[%dma_start3A_849, %dma_start3A_850] : memref<1000000x64xf32, #tpu.memory_space<hbm>> -> memref<1000000x64xf32, #tpu.memory_space<hbm>>
      %dma_start3A_852 = tpu.memref_slice %arg7[%dma_start3A_841] : memref<2x!tpu.dma_semaphore, #tpu.memory_space<semaphore_mem>> -> memref<1x!tpu.dma_semaphore, #tpu.memory_space<semaphore_mem>>
      %dma_start3A_853 = tpu.memref_squeeze %dma_start3A_852 : memref<1x!tpu.dma_semaphore, #tpu.memory_space<semaphore_mem>> -> memref<!tpu.dma_semaphore, #tpu.memory_space<semaphore_mem>>
      tpu.enqueue_indirect_dma source(%dma_start3A_851 : memref<1000000x64xf32, #tpu.memory_space<hbm>>) target(%dma_start3A_845 : memref<32x64xf32, #tpu.memory_space<vmem>>) offsets(%dma_start3A_848 : memref<32xi32, #tpu.memory_space<vmem>>) semaphore(%dma_start3A_853 : memref<!tpu.dma_semaphore, #tpu.memory_space<semaphore_mem>>)
      %mul3A_854 = arith.constant 16 : i32
      %mul3A_855 = arith.muli %add3A_673, %mul3A_854 : i32
      %add3A_856 = arith.constant 10 : i32
      %add3A_857 = arith.addi %mul3A_855, %add3A_856 : i32
      %dma_start3A_858 = arith.constant 0 : i32
      %dma_start3A_859 = arith.constant 0 : i32
      %dma_start3A_860 = arith.constant 320 : i32
      %dma_start3A_861 = arith.constant 0 : i32
      %dma_start3A_862 = tpu.memref_slice %arg6[%dma_start3A_858, %dma_start3A_860, %dma_start3A_861] : memref<2x512x64xf32, #tpu.memory_space<vmem>> -> memref<1x32x64xf32, #tpu.memory_space<vmem>>
      %dma_start3A_863 = tpu.memref_squeeze %dma_start3A_862 : memref<1x32x64xf32, #tpu.memory_space<vmem>> -> memref<32x64xf32, #tpu.memory_space<vmem>>
      %dma_start3A_864 = arith.constant 0 : i32
      %dma_start3A_865 = tpu.memref_slice %arg5[%add3A_857, %dma_start3A_864] : memref<800x32xi32, #tpu.memory_space<vmem>> -> memref<1x32xi32, #tpu.memory_space<vmem>>
      %dma_start3A_866 = tpu.memref_squeeze %dma_start3A_865 : memref<1x32xi32, #tpu.memory_space<vmem>> -> memref<32xi32, #tpu.memory_space<vmem>>
      %dma_start3A_867 = arith.constant 0 : i32
      %dma_start3A_868 = arith.constant 0 : i32
      %dma_start3A_869 = tpu.memref_slice %arg3[%dma_start3A_867, %dma_start3A_868] : memref<1000000x64xf32, #tpu.memory_space<hbm>> -> memref<1000000x64xf32, #tpu.memory_space<hbm>>
      %dma_start3A_870 = tpu.memref_slice %arg7[%dma_start3A_859] : memref<2x!tpu.dma_semaphore, #tpu.memory_space<semaphore_mem>> -> memref<1x!tpu.dma_semaphore, #tpu.memory_space<semaphore_mem>>
      %dma_start3A_871 = tpu.memref_squeeze %dma_start3A_870 : memref<1x!tpu.dma_semaphore, #tpu.memory_space<semaphore_mem>> -> memref<!tpu.dma_semaphore, #tpu.memory_space<semaphore_mem>>
      tpu.enqueue_indirect_dma source(%dma_start3A_869 : memref<1000000x64xf32, #tpu.memory_space<hbm>>) target(%dma_start3A_863 : memref<32x64xf32, #tpu.memory_space<vmem>>) offsets(%dma_start3A_866 : memref<32xi32, #tpu.memory_space<vmem>>) semaphore(%dma_start3A_871 : memref<!tpu.dma_semaphore, #tpu.memory_space<semaphore_mem>>)
      %mul3A_872 = arith.constant 16 : i32
      %mul3A_873 = arith.muli %add3A_673, %mul3A_872 : i32
      %add3A_874 = arith.constant 11 : i32
      %add3A_875 = arith.addi %mul3A_873, %add3A_874 : i32
      %dma_start3A_876 = arith.constant 0 : i32
      %dma_start3A_877 = arith.constant 0 : i32
      %dma_start3A_878 = arith.constant 352 : i32
      %dma_start3A_879 = arith.constant 0 : i32
      %dma_start3A_880 = tpu.memref_slice %arg6[%dma_start3A_876, %dma_start3A_878, %dma_start3A_879] : memref<2x512x64xf32, #tpu.memory_space<vmem>> -> memref<1x32x64xf32, #tpu.memory_space<vmem>>
      %dma_start3A_881 = tpu.memref_squeeze %dma_start3A_880 : memref<1x32x64xf32, #tpu.memory_space<vmem>> -> memref<32x64xf32, #tpu.memory_space<vmem>>
      %dma_start3A_882 = arith.constant 0 : i32
      %dma_start3A_883 = tpu.memref_slice %arg5[%add3A_875, %dma_start3A_882] : memref<800x32xi32, #tpu.memory_space<vmem>> -> memref<1x32xi32, #tpu.memory_space<vmem>>
      %dma_start3A_884 = tpu.memref_squeeze %dma_start3A_883 : memref<1x32xi32, #tpu.memory_space<vmem>> -> memref<32xi32, #tpu.memory_space<vmem>>
      %dma_start3A_885 = arith.constant 0 : i32
      %dma_start3A_886 = arith.constant 0 : i32
      %dma_start3A_887 = tpu.memref_slice %arg3[%dma_start3A_885, %dma_start3A_886] : memref<1000000x64xf32, #tpu.memory_space<hbm>> -> memref<1000000x64xf32, #tpu.memory_space<hbm>>
      %dma_start3A_888 = tpu.memref_slice %arg7[%dma_start3A_877] : memref<2x!tpu.dma_semaphore, #tpu.memory_space<semaphore_mem>> -> memref<1x!tpu.dma_semaphore, #tpu.memory_space<semaphore_mem>>
      %dma_start3A_889 = tpu.memref_squeeze %dma_start3A_888 : memref<1x!tpu.dma_semaphore, #tpu.memory_space<semaphore_mem>> -> memref<!tpu.dma_semaphore, #tpu.memory_space<semaphore_mem>>
      tpu.enqueue_indirect_dma source(%dma_start3A_887 : memref<1000000x64xf32, #tpu.memory_space<hbm>>) target(%dma_start3A_881 : memref<32x64xf32, #tpu.memory_space<vmem>>) offsets(%dma_start3A_884 : memref<32xi32, #tpu.memory_space<vmem>>) semaphore(%dma_start3A_889 : memref<!tpu.dma_semaphore, #tpu.memory_space<semaphore_mem>>)
      %mul3A_890 = arith.constant 16 : i32
      %mul3A_891 = arith.muli %add3A_673, %mul3A_890 : i32
      %add3A_892 = arith.constant 12 : i32
      %add3A_893 = arith.addi %mul3A_891, %add3A_892 : i32
      %dma_start3A_894 = arith.constant 0 : i32
      %dma_start3A_895 = arith.constant 0 : i32
      %dma_start3A_896 = arith.constant 384 : i32
      %dma_start3A_897 = arith.constant 0 : i32
      %dma_start3A_898 = tpu.memref_slice %arg6[%dma_start3A_894, %dma_start3A_896, %dma_start3A_897] : memref<2x512x64xf32, #tpu.memory_space<vmem>> -> memref<1x32x64xf32, #tpu.memory_space<vmem>>
      %dma_start3A_899 = tpu.memref_squeeze %dma_start3A_898 : memref<1x32x64xf32, #tpu.memory_space<vmem>> -> memref<32x64xf32, #tpu.memory_space<vmem>>
      %dma_start3A_900 = arith.constant 0 : i32
      %dma_start3A_901 = tpu.memref_slice %arg5[%add3A_893, %dma_start3A_900] : memref<800x32xi32, #tpu.memory_space<vmem>> -> memref<1x32xi32, #tpu.memory_space<vmem>>
      %dma_start3A_902 = tpu.memref_squeeze %dma_start3A_901 : memref<1x32xi32, #tpu.memory_space<vmem>> -> memref<32xi32, #tpu.memory_space<vmem>>
      %dma_start3A_903 = arith.constant 0 : i32
      %dma_start3A_904 = arith.constant 0 : i32
      %dma_start3A_905 = tpu.memref_slice %arg3[%dma_start3A_903, %dma_start3A_904] : memref<1000000x64xf32, #tpu.memory_space<hbm>> -> memref<1000000x64xf32, #tpu.memory_space<hbm>>
      %dma_start3A_906 = tpu.memref_slice %arg7[%dma_start3A_895] : memref<2x!tpu.dma_semaphore, #tpu.memory_space<semaphore_mem>> -> memref<1x!tpu.dma_semaphore, #tpu.memory_space<semaphore_mem>>
      %dma_start3A_907 = tpu.memref_squeeze %dma_start3A_906 : memref<1x!tpu.dma_semaphore, #tpu.memory_space<semaphore_mem>> -> memref<!tpu.dma_semaphore, #tpu.memory_space<semaphore_mem>>
      tpu.enqueue_indirect_dma source(%dma_start3A_905 : memref<1000000x64xf32, #tpu.memory_space<hbm>>) target(%dma_start3A_899 : memref<32x64xf32, #tpu.memory_space<vmem>>) offsets(%dma_start3A_902 : memref<32xi32, #tpu.memory_space<vmem>>) semaphore(%dma_start3A_907 : memref<!tpu.dma_semaphore, #tpu.memory_space<semaphore_mem>>)
      %mul3A_908 = arith.constant 16 : i32
      %mul3A_909 = arith.muli %add3A_673, %mul3A_908 : i32
      %add3A_910 = arith.constant 13 : i32
      %add3A_911 = arith.addi %mul3A_909, %add3A_910 : i32
      %dma_start3A_912 = arith.constant 0 : i32
      %dma_start3A_913 = arith.constant 0 : i32
      %dma_start3A_914 = arith.constant 416 : i32
      %dma_start3A_915 = arith.constant 0 : i32
      %dma_start3A_916 = tpu.memref_slice %arg6[%dma_start3A_912, %dma_start3A_914, %dma_start3A_915] : memref<2x512x64xf32, #tpu.memory_space<vmem>> -> memref<1x32x64xf32, #tpu.memory_space<vmem>>
      %dma_start3A_917 = tpu.memref_squeeze %dma_start3A_916 : memref<1x32x64xf32, #tpu.memory_space<vmem>> -> memref<32x64xf32, #tpu.memory_space<vmem>>
      %dma_start3A_918 = arith.constant 0 : i32
      %dma_start3A_919 = tpu.memref_slice %arg5[%add3A_911, %dma_start3A_918] : memref<800x32xi32, #tpu.memory_space<vmem>> -> memref<1x32xi32, #tpu.memory_space<vmem>>
      %dma_start3A_920 = tpu.memref_squeeze %dma_start3A_919 : memref<1x32xi32, #tpu.memory_space<vmem>> -> memref<32xi32, #tpu.memory_space<vmem>>
      %dma_start3A_921 = arith.constant 0 : i32
      %dma_start3A_922 = arith.constant 0 : i32
      %dma_start3A_923 = tpu.memref_slice %arg3[%dma_start3A_921, %dma_start3A_922] : memref<1000000x64xf32, #tpu.memory_space<hbm>> -> memref<1000000x64xf32, #tpu.memory_space<hbm>>
      %dma_start3A_924 = tpu.memref_slice %arg7[%dma_start3A_913] : memref<2x!tpu.dma_semaphore, #tpu.memory_space<semaphore_mem>> -> memref<1x!tpu.dma_semaphore, #tpu.memory_space<semaphore_mem>>
      %dma_start3A_925 = tpu.memref_squeeze %dma_start3A_924 : memref<1x!tpu.dma_semaphore, #tpu.memory_space<semaphore_mem>> -> memref<!tpu.dma_semaphore, #tpu.memory_space<semaphore_mem>>
      tpu.enqueue_indirect_dma source(%dma_start3A_923 : memref<1000000x64xf32, #tpu.memory_space<hbm>>) target(%dma_start3A_917 : memref<32x64xf32, #tpu.memory_space<vmem>>) offsets(%dma_start3A_920 : memref<32xi32, #tpu.memory_space<vmem>>) semaphore(%dma_start3A_925 : memref<!tpu.dma_semaphore, #tpu.memory_space<semaphore_mem>>)
      %mul3A_926 = arith.constant 16 : i32
      %mul3A_927 = arith.muli %add3A_673, %mul3A_926 : i32
      %add3A_928 = arith.constant 14 : i32
      %add3A_929 = arith.addi %mul3A_927, %add3A_928 : i32
      %dma_start3A_930 = arith.constant 0 : i32
      %dma_start3A_931 = arith.constant 0 : i32
      %dma_start3A_932 = arith.constant 448 : i32
      %dma_start3A_933 = arith.constant 0 : i32
      %dma_start3A_934 = tpu.memref_slice %arg6[%dma_start3A_930, %dma_start3A_932, %dma_start3A_933] : memref<2x512x64xf32, #tpu.memory_space<vmem>> -> memref<1x32x64xf32, #tpu.memory_space<vmem>>
      %dma_start3A_935 = tpu.memref_squeeze %dma_start3A_934 : memref<1x32x64xf32, #tpu.memory_space<vmem>> -> memref<32x64xf32, #tpu.memory_space<vmem>>
      %dma_start3A_936 = arith.constant 0 : i32
      %dma_start3A_937 = tpu.memref_slice %arg5[%add3A_929, %dma_start3A_936] : memref<800x32xi32, #tpu.memory_space<vmem>> -> memref<1x32xi32, #tpu.memory_space<vmem>>
      %dma_start3A_938 = tpu.memref_squeeze %dma_start3A_937 : memref<1x32xi32, #tpu.memory_space<vmem>> -> memref<32xi32, #tpu.memory_space<vmem>>
      %dma_start3A_939 = arith.constant 0 : i32
      %dma_start3A_940 = arith.constant 0 : i32
      %dma_start3A_941 = tpu.memref_slice %arg3[%dma_start3A_939, %dma_start3A_940] : memref<1000000x64xf32, #tpu.memory_space<hbm>> -> memref<1000000x64xf32, #tpu.memory_space<hbm>>
      %dma_start3A_942 = tpu.memref_slice %arg7[%dma_start3A_931] : memref<2x!tpu.dma_semaphore, #tpu.memory_space<semaphore_mem>> -> memref<1x!tpu.dma_semaphore, #tpu.memory_space<semaphore_mem>>
      %dma_start3A_943 = tpu.memref_squeeze %dma_start3A_942 : memref<1x!tpu.dma_semaphore, #tpu.memory_space<semaphore_mem>> -> memref<!tpu.dma_semaphore, #tpu.memory_space<semaphore_mem>>
      tpu.enqueue_indirect_dma source(%dma_start3A_941 : memref<1000000x64xf32, #tpu.memory_space<hbm>>) target(%dma_start3A_935 : memref<32x64xf32, #tpu.memory_space<vmem>>) offsets(%dma_start3A_938 : memref<32xi32, #tpu.memory_space<vmem>>) semaphore(%dma_start3A_943 : memref<!tpu.dma_semaphore, #tpu.memory_space<semaphore_mem>>)
      %mul3A_944 = arith.constant 16 : i32
      %mul3A_945 = arith.muli %add3A_673, %mul3A_944 : i32
      %add3A_946 = arith.constant 15 : i32
      %add3A_947 = arith.addi %mul3A_945, %add3A_946 : i32
      %dma_start3A_948 = arith.constant 0 : i32
      %dma_start3A_949 = arith.constant 0 : i32
      %dma_start3A_950 = arith.constant 480 : i32
      %dma_start3A_951 = arith.constant 0 : i32
      %dma_start3A_952 = tpu.memref_slice %arg6[%dma_start3A_948, %dma_start3A_950, %dma_start3A_951] : memref<2x512x64xf32, #tpu.memory_space<vmem>> -> memref<1x32x64xf32, #tpu.memory_space<vmem>>
      %dma_start3A_953 = tpu.memref_squeeze %dma_start3A_952 : memref<1x32x64xf32, #tpu.memory_space<vmem>> -> memref<32x64xf32, #tpu.memory_space<vmem>>
      %dma_start3A_954 = arith.constant 0 : i32
      %dma_start3A_955 = tpu.memref_slice %arg5[%add3A_947, %dma_start3A_954] : memref<800x32xi32, #tpu.memory_space<vmem>> -> memref<1x32xi32, #tpu.memory_space<vmem>>
      %dma_start3A_956 = tpu.memref_squeeze %dma_start3A_955 : memref<1x32xi32, #tpu.memory_space<vmem>> -> memref<32xi32, #tpu.memory_space<vmem>>
      %dma_start3A_957 = arith.constant 0 : i32
      %dma_start3A_958 = arith.constant 0 : i32
      %dma_start3A_959 = tpu.memref_slice %arg3[%dma_start3A_957, %dma_start3A_958] : memref<1000000x64xf32, #tpu.memory_space<hbm>> -> memref<1000000x64xf32, #tpu.memory_space<hbm>>
      %dma_start3A_960 = tpu.memref_slice %arg7[%dma_start3A_949] : memref<2x!tpu.dma_semaphore, #tpu.memory_space<semaphore_mem>> -> memref<1x!tpu.dma_semaphore, #tpu.memory_space<semaphore_mem>>
      %dma_start3A_961 = tpu.memref_squeeze %dma_start3A_960 : memref<1x!tpu.dma_semaphore, #tpu.memory_space<semaphore_mem>> -> memref<!tpu.dma_semaphore, #tpu.memory_space<semaphore_mem>>
      tpu.enqueue_indirect_dma source(%dma_start3A_959 : memref<1000000x64xf32, #tpu.memory_space<hbm>>) target(%dma_start3A_953 : memref<32x64xf32, #tpu.memory_space<vmem>>) offsets(%dma_start3A_956 : memref<32xi32, #tpu.memory_space<vmem>>) semaphore(%dma_start3A_961 : memref<!tpu.dma_semaphore, #tpu.memory_space<semaphore_mem>>)
      %add3A_962 = arith.constant 1 : i32
      %add3A_963 = arith.addi %add3A_609, %add3A_962 : i32
      %dma_wait3A_964 = arith.constant 1 : i32
      %dma_wait3A_965 = arith.constant 1 : i32
      %dma_wait3A_966 = arith.constant 0 : i32
      %dma_wait3A_967 = arith.constant 0 : i32
      %dma_wait3A_968 = tpu.memref_slice %arg6[%dma_wait3A_964, %dma_wait3A_966, %dma_wait3A_967] : memref<2x512x64xf32, #tpu.memory_space<vmem>> -> memref<1x512x64xf32, #tpu.memory_space<vmem>>
      %dma_wait3A_969 = tpu.memref_squeeze %dma_wait3A_968 : memref<1x512x64xf32, #tpu.memory_space<vmem>> -> memref<512x64xf32, #tpu.memory_space<vmem>>
      %dma_wait3A_970 = arith.constant 0 : i32
      %dma_wait3A_971 = arith.constant 0 : i32
      %dma_wait3A_972 = tpu.memref_slice %arg3[%dma_wait3A_970, %dma_wait3A_971] : memref<1000000x64xf32, #tpu.memory_space<hbm>> -> memref<512x64xf32, #tpu.memory_space<hbm>>
      %dma_wait3A_973 = tpu.memref_slice %arg7[%dma_wait3A_965] : memref<2x!tpu.dma_semaphore, #tpu.memory_space<semaphore_mem>> -> memref<1x!tpu.dma_semaphore, #tpu.memory_space<semaphore_mem>>
      %dma_wait3A_974 = tpu.memref_squeeze %dma_wait3A_973 : memref<1x!tpu.dma_semaphore, #tpu.memory_space<semaphore_mem>> -> memref<!tpu.dma_semaphore, #tpu.memory_space<semaphore_mem>>
      %dma_wait3A_975 = arith.constant 0 : i32
      %dma_wait3A_976 = arith.constant 0 : i32
      %dma_wait3A_977 = tpu.memref_slice %arg6[%dma_wait3A_964, %dma_wait3A_975, %dma_wait3A_976] : memref<2x512x64xf32, #tpu.memory_space<vmem>> -> memref<1x512x64xf32, #tpu.memory_space<vmem>>
      %dma_wait3A_978 = tpu.memref_squeeze %dma_wait3A_977 : memref<1x512x64xf32, #tpu.memory_space<vmem>> -> memref<512x64xf32, #tpu.memory_space<vmem>>
      %dma_wait3A_979 = arith.constant 0 : i32
      %dma_wait3A_980 = arith.constant 0 : i32
      %dma_wait3A_981 = tpu.memref_slice %arg3[%dma_wait3A_979, %dma_wait3A_980] : memref<1000000x64xf32, #tpu.memory_space<hbm>> -> memref<512x64xf32, #tpu.memory_space<hbm>>
      tpu.wait_dma2 semaphore(%dma_wait3A_974 : memref<!tpu.dma_semaphore, #tpu.memory_space<semaphore_mem>>) src(%dma_wait3A_981 : memref<512x64xf32, #tpu.memory_space<hbm>>) dst(%dma_wait3A_978 : memref<512x64xf32, #tpu.memory_space<vmem>>)
      %dma_start3A_982 = arith.constant 1 : i32
      %dma_start3A_983 = arith.constant 1 : i32
      %dma_start3A_984 = arith.constant 0 : i32
      %dma_start3A_985 = arith.constant 0 : i32
      %dma_start3A_986 = tpu.memref_slice %arg6[%dma_start3A_982, %dma_start3A_984, %dma_start3A_985] : memref<2x512x64xf32, #tpu.memory_space<vmem>> -> memref<1x512x64xf32, #tpu.memory_space<vmem>>
      %dma_start3A_987 = tpu.memref_squeeze %dma_start3A_986 : memref<1x512x64xf32, #tpu.memory_space<vmem>> -> memref<512x64xf32, #tpu.memory_space<vmem>>
      %dma_start3A_988 = arith.constant 0 : i32
      %dma_start3A_989 = arith.constant 0 : i32
      %dma_start3A_990 = tpu.memref_slice %arg4[%add3A, %add3A_963, %dma_start3A_988, %dma_start3A_989] : memref<32x50x512x64xf32, #tpu.memory_space<hbm>> -> memref<1x1x512x64xf32, #tpu.memory_space<hbm>>
      %dma_start3A_991 = tpu.memref_squeeze %dma_start3A_990 : memref<1x1x512x64xf32, #tpu.memory_space<hbm>> -> memref<512x64xf32, #tpu.memory_space<hbm>>
      %dma_start3A_992 = tpu.memref_slice %arg8[%dma_start3A_983] : memref<2x!tpu.dma_semaphore, #tpu.memory_space<semaphore_mem>> -> memref<1x!tpu.dma_semaphore, #tpu.memory_space<semaphore_mem>>
      %dma_start3A_993 = tpu.memref_squeeze %dma_start3A_992 : memref<1x!tpu.dma_semaphore, #tpu.memory_space<semaphore_mem>> -> memref<!tpu.dma_semaphore, #tpu.memory_space<semaphore_mem>>
      %dma_start3A_994 = arith.constant 0 : i32
      %dma_start3A_995 = arith.constant 0 : i32
      %dma_start3A_996 = tpu.memref_slice %arg4[%add3A, %add3A_963, %dma_start3A_994, %dma_start3A_995] : memref<32x50x512x64xf32, #tpu.memory_space<hbm>> -> memref<1x1x512x64xf32, #tpu.memory_space<hbm>>
      %dma_start3A_997 = tpu.memref_squeeze %dma_start3A_996 : memref<1x1x512x64xf32, #tpu.memory_space<hbm>> -> memref<512x64xf32, #tpu.memory_space<hbm>>
      %dma_start3A_998 = arith.constant 0 : i32
      %dma_start3A_999 = arith.constant 0 : i32
      %dma_start3A_1000 = tpu.memref_slice %arg6[%dma_start3A_982, %dma_start3A_998, %dma_start3A_999] : memref<2x512x64xf32, #tpu.memory_space<vmem>> -> memref<1x512x64xf32, #tpu.memory_space<vmem>>
      %dma_start3A_1001 = tpu.memref_squeeze %dma_start3A_1000 : memref<1x512x64xf32, #tpu.memory_space<vmem>> -> memref<512x64xf32, #tpu.memory_space<vmem>>
      tpu.enqueue_dma source(%dma_start3A_1001 : memref<512x64xf32, #tpu.memory_space<vmem>>) target(%dma_start3A_997 : memref<512x64xf32, #tpu.memory_space<hbm>>) target_semaphore(%dma_start3A_993 : memref<!tpu.dma_semaphore, #tpu.memory_space<semaphore_mem>>)
      %dma_wait3A_1002 = arith.constant 1 : i32
      %dma_wait3A_1003 = arith.constant 0 : i32
      %dma_wait3A_1004 = arith.constant 0 : i32
      %dma_wait3A_1005 = arith.constant 1 : i32
      %dma_wait3A_1006 = arith.constant 0 : i32
      %dma_wait3A_1007 = arith.constant 0 : i32
      %dma_wait3A_1008 = tpu.memref_slice %arg6[%dma_wait3A_1002, %dma_wait3A_1006, %dma_wait3A_1007] : memref<2x512x64xf32, #tpu.memory_space<vmem>> -> memref<1x512x64xf32, #tpu.memory_space<vmem>>
      %dma_wait3A_1009 = tpu.memref_squeeze %dma_wait3A_1008 : memref<1x512x64xf32, #tpu.memory_space<vmem>> -> memref<512x64xf32, #tpu.memory_space<vmem>>
      %dma_wait3A_1010 = arith.constant 0 : i32
      %dma_wait3A_1011 = arith.constant 0 : i32
      %dma_wait3A_1012 = tpu.memref_slice %arg4[%dma_wait3A_1003, %dma_wait3A_1004, %dma_wait3A_1010, %dma_wait3A_1011] : memref<32x50x512x64xf32, #tpu.memory_space<hbm>> -> memref<1x1x512x64xf32, #tpu.memory_space<hbm>>
      %dma_wait3A_1013 = tpu.memref_squeeze %dma_wait3A_1012 : memref<1x1x512x64xf32, #tpu.memory_space<hbm>> -> memref<512x64xf32, #tpu.memory_space<hbm>>
      %dma_wait3A_1014 = tpu.memref_slice %arg8[%dma_wait3A_1005] : memref<2x!tpu.dma_semaphore, #tpu.memory_space<semaphore_mem>> -> memref<1x!tpu.dma_semaphore, #tpu.memory_space<semaphore_mem>>
      %dma_wait3A_1015 = tpu.memref_squeeze %dma_wait3A_1014 : memref<1x!tpu.dma_semaphore, #tpu.memory_space<semaphore_mem>> -> memref<!tpu.dma_semaphore, #tpu.memory_space<semaphore_mem>>
      %dma_wait3A_1016 = arith.constant 0 : i32
      %dma_wait3A_1017 = arith.constant 0 : i32
      %dma_wait3A_1018 = tpu.memref_slice %arg4[%dma_wait3A_1003, %dma_wait3A_1004, %dma_wait3A_1016, %dma_wait3A_1017] : memref<32x50x512x64xf32, #tpu.memory_space<hbm>> -> memref<1x1x512x64xf32, #tpu.memory_space<hbm>>
      %dma_wait3A_1019 = tpu.memref_squeeze %dma_wait3A_1018 : memref<1x1x512x64xf32, #tpu.memory_space<hbm>> -> memref<512x64xf32, #tpu.memory_space<hbm>>
      %dma_wait3A_1020 = arith.constant 0 : i32
      %dma_wait3A_1021 = arith.constant 0 : i32
      %dma_wait3A_1022 = tpu.memref_slice %arg6[%dma_wait3A_1002, %dma_wait3A_1020, %dma_wait3A_1021] : memref<2x512x64xf32, #tpu.memory_space<vmem>> -> memref<1x512x64xf32, #tpu.memory_space<vmem>>
      %dma_wait3A_1023 = tpu.memref_squeeze %dma_wait3A_1022 : memref<1x512x64xf32, #tpu.memory_space<vmem>> -> memref<512x64xf32, #tpu.memory_space<vmem>>
      tpu.wait_dma2 semaphore(%dma_wait3A_1015 : memref<!tpu.dma_semaphore, #tpu.memory_space<semaphore_mem>>) src(%dma_wait3A_1023 : memref<512x64xf32, #tpu.memory_space<vmem>>) dst(%dma_wait3A_1019 : memref<512x64xf32, #tpu.memory_space<hbm>>)
      %add3A_1024 = arith.constant 2 : i32
      %add3A_1025 = arith.addi %add3A_963, %add3A_1024 : i32
      %mul3A_1026 = arith.constant 16 : i32
      %mul3A_1027 = arith.muli %add3A_1025, %mul3A_1026 : i32
      %add3A_1028 = arith.constant 0 : i32
      %add3A_1029 = arith.addi %mul3A_1027, %add3A_1028 : i32
      %dma_start3A_1030 = arith.constant 1 : i32
      %dma_start3A_1031 = arith.constant 1 : i32
      %dma_start3A_1032 = arith.constant 0 : i32
      %dma_start3A_1033 = arith.constant 0 : i32
      %dma_start3A_1034 = tpu.memref_slice %arg6[%dma_start3A_1030, %dma_start3A_1032, %dma_start3A_1033] : memref<2x512x64xf32, #tpu.memory_space<vmem>> -> memref<1x32x64xf32, #tpu.memory_space<vmem>>
      %dma_start3A_1035 = tpu.memref_squeeze %dma_start3A_1034 : memref<1x32x64xf32, #tpu.memory_space<vmem>> -> memref<32x64xf32, #tpu.memory_space<vmem>>
      %dma_start3A_1036 = arith.constant 0 : i32
      %dma_start3A_1037 = tpu.memref_slice %arg5[%add3A_1029, %dma_start3A_1036] : memref<800x32xi32, #tpu.memory_space<vmem>> -> memref<1x32xi32, #tpu.memory_space<vmem>>
      %dma_start3A_1038 = tpu.memref_squeeze %dma_start3A_1037 : memref<1x32xi32, #tpu.memory_space<vmem>> -> memref<32xi32, #tpu.memory_space<vmem>>
      %dma_start3A_1039 = arith.constant 0 : i32
      %dma_start3A_1040 = arith.constant 0 : i32
      %dma_start3A_1041 = tpu.memref_slice %arg3[%dma_start3A_1039, %dma_start3A_1040] : memref<1000000x64xf32, #tpu.memory_space<hbm>> -> memref<1000000x64xf32, #tpu.memory_space<hbm>>
      %dma_start3A_1042 = tpu.memref_slice %arg7[%dma_start3A_1031] : memref<2x!tpu.dma_semaphore, #tpu.memory_space<semaphore_mem>> -> memref<1x!tpu.dma_semaphore, #tpu.memory_space<semaphore_mem>>
      %dma_start3A_1043 = tpu.memref_squeeze %dma_start3A_1042 : memref<1x!tpu.dma_semaphore, #tpu.memory_space<semaphore_mem>> -> memref<!tpu.dma_semaphore, #tpu.memory_space<semaphore_mem>>
      tpu.enqueue_indirect_dma source(%dma_start3A_1041 : memref<1000000x64xf32, #tpu.memory_space<hbm>>) target(%dma_start3A_1035 : memref<32x64xf32, #tpu.memory_space<vmem>>) offsets(%dma_start3A_1038 : memref<32xi32, #tpu.memory_space<vmem>>) semaphore(%dma_start3A_1043 : memref<!tpu.dma_semaphore, #tpu.memory_space<semaphore_mem>>)
      %mul3A_1044 = arith.constant 16 : i32
      %mul3A_1045 = arith.muli %add3A_1025, %mul3A_1044 : i32
      %add3A_1046 = arith.constant 1 : i32
      %add3A_1047 = arith.addi %mul3A_1045, %add3A_1046 : i32
      %dma_start3A_1048 = arith.constant 1 : i32
      %dma_start3A_1049 = arith.constant 1 : i32
      %dma_start3A_1050 = arith.constant 32 : i32
      %dma_start3A_1051 = arith.constant 0 : i32
      %dma_start3A_1052 = tpu.memref_slice %arg6[%dma_start3A_1048, %dma_start3A_1050, %dma_start3A_1051] : memref<2x512x64xf32, #tpu.memory_space<vmem>> -> memref<1x32x64xf32, #tpu.memory_space<vmem>>
      %dma_start3A_1053 = tpu.memref_squeeze %dma_start3A_1052 : memref<1x32x64xf32, #tpu.memory_space<vmem>> -> memref<32x64xf32, #tpu.memory_space<vmem>>
      %dma_start3A_1054 = arith.constant 0 : i32
      %dma_start3A_1055 = tpu.memref_slice %arg5[%add3A_1047, %dma_start3A_1054] : memref<800x32xi32, #tpu.memory_space<vmem>> -> memref<1x32xi32, #tpu.memory_space<vmem>>
      %dma_start3A_1056 = tpu.memref_squeeze %dma_start3A_1055 : memref<1x32xi32, #tpu.memory_space<vmem>> -> memref<32xi32, #tpu.memory_space<vmem>>
      %dma_start3A_1057 = arith.constant 0 : i32
      %dma_start3A_1058 = arith.constant 0 : i32
      %dma_start3A_1059 = tpu.memref_slice %arg3[%dma_start3A_1057, %dma_start3A_1058] : memref<1000000x64xf32, #tpu.memory_space<hbm>> -> memref<1000000x64xf32, #tpu.memory_space<hbm>>
      %dma_start3A_1060 = tpu.memref_slice %arg7[%dma_start3A_1049] : memref<2x!tpu.dma_semaphore, #tpu.memory_space<semaphore_mem>> -> memref<1x!tpu.dma_semaphore, #tpu.memory_space<semaphore_mem>>
      %dma_start3A_1061 = tpu.memref_squeeze %dma_start3A_1060 : memref<1x!tpu.dma_semaphore, #tpu.memory_space<semaphore_mem>> -> memref<!tpu.dma_semaphore, #tpu.memory_space<semaphore_mem>>
      tpu.enqueue_indirect_dma source(%dma_start3A_1059 : memref<1000000x64xf32, #tpu.memory_space<hbm>>) target(%dma_start3A_1053 : memref<32x64xf32, #tpu.memory_space<vmem>>) offsets(%dma_start3A_1056 : memref<32xi32, #tpu.memory_space<vmem>>) semaphore(%dma_start3A_1061 : memref<!tpu.dma_semaphore, #tpu.memory_space<semaphore_mem>>)
      %mul3A_1062 = arith.constant 16 : i32
      %mul3A_1063 = arith.muli %add3A_1025, %mul3A_1062 : i32
      %add3A_1064 = arith.constant 2 : i32
      %add3A_1065 = arith.addi %mul3A_1063, %add3A_1064 : i32
      %dma_start3A_1066 = arith.constant 1 : i32
      %dma_start3A_1067 = arith.constant 1 : i32
      %dma_start3A_1068 = arith.constant 64 : i32
      %dma_start3A_1069 = arith.constant 0 : i32
      %dma_start3A_1070 = tpu.memref_slice %arg6[%dma_start3A_1066, %dma_start3A_1068, %dma_start3A_1069] : memref<2x512x64xf32, #tpu.memory_space<vmem>> -> memref<1x32x64xf32, #tpu.memory_space<vmem>>
      %dma_start3A_1071 = tpu.memref_squeeze %dma_start3A_1070 : memref<1x32x64xf32, #tpu.memory_space<vmem>> -> memref<32x64xf32, #tpu.memory_space<vmem>>
      %dma_start3A_1072 = arith.constant 0 : i32
      %dma_start3A_1073 = tpu.memref_slice %arg5[%add3A_1065, %dma_start3A_1072] : memref<800x32xi32, #tpu.memory_space<vmem>> -> memref<1x32xi32, #tpu.memory_space<vmem>>
      %dma_start3A_1074 = tpu.memref_squeeze %dma_start3A_1073 : memref<1x32xi32, #tpu.memory_space<vmem>> -> memref<32xi32, #tpu.memory_space<vmem>>
      %dma_start3A_1075 = arith.constant 0 : i32
      %dma_start3A_1076 = arith.constant 0 : i32
      %dma_start3A_1077 = tpu.memref_slice %arg3[%dma_start3A_1075, %dma_start3A_1076] : memref<1000000x64xf32, #tpu.memory_space<hbm>> -> memref<1000000x64xf32, #tpu.memory_space<hbm>>
      %dma_start3A_1078 = tpu.memref_slice %arg7[%dma_start3A_1067] : memref<2x!tpu.dma_semaphore, #tpu.memory_space<semaphore_mem>> -> memref<1x!tpu.dma_semaphore, #tpu.memory_space<semaphore_mem>>
      %dma_start3A_1079 = tpu.memref_squeeze %dma_start3A_1078 : memref<1x!tpu.dma_semaphore, #tpu.memory_space<semaphore_mem>> -> memref<!tpu.dma_semaphore, #tpu.memory_space<semaphore_mem>>
      tpu.enqueue_indirect_dma source(%dma_start3A_1077 : memref<1000000x64xf32, #tpu.memory_space<hbm>>) target(%dma_start3A_1071 : memref<32x64xf32, #tpu.memory_space<vmem>>) offsets(%dma_start3A_1074 : memref<32xi32, #tpu.memory_space<vmem>>) semaphore(%dma_start3A_1079 : memref<!tpu.dma_semaphore, #tpu.memory_space<semaphore_mem>>)
      %mul3A_1080 = arith.constant 16 : i32
      %mul3A_1081 = arith.muli %add3A_1025, %mul3A_1080 : i32
      %add3A_1082 = arith.constant 3 : i32
      %add3A_1083 = arith.addi %mul3A_1081, %add3A_1082 : i32
      %dma_start3A_1084 = arith.constant 1 : i32
      %dma_start3A_1085 = arith.constant 1 : i32
      %dma_start3A_1086 = arith.constant 96 : i32
      %dma_start3A_1087 = arith.constant 0 : i32
      %dma_start3A_1088 = tpu.memref_slice %arg6[%dma_start3A_1084, %dma_start3A_1086, %dma_start3A_1087] : memref<2x512x64xf32, #tpu.memory_space<vmem>> -> memref<1x32x64xf32, #tpu.memory_space<vmem>>
      %dma_start3A_1089 = tpu.memref_squeeze %dma_start3A_1088 : memref<1x32x64xf32, #tpu.memory_space<vmem>> -> memref<32x64xf32, #tpu.memory_space<vmem>>
      %dma_start3A_1090 = arith.constant 0 : i32
      %dma_start3A_1091 = tpu.memref_slice %arg5[%add3A_1083, %dma_start3A_1090] : memref<800x32xi32, #tpu.memory_space<vmem>> -> memref<1x32xi32, #tpu.memory_space<vmem>>
      %dma_start3A_1092 = tpu.memref_squeeze %dma_start3A_1091 : memref<1x32xi32, #tpu.memory_space<vmem>> -> memref<32xi32, #tpu.memory_space<vmem>>
      %dma_start3A_1093 = arith.constant 0 : i32
      %dma_start3A_1094 = arith.constant 0 : i32
      %dma_start3A_1095 = tpu.memref_slice %arg3[%dma_start3A_1093, %dma_start3A_1094] : memref<1000000x64xf32, #tpu.memory_space<hbm>> -> memref<1000000x64xf32, #tpu.memory_space<hbm>>
      %dma_start3A_1096 = tpu.memref_slice %arg7[%dma_start3A_1085] : memref<2x!tpu.dma_semaphore, #tpu.memory_space<semaphore_mem>> -> memref<1x!tpu.dma_semaphore, #tpu.memory_space<semaphore_mem>>
      %dma_start3A_1097 = tpu.memref_squeeze %dma_start3A_1096 : memref<1x!tpu.dma_semaphore, #tpu.memory_space<semaphore_mem>> -> memref<!tpu.dma_semaphore, #tpu.memory_space<semaphore_mem>>
      tpu.enqueue_indirect_dma source(%dma_start3A_1095 : memref<1000000x64xf32, #tpu.memory_space<hbm>>) target(%dma_start3A_1089 : memref<32x64xf32, #tpu.memory_space<vmem>>) offsets(%dma_start3A_1092 : memref<32xi32, #tpu.memory_space<vmem>>) semaphore(%dma_start3A_1097 : memref<!tpu.dma_semaphore, #tpu.memory_space<semaphore_mem>>)
      %mul3A_1098 = arith.constant 16 : i32
      %mul3A_1099 = arith.muli %add3A_1025, %mul3A_1098 : i32
      %add3A_1100 = arith.constant 4 : i32
      %add3A_1101 = arith.addi %mul3A_1099, %add3A_1100 : i32
      %dma_start3A_1102 = arith.constant 1 : i32
      %dma_start3A_1103 = arith.constant 1 : i32
      %dma_start3A_1104 = arith.constant 128 : i32
      %dma_start3A_1105 = arith.constant 0 : i32
      %dma_start3A_1106 = tpu.memref_slice %arg6[%dma_start3A_1102, %dma_start3A_1104, %dma_start3A_1105] : memref<2x512x64xf32, #tpu.memory_space<vmem>> -> memref<1x32x64xf32, #tpu.memory_space<vmem>>
      %dma_start3A_1107 = tpu.memref_squeeze %dma_start3A_1106 : memref<1x32x64xf32, #tpu.memory_space<vmem>> -> memref<32x64xf32, #tpu.memory_space<vmem>>
      %dma_start3A_1108 = arith.constant 0 : i32
      %dma_start3A_1109 = tpu.memref_slice %arg5[%add3A_1101, %dma_start3A_1108] : memref<800x32xi32, #tpu.memory_space<vmem>> -> memref<1x32xi32, #tpu.memory_space<vmem>>
      %dma_start3A_1110 = tpu.memref_squeeze %dma_start3A_1109 : memref<1x32xi32, #tpu.memory_space<vmem>> -> memref<32xi32, #tpu.memory_space<vmem>>
      %dma_start3A_1111 = arith.constant 0 : i32
      %dma_start3A_1112 = arith.constant 0 : i32
      %dma_start3A_1113 = tpu.memref_slice %arg3[%dma_start3A_1111, %dma_start3A_1112] : memref<1000000x64xf32, #tpu.memory_space<hbm>> -> memref<1000000x64xf32, #tpu.memory_space<hbm>>
      %dma_start3A_1114 = tpu.memref_slice %arg7[%dma_start3A_1103] : memref<2x!tpu.dma_semaphore, #tpu.memory_space<semaphore_mem>> -> memref<1x!tpu.dma_semaphore, #tpu.memory_space<semaphore_mem>>
      %dma_start3A_1115 = tpu.memref_squeeze %dma_start3A_1114 : memref<1x!tpu.dma_semaphore, #tpu.memory_space<semaphore_mem>> -> memref<!tpu.dma_semaphore, #tpu.memory_space<semaphore_mem>>
      tpu.enqueue_indirect_dma source(%dma_start3A_1113 : memref<1000000x64xf32, #tpu.memory_space<hbm>>) target(%dma_start3A_1107 : memref<32x64xf32, #tpu.memory_space<vmem>>) offsets(%dma_start3A_1110 : memref<32xi32, #tpu.memory_space<vmem>>) semaphore(%dma_start3A_1115 : memref<!tpu.dma_semaphore, #tpu.memory_space<semaphore_mem>>)
      %mul3A_1116 = arith.constant 16 : i32
      %mul3A_1117 = arith.muli %add3A_1025, %mul3A_1116 : i32
      %add3A_1118 = arith.constant 5 : i32
      %add3A_1119 = arith.addi %mul3A_1117, %add3A_1118 : i32
      %dma_start3A_1120 = arith.constant 1 : i32
      %dma_start3A_1121 = arith.constant 1 : i32
      %dma_start3A_1122 = arith.constant 160 : i32
      %dma_start3A_1123 = arith.constant 0 : i32
      %dma_start3A_1124 = tpu.memref_slice %arg6[%dma_start3A_1120, %dma_start3A_1122, %dma_start3A_1123] : memref<2x512x64xf32, #tpu.memory_space<vmem>> -> memref<1x32x64xf32, #tpu.memory_space<vmem>>
      %dma_start3A_1125 = tpu.memref_squeeze %dma_start3A_1124 : memref<1x32x64xf32, #tpu.memory_space<vmem>> -> memref<32x64xf32, #tpu.memory_space<vmem>>
      %dma_start3A_1126 = arith.constant 0 : i32
      %dma_start3A_1127 = tpu.memref_slice %arg5[%add3A_1119, %dma_start3A_1126] : memref<800x32xi32, #tpu.memory_space<vmem>> -> memref<1x32xi32, #tpu.memory_space<vmem>>
      %dma_start3A_1128 = tpu.memref_squeeze %dma_start3A_1127 : memref<1x32xi32, #tpu.memory_space<vmem>> -> memref<32xi32, #tpu.memory_space<vmem>>
      %dma_start3A_1129 = arith.constant 0 : i32
      %dma_start3A_1130 = arith.constant 0 : i32
      %dma_start3A_1131 = tpu.memref_slice %arg3[%dma_start3A_1129, %dma_start3A_1130] : memref<1000000x64xf32, #tpu.memory_space<hbm>> -> memref<1000000x64xf32, #tpu.memory_space<hbm>>
      %dma_start3A_1132 = tpu.memref_slice %arg7[%dma_start3A_1121] : memref<2x!tpu.dma_semaphore, #tpu.memory_space<semaphore_mem>> -> memref<1x!tpu.dma_semaphore, #tpu.memory_space<semaphore_mem>>
      %dma_start3A_1133 = tpu.memref_squeeze %dma_start3A_1132 : memref<1x!tpu.dma_semaphore, #tpu.memory_space<semaphore_mem>> -> memref<!tpu.dma_semaphore, #tpu.memory_space<semaphore_mem>>
      tpu.enqueue_indirect_dma source(%dma_start3A_1131 : memref<1000000x64xf32, #tpu.memory_space<hbm>>) target(%dma_start3A_1125 : memref<32x64xf32, #tpu.memory_space<vmem>>) offsets(%dma_start3A_1128 : memref<32xi32, #tpu.memory_space<vmem>>) semaphore(%dma_start3A_1133 : memref<!tpu.dma_semaphore, #tpu.memory_space<semaphore_mem>>)
      %mul3A_1134 = arith.constant 16 : i32
      %mul3A_1135 = arith.muli %add3A_1025, %mul3A_1134 : i32
      %add3A_1136 = arith.constant 6 : i32
      %add3A_1137 = arith.addi %mul3A_1135, %add3A_1136 : i32
      %dma_start3A_1138 = arith.constant 1 : i32
      %dma_start3A_1139 = arith.constant 1 : i32
      %dma_start3A_1140 = arith.constant 192 : i32
      %dma_start3A_1141 = arith.constant 0 : i32
      %dma_start3A_1142 = tpu.memref_slice %arg6[%dma_start3A_1138, %dma_start3A_1140, %dma_start3A_1141] : memref<2x512x64xf32, #tpu.memory_space<vmem>> -> memref<1x32x64xf32, #tpu.memory_space<vmem>>
      %dma_start3A_1143 = tpu.memref_squeeze %dma_start3A_1142 : memref<1x32x64xf32, #tpu.memory_space<vmem>> -> memref<32x64xf32, #tpu.memory_space<vmem>>
      %dma_start3A_1144 = arith.constant 0 : i32
      %dma_start3A_1145 = tpu.memref_slice %arg5[%add3A_1137, %dma_start3A_1144] : memref<800x32xi32, #tpu.memory_space<vmem>> -> memref<1x32xi32, #tpu.memory_space<vmem>>
      %dma_start3A_1146 = tpu.memref_squeeze %dma_start3A_1145 : memref<1x32xi32, #tpu.memory_space<vmem>> -> memref<32xi32, #tpu.memory_space<vmem>>
      %dma_start3A_1147 = arith.constant 0 : i32
      %dma_start3A_1148 = arith.constant 0 : i32
      %dma_start3A_1149 = tpu.memref_slice %arg3[%dma_start3A_1147, %dma_start3A_1148] : memref<1000000x64xf32, #tpu.memory_space<hbm>> -> memref<1000000x64xf32, #tpu.memory_space<hbm>>
      %dma_start3A_1150 = tpu.memref_slice %arg7[%dma_start3A_1139] : memref<2x!tpu.dma_semaphore, #tpu.memory_space<semaphore_mem>> -> memref<1x!tpu.dma_semaphore, #tpu.memory_space<semaphore_mem>>
      %dma_start3A_1151 = tpu.memref_squeeze %dma_start3A_1150 : memref<1x!tpu.dma_semaphore, #tpu.memory_space<semaphore_mem>> -> memref<!tpu.dma_semaphore, #tpu.memory_space<semaphore_mem>>
      tpu.enqueue_indirect_dma source(%dma_start3A_1149 : memref<1000000x64xf32, #tpu.memory_space<hbm>>) target(%dma_start3A_1143 : memref<32x64xf32, #tpu.memory_space<vmem>>) offsets(%dma_start3A_1146 : memref<32xi32, #tpu.memory_space<vmem>>) semaphore(%dma_start3A_1151 : memref<!tpu.dma_semaphore, #tpu.memory_space<semaphore_mem>>)
      %mul3A_1152 = arith.constant 16 : i32
      %mul3A_1153 = arith.muli %add3A_1025, %mul3A_1152 : i32
      %add3A_1154 = arith.constant 7 : i32
      %add3A_1155 = arith.addi %mul3A_1153, %add3A_1154 : i32
      %dma_start3A_1156 = arith.constant 1 : i32
      %dma_start3A_1157 = arith.constant 1 : i32
      %dma_start3A_1158 = arith.constant 224 : i32
      %dma_start3A_1159 = arith.constant 0 : i32
      %dma_start3A_1160 = tpu.memref_slice %arg6[%dma_start3A_1156, %dma_start3A_1158, %dma_start3A_1159] : memref<2x512x64xf32, #tpu.memory_space<vmem>> -> memref<1x32x64xf32, #tpu.memory_space<vmem>>
      %dma_start3A_1161 = tpu.memref_squeeze %dma_start3A_1160 : memref<1x32x64xf32, #tpu.memory_space<vmem>> -> memref<32x64xf32, #tpu.memory_space<vmem>>
      %dma_start3A_1162 = arith.constant 0 : i32
      %dma_start3A_1163 = tpu.memref_slice %arg5[%add3A_1155, %dma_start3A_1162] : memref<800x32xi32, #tpu.memory_space<vmem>> -> memref<1x32xi32, #tpu.memory_space<vmem>>
      %dma_start3A_1164 = tpu.memref_squeeze %dma_start3A_1163 : memref<1x32xi32, #tpu.memory_space<vmem>> -> memref<32xi32, #tpu.memory_space<vmem>>
      %dma_start3A_1165 = arith.constant 0 : i32
      %dma_start3A_1166 = arith.constant 0 : i32
      %dma_start3A_1167 = tpu.memref_slice %arg3[%dma_start3A_1165, %dma_start3A_1166] : memref<1000000x64xf32, #tpu.memory_space<hbm>> -> memref<1000000x64xf32, #tpu.memory_space<hbm>>
      %dma_start3A_1168 = tpu.memref_slice %arg7[%dma_start3A_1157] : memref<2x!tpu.dma_semaphore, #tpu.memory_space<semaphore_mem>> -> memref<1x!tpu.dma_semaphore, #tpu.memory_space<semaphore_mem>>
      %dma_start3A_1169 = tpu.memref_squeeze %dma_start3A_1168 : memref<1x!tpu.dma_semaphore, #tpu.memory_space<semaphore_mem>> -> memref<!tpu.dma_semaphore, #tpu.memory_space<semaphore_mem>>
      tpu.enqueue_indirect_dma source(%dma_start3A_1167 : memref<1000000x64xf32, #tpu.memory_space<hbm>>) target(%dma_start3A_1161 : memref<32x64xf32, #tpu.memory_space<vmem>>) offsets(%dma_start3A_1164 : memref<32xi32, #tpu.memory_space<vmem>>) semaphore(%dma_start3A_1169 : memref<!tpu.dma_semaphore, #tpu.memory_space<semaphore_mem>>)
      %mul3A_1170 = arith.constant 16 : i32
      %mul3A_1171 = arith.muli %add3A_1025, %mul3A_1170 : i32
      %add3A_1172 = arith.constant 8 : i32
      %add3A_1173 = arith.addi %mul3A_1171, %add3A_1172 : i32
      %dma_start3A_1174 = arith.constant 1 : i32
      %dma_start3A_1175 = arith.constant 1 : i32
      %dma_start3A_1176 = arith.constant 256 : i32
      %dma_start3A_1177 = arith.constant 0 : i32
      %dma_start3A_1178 = tpu.memref_slice %arg6[%dma_start3A_1174, %dma_start3A_1176, %dma_start3A_1177] : memref<2x512x64xf32, #tpu.memory_space<vmem>> -> memref<1x32x64xf32, #tpu.memory_space<vmem>>
      %dma_start3A_1179 = tpu.memref_squeeze %dma_start3A_1178 : memref<1x32x64xf32, #tpu.memory_space<vmem>> -> memref<32x64xf32, #tpu.memory_space<vmem>>
      %dma_start3A_1180 = arith.constant 0 : i32
      %dma_start3A_1181 = tpu.memref_slice %arg5[%add3A_1173, %dma_start3A_1180] : memref<800x32xi32, #tpu.memory_space<vmem>> -> memref<1x32xi32, #tpu.memory_space<vmem>>
      %dma_start3A_1182 = tpu.memref_squeeze %dma_start3A_1181 : memref<1x32xi32, #tpu.memory_space<vmem>> -> memref<32xi32, #tpu.memory_space<vmem>>
      %dma_start3A_1183 = arith.constant 0 : i32
      %dma_start3A_1184 = arith.constant 0 : i32
      %dma_start3A_1185 = tpu.memref_slice %arg3[%dma_start3A_1183, %dma_start3A_1184] : memref<1000000x64xf32, #tpu.memory_space<hbm>> -> memref<1000000x64xf32, #tpu.memory_space<hbm>>
      %dma_start3A_1186 = tpu.memref_slice %arg7[%dma_start3A_1175] : memref<2x!tpu.dma_semaphore, #tpu.memory_space<semaphore_mem>> -> memref<1x!tpu.dma_semaphore, #tpu.memory_space<semaphore_mem>>
      %dma_start3A_1187 = tpu.memref_squeeze %dma_start3A_1186 : memref<1x!tpu.dma_semaphore, #tpu.memory_space<semaphore_mem>> -> memref<!tpu.dma_semaphore, #tpu.memory_space<semaphore_mem>>
      tpu.enqueue_indirect_dma source(%dma_start3A_1185 : memref<1000000x64xf32, #tpu.memory_space<hbm>>) target(%dma_start3A_1179 : memref<32x64xf32, #tpu.memory_space<vmem>>) offsets(%dma_start3A_1182 : memref<32xi32, #tpu.memory_space<vmem>>) semaphore(%dma_start3A_1187 : memref<!tpu.dma_semaphore, #tpu.memory_space<semaphore_mem>>)
      %mul3A_1188 = arith.constant 16 : i32
      %mul3A_1189 = arith.muli %add3A_1025, %mul3A_1188 : i32
      %add3A_1190 = arith.constant 9 : i32
      %add3A_1191 = arith.addi %mul3A_1189, %add3A_1190 : i32
      %dma_start3A_1192 = arith.constant 1 : i32
      %dma_start3A_1193 = arith.constant 1 : i32
      %dma_start3A_1194 = arith.constant 288 : i32
      %dma_start3A_1195 = arith.constant 0 : i32
      %dma_start3A_1196 = tpu.memref_slice %arg6[%dma_start3A_1192, %dma_start3A_1194, %dma_start3A_1195] : memref<2x512x64xf32, #tpu.memory_space<vmem>> -> memref<1x32x64xf32, #tpu.memory_space<vmem>>
      %dma_start3A_1197 = tpu.memref_squeeze %dma_start3A_1196 : memref<1x32x64xf32, #tpu.memory_space<vmem>> -> memref<32x64xf32, #tpu.memory_space<vmem>>
      %dma_start3A_1198 = arith.constant 0 : i32
      %dma_start3A_1199 = tpu.memref_slice %arg5[%add3A_1191, %dma_start3A_1198] : memref<800x32xi32, #tpu.memory_space<vmem>> -> memref<1x32xi32, #tpu.memory_space<vmem>>
      %dma_start3A_1200 = tpu.memref_squeeze %dma_start3A_1199 : memref<1x32xi32, #tpu.memory_space<vmem>> -> memref<32xi32, #tpu.memory_space<vmem>>
      %dma_start3A_1201 = arith.constant 0 : i32
      %dma_start3A_1202 = arith.constant 0 : i32
      %dma_start3A_1203 = tpu.memref_slice %arg3[%dma_start3A_1201, %dma_start3A_1202] : memref<1000000x64xf32, #tpu.memory_space<hbm>> -> memref<1000000x64xf32, #tpu.memory_space<hbm>>
      %dma_start3A_1204 = tpu.memref_slice %arg7[%dma_start3A_1193] : memref<2x!tpu.dma_semaphore, #tpu.memory_space<semaphore_mem>> -> memref<1x!tpu.dma_semaphore, #tpu.memory_space<semaphore_mem>>
      %dma_start3A_1205 = tpu.memref_squeeze %dma_start3A_1204 : memref<1x!tpu.dma_semaphore, #tpu.memory_space<semaphore_mem>> -> memref<!tpu.dma_semaphore, #tpu.memory_space<semaphore_mem>>
      tpu.enqueue_indirect_dma source(%dma_start3A_1203 : memref<1000000x64xf32, #tpu.memory_space<hbm>>) target(%dma_start3A_1197 : memref<32x64xf32, #tpu.memory_space<vmem>>) offsets(%dma_start3A_1200 : memref<32xi32, #tpu.memory_space<vmem>>) semaphore(%dma_start3A_1205 : memref<!tpu.dma_semaphore, #tpu.memory_space<semaphore_mem>>)
      %mul3A_1206 = arith.constant 16 : i32
      %mul3A_1207 = arith.muli %add3A_1025, %mul3A_1206 : i32
      %add3A_1208 = arith.constant 10 : i32
      %add3A_1209 = arith.addi %mul3A_1207, %add3A_1208 : i32
      %dma_start3A_1210 = arith.constant 1 : i32
      %dma_start3A_1211 = arith.constant 1 : i32
      %dma_start3A_1212 = arith.constant 320 : i32
      %dma_start3A_1213 = arith.constant 0 : i32
      %dma_start3A_1214 = tpu.memref_slice %arg6[%dma_start3A_1210, %dma_start3A_1212, %dma_start3A_1213] : memref<2x512x64xf32, #tpu.memory_space<vmem>> -> memref<1x32x64xf32, #tpu.memory_space<vmem>>
      %dma_start3A_1215 = tpu.memref_squeeze %dma_start3A_1214 : memref<1x32x64xf32, #tpu.memory_space<vmem>> -> memref<32x64xf32, #tpu.memory_space<vmem>>
      %dma_start3A_1216 = arith.constant 0 : i32
      %dma_start3A_1217 = tpu.memref_slice %arg5[%add3A_1209, %dma_start3A_1216] : memref<800x32xi32, #tpu.memory_space<vmem>> -> memref<1x32xi32, #tpu.memory_space<vmem>>
      %dma_start3A_1218 = tpu.memref_squeeze %dma_start3A_1217 : memref<1x32xi32, #tpu.memory_space<vmem>> -> memref<32xi32, #tpu.memory_space<vmem>>
      %dma_start3A_1219 = arith.constant 0 : i32
      %dma_start3A_1220 = arith.constant 0 : i32
      %dma_start3A_1221 = tpu.memref_slice %arg3[%dma_start3A_1219, %dma_start3A_1220] : memref<1000000x64xf32, #tpu.memory_space<hbm>> -> memref<1000000x64xf32, #tpu.memory_space<hbm>>
      %dma_start3A_1222 = tpu.memref_slice %arg7[%dma_start3A_1211] : memref<2x!tpu.dma_semaphore, #tpu.memory_space<semaphore_mem>> -> memref<1x!tpu.dma_semaphore, #tpu.memory_space<semaphore_mem>>
      %dma_start3A_1223 = tpu.memref_squeeze %dma_start3A_1222 : memref<1x!tpu.dma_semaphore, #tpu.memory_space<semaphore_mem>> -> memref<!tpu.dma_semaphore, #tpu.memory_space<semaphore_mem>>
      tpu.enqueue_indirect_dma source(%dma_start3A_1221 : memref<1000000x64xf32, #tpu.memory_space<hbm>>) target(%dma_start3A_1215 : memref<32x64xf32, #tpu.memory_space<vmem>>) offsets(%dma_start3A_1218 : memref<32xi32, #tpu.memory_space<vmem>>) semaphore(%dma_start3A_1223 : memref<!tpu.dma_semaphore, #tpu.memory_space<semaphore_mem>>)
      %mul3A_1224 = arith.constant 16 : i32
      %mul3A_1225 = arith.muli %add3A_1025, %mul3A_1224 : i32
      %add3A_1226 = arith.constant 11 : i32
      %add3A_1227 = arith.addi %mul3A_1225, %add3A_1226 : i32
      %dma_start3A_1228 = arith.constant 1 : i32
      %dma_start3A_1229 = arith.constant 1 : i32
      %dma_start3A_1230 = arith.constant 352 : i32
      %dma_start3A_1231 = arith.constant 0 : i32
      %dma_start3A_1232 = tpu.memref_slice %arg6[%dma_start3A_1228, %dma_start3A_1230, %dma_start3A_1231] : memref<2x512x64xf32, #tpu.memory_space<vmem>> -> memref<1x32x64xf32, #tpu.memory_space<vmem>>
      %dma_start3A_1233 = tpu.memref_squeeze %dma_start3A_1232 : memref<1x32x64xf32, #tpu.memory_space<vmem>> -> memref<32x64xf32, #tpu.memory_space<vmem>>
      %dma_start3A_1234 = arith.constant 0 : i32
      %dma_start3A_1235 = tpu.memref_slice %arg5[%add3A_1227, %dma_start3A_1234] : memref<800x32xi32, #tpu.memory_space<vmem>> -> memref<1x32xi32, #tpu.memory_space<vmem>>
      %dma_start3A_1236 = tpu.memref_squeeze %dma_start3A_1235 : memref<1x32xi32, #tpu.memory_space<vmem>> -> memref<32xi32, #tpu.memory_space<vmem>>
      %dma_start3A_1237 = arith.constant 0 : i32
      %dma_start3A_1238 = arith.constant 0 : i32
      %dma_start3A_1239 = tpu.memref_slice %arg3[%dma_start3A_1237, %dma_start3A_1238] : memref<1000000x64xf32, #tpu.memory_space<hbm>> -> memref<1000000x64xf32, #tpu.memory_space<hbm>>
      %dma_start3A_1240 = tpu.memref_slice %arg7[%dma_start3A_1229] : memref<2x!tpu.dma_semaphore, #tpu.memory_space<semaphore_mem>> -> memref<1x!tpu.dma_semaphore, #tpu.memory_space<semaphore_mem>>
      %dma_start3A_1241 = tpu.memref_squeeze %dma_start3A_1240 : memref<1x!tpu.dma_semaphore, #tpu.memory_space<semaphore_mem>> -> memref<!tpu.dma_semaphore, #tpu.memory_space<semaphore_mem>>
      tpu.enqueue_indirect_dma source(%dma_start3A_1239 : memref<1000000x64xf32, #tpu.memory_space<hbm>>) target(%dma_start3A_1233 : memref<32x64xf32, #tpu.memory_space<vmem>>) offsets(%dma_start3A_1236 : memref<32xi32, #tpu.memory_space<vmem>>) semaphore(%dma_start3A_1241 : memref<!tpu.dma_semaphore, #tpu.memory_space<semaphore_mem>>)
      %mul3A_1242 = arith.constant 16 : i32
      %mul3A_1243 = arith.muli %add3A_1025, %mul3A_1242 : i32
      %add3A_1244 = arith.constant 12 : i32
      %add3A_1245 = arith.addi %mul3A_1243, %add3A_1244 : i32
      %dma_start3A_1246 = arith.constant 1 : i32
      %dma_start3A_1247 = arith.constant 1 : i32
      %dma_start3A_1248 = arith.constant 384 : i32
      %dma_start3A_1249 = arith.constant 0 : i32
      %dma_start3A_1250 = tpu.memref_slice %arg6[%dma_start3A_1246, %dma_start3A_1248, %dma_start3A_1249] : memref<2x512x64xf32, #tpu.memory_space<vmem>> -> memref<1x32x64xf32, #tpu.memory_space<vmem>>
      %dma_start3A_1251 = tpu.memref_squeeze %dma_start3A_1250 : memref<1x32x64xf32, #tpu.memory_space<vmem>> -> memref<32x64xf32, #tpu.memory_space<vmem>>
      %dma_start3A_1252 = arith.constant 0 : i32
      %dma_start3A_1253 = tpu.memref_slice %arg5[%add3A_1245, %dma_start3A_1252] : memref<800x32xi32, #tpu.memory_space<vmem>> -> memref<1x32xi32, #tpu.memory_space<vmem>>
      %dma_start3A_1254 = tpu.memref_squeeze %dma_start3A_1253 : memref<1x32xi32, #tpu.memory_space<vmem>> -> memref<32xi32, #tpu.memory_space<vmem>>
      %dma_start3A_1255 = arith.constant 0 : i32
      %dma_start3A_1256 = arith.constant 0 : i32
      %dma_start3A_1257 = tpu.memref_slice %arg3[%dma_start3A_1255, %dma_start3A_1256] : memref<1000000x64xf32, #tpu.memory_space<hbm>> -> memref<1000000x64xf32, #tpu.memory_space<hbm>>
      %dma_start3A_1258 = tpu.memref_slice %arg7[%dma_start3A_1247] : memref<2x!tpu.dma_semaphore, #tpu.memory_space<semaphore_mem>> -> memref<1x!tpu.dma_semaphore, #tpu.memory_space<semaphore_mem>>
      %dma_start3A_1259 = tpu.memref_squeeze %dma_start3A_1258 : memref<1x!tpu.dma_semaphore, #tpu.memory_space<semaphore_mem>> -> memref<!tpu.dma_semaphore, #tpu.memory_space<semaphore_mem>>
      tpu.enqueue_indirect_dma source(%dma_start3A_1257 : memref<1000000x64xf32, #tpu.memory_space<hbm>>) target(%dma_start3A_1251 : memref<32x64xf32, #tpu.memory_space<vmem>>) offsets(%dma_start3A_1254 : memref<32xi32, #tpu.memory_space<vmem>>) semaphore(%dma_start3A_1259 : memref<!tpu.dma_semaphore, #tpu.memory_space<semaphore_mem>>)
      %mul3A_1260 = arith.constant 16 : i32
      %mul3A_1261 = arith.muli %add3A_1025, %mul3A_1260 : i32
      %add3A_1262 = arith.constant 13 : i32
      %add3A_1263 = arith.addi %mul3A_1261, %add3A_1262 : i32
      %dma_start3A_1264 = arith.constant 1 : i32
      %dma_start3A_1265 = arith.constant 1 : i32
      %dma_start3A_1266 = arith.constant 416 : i32
      %dma_start3A_1267 = arith.constant 0 : i32
      %dma_start3A_1268 = tpu.memref_slice %arg6[%dma_start3A_1264, %dma_start3A_1266, %dma_start3A_1267] : memref<2x512x64xf32, #tpu.memory_space<vmem>> -> memref<1x32x64xf32, #tpu.memory_space<vmem>>
      %dma_start3A_1269 = tpu.memref_squeeze %dma_start3A_1268 : memref<1x32x64xf32, #tpu.memory_space<vmem>> -> memref<32x64xf32, #tpu.memory_space<vmem>>
      %dma_start3A_1270 = arith.constant 0 : i32
      %dma_start3A_1271 = tpu.memref_slice %arg5[%add3A_1263, %dma_start3A_1270] : memref<800x32xi32, #tpu.memory_space<vmem>> -> memref<1x32xi32, #tpu.memory_space<vmem>>
      %dma_start3A_1272 = tpu.memref_squeeze %dma_start3A_1271 : memref<1x32xi32, #tpu.memory_space<vmem>> -> memref<32xi32, #tpu.memory_space<vmem>>
      %dma_start3A_1273 = arith.constant 0 : i32
      %dma_start3A_1274 = arith.constant 0 : i32
      %dma_start3A_1275 = tpu.memref_slice %arg3[%dma_start3A_1273, %dma_start3A_1274] : memref<1000000x64xf32, #tpu.memory_space<hbm>> -> memref<1000000x64xf32, #tpu.memory_space<hbm>>
      %dma_start3A_1276 = tpu.memref_slice %arg7[%dma_start3A_1265] : memref<2x!tpu.dma_semaphore, #tpu.memory_space<semaphore_mem>> -> memref<1x!tpu.dma_semaphore, #tpu.memory_space<semaphore_mem>>
      %dma_start3A_1277 = tpu.memref_squeeze %dma_start3A_1276 : memref<1x!tpu.dma_semaphore, #tpu.memory_space<semaphore_mem>> -> memref<!tpu.dma_semaphore, #tpu.memory_space<semaphore_mem>>
      tpu.enqueue_indirect_dma source(%dma_start3A_1275 : memref<1000000x64xf32, #tpu.memory_space<hbm>>) target(%dma_start3A_1269 : memref<32x64xf32, #tpu.memory_space<vmem>>) offsets(%dma_start3A_1272 : memref<32xi32, #tpu.memory_space<vmem>>) semaphore(%dma_start3A_1277 : memref<!tpu.dma_semaphore, #tpu.memory_space<semaphore_mem>>)
      %mul3A_1278 = arith.constant 16 : i32
      %mul3A_1279 = arith.muli %add3A_1025, %mul3A_1278 : i32
      %add3A_1280 = arith.constant 14 : i32
      %add3A_1281 = arith.addi %mul3A_1279, %add3A_1280 : i32
      %dma_start3A_1282 = arith.constant 1 : i32
      %dma_start3A_1283 = arith.constant 1 : i32
      %dma_start3A_1284 = arith.constant 448 : i32
      %dma_start3A_1285 = arith.constant 0 : i32
      %dma_start3A_1286 = tpu.memref_slice %arg6[%dma_start3A_1282, %dma_start3A_1284, %dma_start3A_1285] : memref<2x512x64xf32, #tpu.memory_space<vmem>> -> memref<1x32x64xf32, #tpu.memory_space<vmem>>
      %dma_start3A_1287 = tpu.memref_squeeze %dma_start3A_1286 : memref<1x32x64xf32, #tpu.memory_space<vmem>> -> memref<32x64xf32, #tpu.memory_space<vmem>>
      %dma_start3A_1288 = arith.constant 0 : i32
      %dma_start3A_1289 = tpu.memref_slice %arg5[%add3A_1281, %dma_start3A_1288] : memref<800x32xi32, #tpu.memory_space<vmem>> -> memref<1x32xi32, #tpu.memory_space<vmem>>
      %dma_start3A_1290 = tpu.memref_squeeze %dma_start3A_1289 : memref<1x32xi32, #tpu.memory_space<vmem>> -> memref<32xi32, #tpu.memory_space<vmem>>
      %dma_start3A_1291 = arith.constant 0 : i32
      %dma_start3A_1292 = arith.constant 0 : i32
      %dma_start3A_1293 = tpu.memref_slice %arg3[%dma_start3A_1291, %dma_start3A_1292] : memref<1000000x64xf32, #tpu.memory_space<hbm>> -> memref<1000000x64xf32, #tpu.memory_space<hbm>>
      %dma_start3A_1294 = tpu.memref_slice %arg7[%dma_start3A_1283] : memref<2x!tpu.dma_semaphore, #tpu.memory_space<semaphore_mem>> -> memref<1x!tpu.dma_semaphore, #tpu.memory_space<semaphore_mem>>
      %dma_start3A_1295 = tpu.memref_squeeze %dma_start3A_1294 : memref<1x!tpu.dma_semaphore, #tpu.memory_space<semaphore_mem>> -> memref<!tpu.dma_semaphore, #tpu.memory_space<semaphore_mem>>
      tpu.enqueue_indirect_dma source(%dma_start3A_1293 : memref<1000000x64xf32, #tpu.memory_space<hbm>>) target(%dma_start3A_1287 : memref<32x64xf32, #tpu.memory_space<vmem>>) offsets(%dma_start3A_1290 : memref<32xi32, #tpu.memory_space<vmem>>) semaphore(%dma_start3A_1295 : memref<!tpu.dma_semaphore, #tpu.memory_space<semaphore_mem>>)
      %mul3A_1296 = arith.constant 16 : i32
      %mul3A_1297 = arith.muli %add3A_1025, %mul3A_1296 : i32
      %add3A_1298 = arith.constant 15 : i32
      %add3A_1299 = arith.addi %mul3A_1297, %add3A_1298 : i32
      %dma_start3A_1300 = arith.constant 1 : i32
      %dma_start3A_1301 = arith.constant 1 : i32
      %dma_start3A_1302 = arith.constant 480 : i32
      %dma_start3A_1303 = arith.constant 0 : i32
      %dma_start3A_1304 = tpu.memref_slice %arg6[%dma_start3A_1300, %dma_start3A_1302, %dma_start3A_1303] : memref<2x512x64xf32, #tpu.memory_space<vmem>> -> memref<1x32x64xf32, #tpu.memory_space<vmem>>
      %dma_start3A_1305 = tpu.memref_squeeze %dma_start3A_1304 : memref<1x32x64xf32, #tpu.memory_space<vmem>> -> memref<32x64xf32, #tpu.memory_space<vmem>>
      %dma_start3A_1306 = arith.constant 0 : i32
      %dma_start3A_1307 = tpu.memref_slice %arg5[%add3A_1299, %dma_start3A_1306] : memref<800x32xi32, #tpu.memory_space<vmem>> -> memref<1x32xi32, #tpu.memory_space<vmem>>
      %dma_start3A_1308 = tpu.memref_squeeze %dma_start3A_1307 : memref<1x32xi32, #tpu.memory_space<vmem>> -> memref<32xi32, #tpu.memory_space<vmem>>
      %dma_start3A_1309 = arith.constant 0 : i32
      %dma_start3A_1310 = arith.constant 0 : i32
      %dma_start3A_1311 = tpu.memref_slice %arg3[%dma_start3A_1309, %dma_start3A_1310] : memref<1000000x64xf32, #tpu.memory_space<hbm>> -> memref<1000000x64xf32, #tpu.memory_space<hbm>>
      %dma_start3A_1312 = tpu.memref_slice %arg7[%dma_start3A_1301] : memref<2x!tpu.dma_semaphore, #tpu.memory_space<semaphore_mem>> -> memref<1x!tpu.dma_semaphore, #tpu.memory_space<semaphore_mem>>
      %dma_start3A_1313 = tpu.memref_squeeze %dma_start3A_1312 : memref<1x!tpu.dma_semaphore, #tpu.memory_space<semaphore_mem>> -> memref<!tpu.dma_semaphore, #tpu.memory_space<semaphore_mem>>
      tpu.enqueue_indirect_dma source(%dma_start3A_1311 : memref<1000000x64xf32, #tpu.memory_space<hbm>>) target(%dma_start3A_1305 : memref<32x64xf32, #tpu.memory_space<vmem>>) offsets(%dma_start3A_1308 : memref<32xi32, #tpu.memory_space<vmem>>) semaphore(%dma_start3A_1313 : memref<!tpu.dma_semaphore, #tpu.memory_space<semaphore_mem>>)
    }
    %scan3A_483 = arith.constant 24 : i32
    %dma_wait3A = arith.constant 0 : i32
    %dma_wait3A_484 = arith.constant 0 : i32
    %dma_wait3A_485 = arith.constant 0 : i32
    %dma_wait3A_486 = arith.constant 0 : i32
    %dma_wait3A_487 = tpu.memref_slice %arg6[%dma_wait3A, %dma_wait3A_485, %dma_wait3A_486] : memref<2x512x64xf32, #tpu.memory_space<vmem>> -> memref<1x512x64xf32, #tpu.memory_space<vmem>>
    %dma_wait3A_488 = tpu.memref_squeeze %dma_wait3A_487 : memref<1x512x64xf32, #tpu.memory_space<vmem>> -> memref<512x64xf32, #tpu.memory_space<vmem>>
    %dma_wait3A_489 = arith.constant 0 : i32
    %dma_wait3A_490 = arith.constant 0 : i32
    %dma_wait3A_491 = tpu.memref_slice %arg3[%dma_wait3A_489, %dma_wait3A_490] : memref<1000000x64xf32, #tpu.memory_space<hbm>> -> memref<512x64xf32, #tpu.memory_space<hbm>>
    %dma_wait3A_492 = tpu.memref_slice %arg7[%dma_wait3A_484] : memref<2x!tpu.dma_semaphore, #tpu.memory_space<semaphore_mem>> -> memref<1x!tpu.dma_semaphore, #tpu.memory_space<semaphore_mem>>
    %dma_wait3A_493 = tpu.memref_squeeze %dma_wait3A_492 : memref<1x!tpu.dma_semaphore, #tpu.memory_space<semaphore_mem>> -> memref<!tpu.dma_semaphore, #tpu.memory_space<semaphore_mem>>
    %dma_wait3A_494 = arith.constant 0 : i32
    %dma_wait3A_495 = arith.constant 0 : i32
    %dma_wait3A_496 = tpu.memref_slice %arg6[%dma_wait3A, %dma_wait3A_494, %dma_wait3A_495] : memref<2x512x64xf32, #tpu.memory_space<vmem>> -> memref<1x512x64xf32, #tpu.memory_space<vmem>>
    %dma_wait3A_497 = tpu.memref_squeeze %dma_wait3A_496 : memref<1x512x64xf32, #tpu.memory_space<vmem>> -> memref<512x64xf32, #tpu.memory_space<vmem>>
    %dma_wait3A_498 = arith.constant 0 : i32
    %dma_wait3A_499 = arith.constant 0 : i32
    %dma_wait3A_500 = tpu.memref_slice %arg3[%dma_wait3A_498, %dma_wait3A_499] : memref<1000000x64xf32, #tpu.memory_space<hbm>> -> memref<512x64xf32, #tpu.memory_space<hbm>>
    tpu.wait_dma2 semaphore(%dma_wait3A_493 : memref<!tpu.dma_semaphore, #tpu.memory_space<semaphore_mem>>) src(%dma_wait3A_500 : memref<512x64xf32, #tpu.memory_space<hbm>>) dst(%dma_wait3A_497 : memref<512x64xf32, #tpu.memory_space<vmem>>)
    %dma_start3A_501 = arith.constant 0 : i32
    %dma_start3A_502 = arith.constant 48 : i32
    %dma_start3A_503 = arith.constant 0 : i32
    %dma_start3A_504 = arith.constant 0 : i32
    %dma_start3A_505 = arith.constant 0 : i32
    %dma_start3A_506 = tpu.memref_slice %arg6[%dma_start3A_501, %dma_start3A_504, %dma_start3A_505] : memref<2x512x64xf32, #tpu.memory_space<vmem>> -> memref<1x512x64xf32, #tpu.memory_space<vmem>>
    %dma_start3A_507 = tpu.memref_squeeze %dma_start3A_506 : memref<1x512x64xf32, #tpu.memory_space<vmem>> -> memref<512x64xf32, #tpu.memory_space<vmem>>
    %dma_start3A_508 = arith.constant 0 : i32
    %dma_start3A_509 = arith.constant 0 : i32
    %dma_start3A_510 = tpu.memref_slice %arg4[%add3A, %dma_start3A_502, %dma_start3A_508, %dma_start3A_509] : memref<32x50x512x64xf32, #tpu.memory_space<hbm>> -> memref<1x1x512x64xf32, #tpu.memory_space<hbm>>
    %dma_start3A_511 = tpu.memref_squeeze %dma_start3A_510 : memref<1x1x512x64xf32, #tpu.memory_space<hbm>> -> memref<512x64xf32, #tpu.memory_space<hbm>>
    %dma_start3A_512 = tpu.memref_slice %arg8[%dma_start3A_503] : memref<2x!tpu.dma_semaphore, #tpu.memory_space<semaphore_mem>> -> memref<1x!tpu.dma_semaphore, #tpu.memory_space<semaphore_mem>>
    %dma_start3A_513 = tpu.memref_squeeze %dma_start3A_512 : memref<1x!tpu.dma_semaphore, #tpu.memory_space<semaphore_mem>> -> memref<!tpu.dma_semaphore, #tpu.memory_space<semaphore_mem>>
    %dma_start3A_514 = arith.constant 0 : i32
    %dma_start3A_515 = arith.constant 0 : i32
    %dma_start3A_516 = tpu.memref_slice %arg4[%add3A, %dma_start3A_502, %dma_start3A_514, %dma_start3A_515] : memref<32x50x512x64xf32, #tpu.memory_space<hbm>> -> memref<1x1x512x64xf32, #tpu.memory_space<hbm>>
    %dma_start3A_517 = tpu.memref_squeeze %dma_start3A_516 : memref<1x1x512x64xf32, #tpu.memory_space<hbm>> -> memref<512x64xf32, #tpu.memory_space<hbm>>
    %dma_start3A_518 = arith.constant 0 : i32
    %dma_start3A_519 = arith.constant 0 : i32
    %dma_start3A_520 = tpu.memref_slice %arg6[%dma_start3A_501, %dma_start3A_518, %dma_start3A_519] : memref<2x512x64xf32, #tpu.memory_space<vmem>> -> memref<1x512x64xf32, #tpu.memory_space<vmem>>
    %dma_start3A_521 = tpu.memref_squeeze %dma_start3A_520 : memref<1x512x64xf32, #tpu.memory_space<vmem>> -> memref<512x64xf32, #tpu.memory_space<vmem>>
    tpu.enqueue_dma source(%dma_start3A_521 : memref<512x64xf32, #tpu.memory_space<vmem>>) target(%dma_start3A_517 : memref<512x64xf32, #tpu.memory_space<hbm>>) target_semaphore(%dma_start3A_513 : memref<!tpu.dma_semaphore, #tpu.memory_space<semaphore_mem>>)
    %dma_wait3A_522 = arith.constant 0 : i32
    %dma_wait3A_523 = arith.constant 0 : i32
    %dma_wait3A_524 = arith.constant 0 : i32
    %dma_wait3A_525 = arith.constant 0 : i32
    %dma_wait3A_526 = arith.constant 0 : i32
    %dma_wait3A_527 = arith.constant 0 : i32
    %dma_wait3A_528 = tpu.memref_slice %arg6[%dma_wait3A_522, %dma_wait3A_526, %dma_wait3A_527] : memref<2x512x64xf32, #tpu.memory_space<vmem>> -> memref<1x512x64xf32, #tpu.memory_space<vmem>>
    %dma_wait3A_529 = tpu.memref_squeeze %dma_wait3A_528 : memref<1x512x64xf32, #tpu.memory_space<vmem>> -> memref<512x64xf32, #tpu.memory_space<vmem>>
    %dma_wait3A_530 = arith.constant 0 : i32
    %dma_wait3A_531 = arith.constant 0 : i32
    %dma_wait3A_532 = tpu.memref_slice %arg4[%dma_wait3A_523, %dma_wait3A_524, %dma_wait3A_530, %dma_wait3A_531] : memref<32x50x512x64xf32, #tpu.memory_space<hbm>> -> memref<1x1x512x64xf32, #tpu.memory_space<hbm>>
    %dma_wait3A_533 = tpu.memref_squeeze %dma_wait3A_532 : memref<1x1x512x64xf32, #tpu.memory_space<hbm>> -> memref<512x64xf32, #tpu.memory_space<hbm>>
    %dma_wait3A_534 = tpu.memref_slice %arg8[%dma_wait3A_525] : memref<2x!tpu.dma_semaphore, #tpu.memory_space<semaphore_mem>> -> memref<1x!tpu.dma_semaphore, #tpu.memory_space<semaphore_mem>>
    %dma_wait3A_535 = tpu.memref_squeeze %dma_wait3A_534 : memref<1x!tpu.dma_semaphore, #tpu.memory_space<semaphore_mem>> -> memref<!tpu.dma_semaphore, #tpu.memory_space<semaphore_mem>>
    %dma_wait3A_536 = arith.constant 0 : i32
    %dma_wait3A_537 = arith.constant 0 : i32
    %dma_wait3A_538 = tpu.memref_slice %arg4[%dma_wait3A_523, %dma_wait3A_524, %dma_wait3A_536, %dma_wait3A_537] : memref<32x50x512x64xf32, #tpu.memory_space<hbm>> -> memref<1x1x512x64xf32, #tpu.memory_space<hbm>>
    %dma_wait3A_539 = tpu.memref_squeeze %dma_wait3A_538 : memref<1x1x512x64xf32, #tpu.memory_space<hbm>> -> memref<512x64xf32, #tpu.memory_space<hbm>>
    %dma_wait3A_540 = arith.constant 0 : i32
    %dma_wait3A_541 = arith.constant 0 : i32
    %dma_wait3A_542 = tpu.memref_slice %arg6[%dma_wait3A_522, %dma_wait3A_540, %dma_wait3A_541] : memref<2x512x64xf32, #tpu.memory_space<vmem>> -> memref<1x512x64xf32, #tpu.memory_space<vmem>>
    %dma_wait3A_543 = tpu.memref_squeeze %dma_wait3A_542 : memref<1x512x64xf32, #tpu.memory_space<vmem>> -> memref<512x64xf32, #tpu.memory_space<vmem>>
    tpu.wait_dma2 semaphore(%dma_wait3A_535 : memref<!tpu.dma_semaphore, #tpu.memory_space<semaphore_mem>>) src(%dma_wait3A_543 : memref<512x64xf32, #tpu.memory_space<vmem>>) dst(%dma_wait3A_539 : memref<512x64xf32, #tpu.memory_space<hbm>>)
    %dma_wait3A_544 = arith.constant 1 : i32
    %dma_wait3A_545 = arith.constant 1 : i32
    %dma_wait3A_546 = arith.constant 0 : i32
    %dma_wait3A_547 = arith.constant 0 : i32
    %dma_wait3A_548 = tpu.memref_slice %arg6[%dma_wait3A_544, %dma_wait3A_546, %dma_wait3A_547] : memref<2x512x64xf32, #tpu.memory_space<vmem>> -> memref<1x512x64xf32, #tpu.memory_space<vmem>>
    %dma_wait3A_549 = tpu.memref_squeeze %dma_wait3A_548 : memref<1x512x64xf32, #tpu.memory_space<vmem>> -> memref<512x64xf32, #tpu.memory_space<vmem>>
    %dma_wait3A_550 = arith.constant 0 : i32
    %dma_wait3A_551 = arith.constant 0 : i32
    %dma_wait3A_552 = tpu.memref_slice %arg3[%dma_wait3A_550, %dma_wait3A_551] : memref<1000000x64xf32, #tpu.memory_space<hbm>> -> memref<512x64xf32, #tpu.memory_space<hbm>>
    %dma_wait3A_553 = tpu.memref_slice %arg7[%dma_wait3A_545] : memref<2x!tpu.dma_semaphore, #tpu.memory_space<semaphore_mem>> -> memref<1x!tpu.dma_semaphore, #tpu.memory_space<semaphore_mem>>
    %dma_wait3A_554 = tpu.memref_squeeze %dma_wait3A_553 : memref<1x!tpu.dma_semaphore, #tpu.memory_space<semaphore_mem>> -> memref<!tpu.dma_semaphore, #tpu.memory_space<semaphore_mem>>
    %dma_wait3A_555 = arith.constant 0 : i32
    %dma_wait3A_556 = arith.constant 0 : i32
    %dma_wait3A_557 = tpu.memref_slice %arg6[%dma_wait3A_544, %dma_wait3A_555, %dma_wait3A_556] : memref<2x512x64xf32, #tpu.memory_space<vmem>> -> memref<1x512x64xf32, #tpu.memory_space<vmem>>
    %dma_wait3A_558 = tpu.memref_squeeze %dma_wait3A_557 : memref<1x512x64xf32, #tpu.memory_space<vmem>> -> memref<512x64xf32, #tpu.memory_space<vmem>>
    %dma_wait3A_559 = arith.constant 0 : i32
    %dma_wait3A_560 = arith.constant 0 : i32
    %dma_wait3A_561 = tpu.memref_slice %arg3[%dma_wait3A_559, %dma_wait3A_560] : memref<1000000x64xf32, #tpu.memory_space<hbm>> -> memref<512x64xf32, #tpu.memory_space<hbm>>
    tpu.wait_dma2 semaphore(%dma_wait3A_554 : memref<!tpu.dma_semaphore, #tpu.memory_space<semaphore_mem>>) src(%dma_wait3A_561 : memref<512x64xf32, #tpu.memory_space<hbm>>) dst(%dma_wait3A_558 : memref<512x64xf32, #tpu.memory_space<vmem>>)
    %dma_start3A_562 = arith.constant 1 : i32
    %dma_start3A_563 = arith.constant 49 : i32
    %dma_start3A_564 = arith.constant 1 : i32
    %dma_start3A_565 = arith.constant 0 : i32
    %dma_start3A_566 = arith.constant 0 : i32
    %dma_start3A_567 = tpu.memref_slice %arg6[%dma_start3A_562, %dma_start3A_565, %dma_start3A_566] : memref<2x512x64xf32, #tpu.memory_space<vmem>> -> memref<1x512x64xf32, #tpu.memory_space<vmem>>
    %dma_start3A_568 = tpu.memref_squeeze %dma_start3A_567 : memref<1x512x64xf32, #tpu.memory_space<vmem>> -> memref<512x64xf32, #tpu.memory_space<vmem>>
    %dma_start3A_569 = arith.constant 0 : i32
    %dma_start3A_570 = arith.constant 0 : i32
    %dma_start3A_571 = tpu.memref_slice %arg4[%add3A, %dma_start3A_563, %dma_start3A_569, %dma_start3A_570] : memref<32x50x512x64xf32, #tpu.memory_space<hbm>> -> memref<1x1x512x64xf32, #tpu.memory_space<hbm>>
    %dma_start3A_572 = tpu.memref_squeeze %dma_start3A_571 : memref<1x1x512x64xf32, #tpu.memory_space<hbm>> -> memref<512x64xf32, #tpu.memory_space<hbm>>
    %dma_start3A_573 = tpu.memref_slice %arg8[%dma_start3A_564] : memref<2x!tpu.dma_semaphore, #tpu.memory_space<semaphore_mem>> -> memref<1x!tpu.dma_semaphore, #tpu.memory_space<semaphore_mem>>
    %dma_start3A_574 = tpu.memref_squeeze %dma_start3A_573 : memref<1x!tpu.dma_semaphore, #tpu.memory_space<semaphore_mem>> -> memref<!tpu.dma_semaphore, #tpu.memory_space<semaphore_mem>>
    %dma_start3A_575 = arith.constant 0 : i32
    %dma_start3A_576 = arith.constant 0 : i32
    %dma_start3A_577 = tpu.memref_slice %arg4[%add3A, %dma_start3A_563, %dma_start3A_575, %dma_start3A_576] : memref<32x50x512x64xf32, #tpu.memory_space<hbm>> -> memref<1x1x512x64xf32, #tpu.memory_space<hbm>>
    %dma_start3A_578 = tpu.memref_squeeze %dma_start3A_577 : memref<1x1x512x64xf32, #tpu.memory_space<hbm>> -> memref<512x64xf32, #tpu.memory_space<hbm>>
    %dma_start3A_579 = arith.constant 0 : i32
    %dma_start3A_580 = arith.constant 0 : i32
    %dma_start3A_581 = tpu.memref_slice %arg6[%dma_start3A_562, %dma_start3A_579, %dma_start3A_580] : memref<2x512x64xf32, #tpu.memory_space<vmem>> -> memref<1x512x64xf32, #tpu.memory_space<vmem>>
    %dma_start3A_582 = tpu.memref_squeeze %dma_start3A_581 : memref<1x512x64xf32, #tpu.memory_space<vmem>> -> memref<512x64xf32, #tpu.memory_space<vmem>>
    tpu.enqueue_dma source(%dma_start3A_582 : memref<512x64xf32, #tpu.memory_space<vmem>>) target(%dma_start3A_578 : memref<512x64xf32, #tpu.memory_space<hbm>>) target_semaphore(%dma_start3A_574 : memref<!tpu.dma_semaphore, #tpu.memory_space<semaphore_mem>>)
    %dma_wait3A_583 = arith.constant 1 : i32
    %dma_wait3A_584 = arith.constant 0 : i32
    %dma_wait3A_585 = arith.constant 0 : i32
    %dma_wait3A_586 = arith.constant 1 : i32
    %dma_wait3A_587 = arith.constant 0 : i32
    %dma_wait3A_588 = arith.constant 0 : i32
    %dma_wait3A_589 = tpu.memref_slice %arg6[%dma_wait3A_583, %dma_wait3A_587, %dma_wait3A_588] : memref<2x512x64xf32, #tpu.memory_space<vmem>> -> memref<1x512x64xf32, #tpu.memory_space<vmem>>
    %dma_wait3A_590 = tpu.memref_squeeze %dma_wait3A_589 : memref<1x512x64xf32, #tpu.memory_space<vmem>> -> memref<512x64xf32, #tpu.memory_space<vmem>>
    %dma_wait3A_591 = arith.constant 0 : i32
    %dma_wait3A_592 = arith.constant 0 : i32
    %dma_wait3A_593 = tpu.memref_slice %arg4[%dma_wait3A_584, %dma_wait3A_585, %dma_wait3A_591, %dma_wait3A_592] : memref<32x50x512x64xf32, #tpu.memory_space<hbm>> -> memref<1x1x512x64xf32, #tpu.memory_space<hbm>>
    %dma_wait3A_594 = tpu.memref_squeeze %dma_wait3A_593 : memref<1x1x512x64xf32, #tpu.memory_space<hbm>> -> memref<512x64xf32, #tpu.memory_space<hbm>>
    %dma_wait3A_595 = tpu.memref_slice %arg8[%dma_wait3A_586] : memref<2x!tpu.dma_semaphore, #tpu.memory_space<semaphore_mem>> -> memref<1x!tpu.dma_semaphore, #tpu.memory_space<semaphore_mem>>
    %dma_wait3A_596 = tpu.memref_squeeze %dma_wait3A_595 : memref<1x!tpu.dma_semaphore, #tpu.memory_space<semaphore_mem>> -> memref<!tpu.dma_semaphore, #tpu.memory_space<semaphore_mem>>
    %dma_wait3A_597 = arith.constant 0 : i32
    %dma_wait3A_598 = arith.constant 0 : i32
    %dma_wait3A_599 = tpu.memref_slice %arg4[%dma_wait3A_584, %dma_wait3A_585, %dma_wait3A_597, %dma_wait3A_598] : memref<32x50x512x64xf32, #tpu.memory_space<hbm>> -> memref<1x1x512x64xf32, #tpu.memory_space<hbm>>
    %dma_wait3A_600 = tpu.memref_squeeze %dma_wait3A_599 : memref<1x1x512x64xf32, #tpu.memory_space<hbm>> -> memref<512x64xf32, #tpu.memory_space<hbm>>
    %dma_wait3A_601 = arith.constant 0 : i32
    %dma_wait3A_602 = arith.constant 0 : i32
    %dma_wait3A_603 = tpu.memref_slice %arg6[%dma_wait3A_583, %dma_wait3A_601, %dma_wait3A_602] : memref<2x512x64xf32, #tpu.memory_space<vmem>> -> memref<1x512x64xf32, #tpu.memory_space<vmem>>
    %dma_wait3A_604 = tpu.memref_squeeze %dma_wait3A_603 : memref<1x512x64xf32, #tpu.memory_space<vmem>> -> memref<512x64xf32, #tpu.memory_space<vmem>>
    tpu.wait_dma2 semaphore(%dma_wait3A_596 : memref<!tpu.dma_semaphore, #tpu.memory_space<semaphore_mem>>) src(%dma_wait3A_604 : memref<512x64xf32, #tpu.memory_space<vmem>>) dst(%dma_wait3A_600 : memref<512x64xf32, #tpu.memory_space<hbm>>)
    return
  }
}

</mosaic_0001>

<sc_bundles>
// kernel: kernel.3.cloned.1.call-start
scs
__scs_entry_jumppad:
0x0: {  	(pc) =	sbr.rel $0x88, $3  }
0x1: {  	(tag) =	ssettag $0x0;
	lr =	simm.s32 $0x1  }
0x2: {  	[smem:$0x3F9F] =	sst lr;
	_ =	strace $0xD0000000  }
0x3: {  	_ = 	snop  }
0x4: {  	_ = 	snop  }
0x5: {  	_ = 	snop  }
0x6: {  	_ = 	snop  }
0x7: {  	_ = 	snop  }
__scs_overlays_trampoline_lowered:
0x8: {  	[smem:$0x3FAE] =	sst s0  }
0x9: {  	[smem:$0x3FAF] =	sst s1  }
0xa: {  	[smem:$0x3FB0] =	sst s2  }
0xb: {  	[smem:$0x3FB1] =	sst s3  }
0xc: {  	[smem:$0x3FB2] =	sst s4  }
0xd: {  	[smem:$0x3FB3] =	sst s5  }
0xe: {  	[smem:$0x3FB4] =	sst s6  }
0xf: {  	[smem:$0x3FB5] =	sst s7  }
0x10: {  	[smem:$0x3FB6] =	sst s8  }
0x11: {  	[smem:$0x3FB7] =	sst s9;
	s0 =	simm.s32 @!p0 $0x0  }
0x12: {  	s1 =	sld [smem:$0x3F9D];
	s0 =	simm.s32 @p0 $0x1  }
0x13: {  	[smem:$0x3FB8] =	sst s0;
	s0 =	simm.s32 @!p1 $0x0  }
0x14: {  	s2 =	sld [smem:$0x3F9C];
	s0 =	simm.s32 @p1 $0x1  }
0x15: {  	[smem:$0x3FB9] =	sst s0;
	s0 =	simm.s32 @!p2 $0x0  }
0x16: {  	s3 =	sld [smem:$0x3FDB];
	s0 =	simm.s32 @p2 $0x1  }
0x17: {  	s4 =	simm.s32 $0x1BF5;
	[smem:$0x3FBB] =	sst s0  }
0x18: {  	s0 =	sld [smem:$0x3F9E];
	_ =	swait.ge [sflag:s4], $0x0  }
0x19: {  	s7 =	sld [smem:$0x3F9F]  }
0x1a: {  	s8 =	sadd.s32 $0xFFFFE003, lr  }
0x1b: {  	s9 =	sadd.s32 $0xFFFFFEF7, lr;
	s5 =	simm.s32 $0xFFFFFFFF;
	p2 =	slt.u32 s8, $0xFFFFF086  }
0x1c: {  	p1 =	slt.u32 s9, $0xF7A;
	s5 =	simm.s32 @!p2 $0x0  }
0x1d: {  	s5 =	simm.s32 @p1 $0x1;
	p0 =	seq.s32 s7, s2  }
0x1e: {  	s7 =	smul.u32 @!p0 $0xF7A, s2;
	p2 =	seq.s32 @!p0 s5, $0x0  }
0x1f: {  	s9 =	smul.u32 $0xF7A, s1;
	s8 =	simm.s32 @!p0 $0x1BF5;
	p2 =	por !p2, p0  }
0x20: {  	[sflag:s8] =	ssyncset.s32 @!p0 $0xFFFFF086;
	s6 =	sadd.s32 @!p0 s3, s7;
	s7 =	simm.s32 @!p0 $0x108  }
0x21: {  	s3 =	sadd.s32 s3, s9;
	s6 =	sadd.s32 @!p0 $0x88, s6;
	s7 =	simm.s32 @p2 $0x1082  }
0x22: {  	[simem:s7], [sflag:s8] =	dma.local @!p0 [hbm:s6], $0xF7A  }
0x23: {  	s9 =	sor.u32 $0xD0000000, s2;
	s6 =	simm.s32 $0x108;
	_ =	swait.ge @!p0 [sflag:s8], $0x0  }
0x24: {  	s3 =	sadd.s32 $0x88, s3;
	s6 =	simm.s32 @!p1 $0x1082;
	[sflag:s4] =	ssyncset.s32 $0xFFFFF086  }
0x25: {  	[simem:s6], [sflag:s4] =	dma.local [hbm:s3], $0xF7A  }
0x26: {  	[smem:$0x3F9F] =	sst s1;
	(tag) =	ssettag s2;
	_ =	strace s9  }
0x27: {  	s1 =	sld [smem:$0x3FAF]  }
0x28: {  	s2 =	sld [smem:$0x3FB0]  }
0x29: {  	s4 =	sld [smem:$0x3FB2]  }
0x2a: {  	p0 =	seq.s32 s5, $0x0;
	s5 =	sld [smem:$0x3FB3]  }
0x2b: {  	s6 =	sld [smem:$0x3FB4]  }
0x2c: {  	s7 =	sld [smem:$0x3FB5]  }
0x2d: {  	s3 =	simm.s32 $0x108;
	s8 =	sld [smem:$0x3FB6]  }
0x2e: {  	s3 =	simm.s32 @!p0 $0x1082;
	s9 =	sld [smem:$0x3FB7]  }
0x2f: {  	lr =	sadd.s32 s0, s3;
	s0 =	sld [smem:$0x3FAE]  }
0x30: {  	s3 =	sld [smem:$0x3FB1]  }
0x31: {  	[smem:$0x3FBA] =	sst s10  }
0x32: {  	s10 =	sld [smem:$0x3FB8];
	_ =	sdelay $0x3  }
0x33: {  	p0 =	seq.s32 s10, $0x1;
	s10 =	sld [smem:$0x3FBA];
	_ =	sdelay $0x3  }
0x34: {  	[smem:$0x3FBA] =	sst s10  }
0x35: {  	s10 =	sld [smem:$0x3FB9];
	_ =	sdelay $0x3  }
0x36: {  	p1 =	seq.s32 s10, $0x1;
	s10 =	sld [smem:$0x3FBA];
	_ =	sdelay $0x3  }
0x37: {  	[smem:$0x3FBA] =	sst s10  }
0x38: {  	s10 =	sld [smem:$0x3FBB]  }
0x39: {  	_ = 	snop;
	(pc) =	sbr.ind lr, $3  }
0x3a: {  	_ = 	snop  }
0x3b: {  	_ = 	snop  }
0x3c: {  	p2 =	seq.s32 s10, $0x1;
	s10 =	sld [smem:$0x3FBA]  }
0x3d: {  	_ =	shalt  }
0x3e: {  	_ =	shalt  }
0x3f: {  	_ =	shalt  }
0x40: {  	_ =	shalt  }
0x41: {  	_ =	shalt  }
0x42: {  	_ =	shalt  }
0x43: {  	_ =	shalt  }
0x44: {  	_ =	shalt  }
0x45: {  	_ =	shalt  }
0x46: {  	_ =	shalt  }
0x47: {  	_ =	shalt  }
0x48: {  	_ =	shalt  }
0x49: {  	_ =	shalt  }
0x4a: {  	_ =	shalt  }
0x4b: {  	_ =	shalt  }
0x4c: {  	_ =	shalt  }
0x4d: {  	_ =	shalt  }
0x4e: {  	_ =	shalt  }
0x4f: {  	_ =	shalt  }
0x50: {  	_ =	shalt  }
0x51: {  	_ =	shalt  }
0x52: {  	_ =	shalt  }
0x53: {  	_ =	shalt  }
0x54: {  	_ =	shalt  }
0x55: {  	_ =	shalt  }
0x56: {  	_ =	shalt  }
0x57: {  	_ =	shalt  }
0x58: {  	_ =	shalt  }
0x59: {  	_ =	shalt  }
0x5a: {  	_ =	shalt  }
0x5b: {  	_ =	shalt  }
0x5c: {  	_ =	shalt  }
0x5d: {  	_ =	shalt  }
0x5e: {  	_ =	shalt  }
0x5f: {  	_ =	shalt  }
0x60: {  	_ =	shalt  }
0x61: {  	_ =	shalt  }
0x62: {  	_ =	shalt  }
0x63: {  	_ =	shalt  }
0x64: {  	_ =	shalt  }
0x65: {  	_ =	shalt  }
0x66: {  	_ =	shalt  }
0x67: {  	_ =	shalt  }
0x68: {  	_ =	shalt  }
0x69: {  	_ =	shalt  }
0x6a: {  	_ =	shalt  }
0x6b: {  	_ =	shalt  }
0x6c: {  	_ =	shalt  }
0x6d: {  	_ =	shalt  }
0x6e: {  	_ =	shalt  }
0x6f: {  	_ =	shalt  }
0x70: {  	_ =	shalt  }
0x71: {  	_ =	shalt  }
0x72: {  	_ =	shalt  }
0x73: {  	_ =	shalt  }
0x74: {  	_ =	shalt  }
0x75: {  	_ =	shalt  }
0x76: {  	_ =	shalt  }
0x77: {  	_ =	shalt  }
0x78: {  	_ =	shalt  }
0x79: {  	_ =	shalt  }
0x7a: {  	_ =	shalt  }
0x7b: {  	_ =	shalt  }
0x7c: {  	_ =	shalt  }
0x7d: {  	_ =	shalt  }
0x7e: {  	_ =	shalt  }
0x7f: {  	_ =	shalt  }
0x80: {  	_ =	shalt  }
0x81: {  	_ =	shalt  }
0x82: {  	_ =	shalt  }
0x83: {  	_ =	shalt  }
0x84: {  	_ =	shalt  }
0x85: {  	_ =	shalt  }
0x86: {  	_ =	shalt  }
0x87: {  	_ =	shalt  }
.Lfunc_end0:
.L_simem_size_0:
called_computation.1_lowered:
.L_overlay_start_0:
0x88: {  	s2 =	sld [smem:$0x3FD9]  }
0x89: {  	s3 =	sld [smem:$0x3FFE];
	_ =	sdelay $0x1  }
0x8a: {  	s1 =	srdreg.scid  }
0x8b: {  	s0 =	sand.u32 $0x1, s1  }
0x8c: {  	s17 =	sshll.u32 s0, $0xA;
	s2 =	sadd.s32 s3, s2  }
0x8d: {  	s2 =	sadd.s32 s2, s17  }
0x8e: {  	[smem:$0x3FC6] =	sst s2  }
0x8f: {  	_ = 	snop  }
0x90: {  	s2 =	sld [smem:$0x3FD0];
	(tm) =	ssettm $0x1  }
0x91: {  	s18 =	sld [smem:$0x3FFB];
	_ =	sdelay $0x3  }
0x92: {  	_ =	strace s18  }
0x93: {  	s3 =	sld [smem:$0x3FFC];
	_ =	sdelay $0x3  }
0x94: {  	_ =	strace s3  }
0x95: {  	s3 =	sld [smem:$0x3FFD];
	_ =	sdelay $0x3  }
0x96: {  	_ =	strace s3  }
0x97: {  	_ =	strace $0x8FFFFFFF  }
0x98: {  	s19 =	sld [smem:$0x3FDB];
	_ =	sdelay $0x1  }
0x99: {  	s4 =	simm.s32 $_scs_section_size  }
0x9a: {  	s5 =	simm.s32 $_size__tile_overlayer_lowered;
	s6 =	simm.s32 $_tile_overlayer_lowered  }
0x9b: {  	s22 =	simm.s32 $0x1BFF;
	s21 =	sshll.u32 s6, $0x1;
	s3 =	sadd.s32 s4, s19  }
0x9c: {  	s7 =	simm.s32 $0x0;
	s20 =	sshll.u32 s5, $0x1;
	s5 =	sadd.s32 s21, s3  }
0x9d: {  	[timem:s7], [sflag:s22] =	dma.local [hbm:s5], s20  }
0x9e: {  	_ =	swait.ge [sflag:s22], s20  }
0x9f: {  	s4 =	ssub.s32 $0x0, s20;
	[sflag:s22] =	ssyncset.done $0x0  }
0xa0: {  	[sflag:s22] =	ssyncadd.s32 s4;
	_ =	sdelay $0x1  }
0xa1: {  	s23 =	simm.s32 $0x1B8B  }
0xa2: {  	_ =	swait.ge [sflag:s23], $0x1  }
0xa3: {  	[sflag:s23] =	ssyncset.done $0x0  }
0xa4: {  	s25 =	simm.s32 $0x1B8E;
	s24 =	sld [smem:$0x3FFE];
	[sflag:s23] =	ssyncadd.s32 $0xFFFFFFFF  }
0xa5: {  	s26 =	simm.s32 $execute0_lowered;
	[smem:$0x3FD2] =	sst s25  }
0xa6: {  	s5 =	sshll.u32 s26, $0x1;
	_ =	strace $0x80000046;
	[dreg:$0x1] =	wrdreg $0xFFFFFFFF  }
0xa7: {  	s28 =	simm.s32 $_size_execute0_lowered;
	s3 =	sadd.s32 s3, s5;
	[dreg:$0x0] =	wrdreg $0x0  }
0xa8: {  	s5 =	sshll.u32 s28, $0x1;
	[dreg:$0x2] =	wrdreg s3  }
0xa9: {  	[dreg:$0x3] =	wrdreg s5  }
0xaa: {  	[dreg:$0x4] =	wrdreg $0xC0  }
0xab: {  	_ =	task [dreg:s7], $0x5FFFF  }
0xac: {  	[dreg:$0x1] =	wrdreg $0xFFFFFFFF  }
0xad: {  	[dreg:$0x0] =	wrdreg $0x60  }
0xae: {  	[dreg:$0x2] =	wrdreg s24  }
0xaf: {  	[dreg:$0x3] =	wrdreg s2  }
0xb0: {  	[dreg:$0x4] =	wrdreg $0x9  }
0xb1: {  	_ =	task.clear_ibuf [dreg:s7], $0x5FFFF;
	_ =	strace $0x90000046  }
0xb2: {  	s29 =	simm.s32 $0x9;
	_ =	strace $0x80000048  }
0xb3: {  	_ =	swait.ge [sflag:s29], $0x1  }
0xb4: {  	[sflag:s29] =	ssyncadd.s32 $0xFFFFFFFF  }
0xb5: {  	_ =	strace $0x90000048  }
0xb6: {  	_ =	sfence  }
0xb7: {  	s30 =	sld [smem:$0x0];
	_ =	sdelay $0x2  }
0xb8: {  	s31 =	sshll.u32 s1, $0xD;
	s1 =	sshrl.u32 s1, $0x2  }
0xb9: {  	s3 =	sand.u32 $0x4000, s31;
	s1 =	sadd.s32 s1, s30  }
0xba: {  	s0 =	sor.u32 s3, s0;
	s1 =	sshll.u32 s1, $0x11  }
0xbb: {  	s0 =	sor.u32 s1, s0  }
0xbc: {  	s0 =	sadd.s32 $0x8F2B, s0  }
0xbd: {  	[sflag:s0] =	ssyncadd.remote.s32 $0x1  }
0xbe: {  	_ =	sfence.sel $0xFFFF  }
0xbf: {  	[dreg:$0x0] =	wrdreg $0xFFFFFFFF;
	(pc) =	sbr.abs _section_cstart, $3  }
0xc0: {  	[dreg:$0x1] =	wrdreg $0xFFFFFFFF  }
0xc1: {  	_ =	task.clear_ibuf [dreg:s7], $0x2FFFF;
	_ =	strace $0x9FFFFFFF  }
0xc2: {  	(tm) =	ssettm $0x7FFFFFFF  }
0xc3: {  	_ =	shalt  }
tec
execute0_lowered:
.L_overlay_start_1:
0x0: {  	(tag) =	ssettag $0x1  }
0x1: {  	s0 =	srdreg.scid;
	s1 =	rddreg [dreg:$0x0]  }
0x2: {  	s7 =	stileid.u32;
	s4 =	rddreg [dreg:$0x1]  }
0x3: {  	s11 =	simm.s32 $0x20;
	s12 =	simm.s32 $0x6400;
	s14 =	simm.s32 $0x6C00  }
0x4: {  	s18 =	simm.s32 $0x7400;
	s20 =	simm.s32 $0x9400;
	s10 =	simm.s32 $0xBC00  }
0x5: {  	s9 =	simm.s32 $0xCC00;
	s13 =	simm.s32 $0xD400;
	s15 =	simm.s32 $0xDC00  }
0x6: {  	s16 =	simm.s32 $0xE400;
	s17 =	simm.s32 $0xEC00;
	s19 =	simm.s32 $0xF400  }
0x7: {  	s30 =	simm.s32 $0xFC00;
	s31 =	simm.s32 $0x10400;
	s22 =	simm.s32 $0x10C00  }
0x8: {  	s29 =	simm.s32 $0x11400;
	s0 =	sand.u32 $0x1, s0;
	s2 =	sshll.u32 s7, $0x1  }
0x9: {  	s21 =	simm.s32 $0x1;
	s7 =	smul.u32 $0x320000, s7;
	s3 =	sor.u32 s0, s2  }
0xa: {  	s2 =	simm.s32 $0x0;
	s8 =	ssub.s32 $0x2, s0;
	s0 =	smul.u32 $0x190000, s0  }
0xb: {  	s28 =	simm.s32 $0x4;
	s5 =	smul.u32 $0xC80, s3;
	[smem:$0x7FF] =	sst s2  }
0xc: {  	s6 =	smul.u32 $0x190000, s3;
	s3 =	sadd.s32 $0xF42E00, s1;
	s23 =	sshrl.u32 s8, $0x1  }
0xd: {  	_ =	strace $0x80000047;
	s0 =	sadd.s32 s0, s7;
	s7 =	simm.s32 $0xB400  }
0xe: {  	s5 =	sadd.s32 s5, s1;
	s6 =	sshrl.u32 s6, $0x3;
	s1 =	ssub.s32 s8, s23  }
0xf: {  	s25 =	sor.u32 $0x8000, s0;
	s0 =	sshrl.u32 s0, $0x3;
	s8 =	simm.s32 $0xC400  }
0x10: {  	s23 =	simm.s32 $0x3;
	s6 =	sadd.s32 s4, s6;
	s5 =	sadd.s32 $0xA00, s5  }
0x11: {  	s1 =	smax.u32 s1, $0x1;
	s0 =	sadd.s32 s0, s4;
	[dreg:$0x3] =	wrdreg s5  }
0x12: {  	s24 =	sadd.s32 $0x30000, s6;
	s6 =	sadd.s32 $0x31000, s6;
	[dreg:$0x6] =	wrdreg s1  }
0x13: {  	s5 =	sshrl.u32 s25, $0x3;
	[dreg:$0x8] =	wrdreg s0;
	s0 =	simm.s32 $0x8400  }
0x14: {  	s25 =	simm.s32 $0x2;
	s1 =	simm.s32 $0x0;
	[dreg:$0x4] =	wrdreg s24  }
0x15: {  	[dreg:$0x5] =	wrdreg s6;
	s26 =	sadd.s32 s5, s4;
	s24 =	simm.s32 $0x7C00  }
0x16: {  	s4 =	simm.s32 $0x9C00;
	s5 =	simm.s32 $0xA400;
	[dreg:$0x9] =	wrdreg s1  }
0x17: {  	s6 =	simm.s32 $0xAC00;
	[dreg:$0x7] =	wrdreg s26;
	s26 =	simm.s32 $0x8C00  }
.LBB2_1:
0x18: {  	s1 =	rddreg [dreg:$0x3]  }
0x19: {  	[tilespmem:s2], [sflag:$0x5] =	stream.linear.gather [hbm4b:s1+s2], $0x6400, $0x38;
	[tilespmem:$0x16400] =	vst v63  }
0x1a: {  	s1 =	simm.s32 $0x5  }
0x1b: {  	_ =	swait.ge [sflag:s1], $0x6400  }
0x1c: {  	[sflag:s1] =	ssyncset.done $0x0  }
0x1d: {  	[sflag:s1] =	ssyncadd.s32 $0xFFFF9C00  }
0x1e: {  	[tilespmem:s12], [sflag:$0x1] =	stream.indirect.gather [hbm4b:s3+s11], $0x40, s2, s11, $0xb8;
	[tilespmem:$0x16400] =	vst v63  }
0x1f: {  	_ = 	snop  }
0x20: {  	[tilespmem:s14], [sflag:$0x1] =	stream.indirect.gather [hbm4b:s3+s11], $0x40, s11, s11, $0xb8;
	[tilespmem:$0x16400] =	vst v63  }
0x21: {  	s1 =	simm.s32 $0x40  }
0x22: {  	[tilespmem:s18], [sflag:$0x1] =	stream.indirect.gather [hbm4b:s3+s11], $0x40, s1, s11, $0xb8;
	[tilespmem:$0x16400] =	vst v63  }
0x23: {  	s1 =	simm.s32 $0x60  }
0x24: {  	[tilespmem:s24], [sflag:$0x1] =	stream.indirect.gather [hbm4b:s3+s11], $0x40, s1, s11, $0xb8;
	[tilespmem:$0x16400] =	vst v63  }
0x25: {  	s1 =	simm.s32 $0x80  }
0x26: {  	[tilespmem:s0], [sflag:$0x1] =	stream.indirect.gather [hbm4b:s3+s11], $0x40, s1, s11, $0xb8;
	[tilespmem:$0x16400] =	vst v63  }
0x27: {  	s1 =	simm.s32 $0xA0  }
0x28: {  	[tilespmem:s26], [sflag:$0x1] =	stream.indirect.gather [hbm4b:s3+s11], $0x40, s1, s11, $0xb8;
	[tilespmem:$0x16400] =	vst v63  }
0x29: {  	s1 =	simm.s32 $0xC0  }
0x2a: {  	[tilespmem:s20], [sflag:$0x1] =	stream.indirect.gather [hbm4b:s3+s11], $0x40, s1, s11, $0xb8;
	[tilespmem:$0x16400] =	vst v63  }
0x2b: {  	s1 =	simm.s32 $0xE0  }
0x2c: {  	[tilespmem:s4], [sflag:$0x1] =	stream.indirect.gather [hbm4b:s3+s11], $0x40, s1, s11, $0xb8;
	[tilespmem:$0x16400] =	vst v63  }
0x2d: {  	s1 =	simm.s32 $0x100  }
0x2e: {  	[tilespmem:s5], [sflag:$0x1] =	stream.indirect.gather [hbm4b:s3+s11], $0x40, s1, s11, $0xb8;
	[tilespmem:$0x16400] =	vst v63  }
0x2f: {  	s1 =	simm.s32 $0x120  }
0x30: {  	[tilespmem:s6], [sflag:$0x1] =	stream.indirect.gather [hbm4b:s3+s11], $0x40, s1, s11, $0xb8;
	[tilespmem:$0x16400] =	vst v63  }
0x31: {  	s1 =	simm.s32 $0x140  }
0x32: {  	[tilespmem:s7], [sflag:$0x1] =	stream.indirect.gather [hbm4b:s3+s11], $0x40, s1, s11, $0xb8;
	[tilespmem:$0x16400] =	vst v63  }
0x33: {  	s1 =	simm.s32 $0x160  }
0x34: {  	[tilespmem:s10], [sflag:$0x1] =	stream.indirect.gather [hbm4b:s3+s11], $0x40, s1, s11, $0xb8;
	[tilespmem:$0x16400] =	vst v63  }
0x35: {  	s1 =	simm.s32 $0x180  }
0x36: {  	[tilespmem:s8], [sflag:$0x1] =	stream.indirect.gather [hbm4b:s3+s11], $0x40, s1, s11, $0xb8;
	[tilespmem:$0x16400] =	vst v63  }
0x37: {  	s1 =	simm.s32 $0x1A0  }
0x38: {  	[tilespmem:s9], [sflag:$0x1] =	stream.indirect.gather [hbm4b:s3+s11], $0x40, s1, s11, $0xb8;
	[tilespmem:$0x16400] =	vst v63  }
0x39: {  	s1 =	simm.s32 $0x1C0  }
0x3a: {  	[tilespmem:s13], [sflag:$0x1] =	stream.indirect.gather [hbm4b:s3+s11], $0x40, s1, s11, $0xb8;
	[tilespmem:$0x16400] =	vst v63  }
0x3b: {  	s1 =	simm.s32 $0x1E0  }
0x3c: {  	[tilespmem:s15], [sflag:$0x1] =	stream.indirect.gather [hbm4b:s3+s11], $0x40, s1, s11, $0xb8;
	[tilespmem:$0x16400] =	vst v63  }
0x3d: {  	s1 =	simm.s32 $0x200  }
0x3e: {  	[tilespmem:s16], [sflag:$0x2] =	stream.indirect.gather [hbm4b:s3+s11], $0x40, s1, s11, $0xb8;
	[tilespmem:$0x16400] =	vst v63  }
0x3f: {  	s1 =	simm.s32 $0x220  }
0x40: {  	[tilespmem:s17], [sflag:$0x2] =	stream.indirect.gather [hbm4b:s3+s11], $0x40, s1, s11, $0xb8;
	[tilespmem:$0x16400] =	vst v63  }
0x41: {  	s1 =	simm.s32 $0x240  }
0x42: {  	[tilespmem:s19], [sflag:$0x2] =	stream.indirect.gather [hbm4b:s3+s11], $0x40, s1, s11, $0xb8;
	[tilespmem:$0x16400] =	vst v63  }
0x43: {  	s1 =	simm.s32 $0x260  }
0x44: {  	[tilespmem:s30], [sflag:$0x2] =	stream.indirect.gather [hbm4b:s3+s11], $0x40, s1, s11, $0xb8;
	[tilespmem:$0x16400] =	vst v63  }
0x45: {  	s1 =	simm.s32 $0x280  }
0x46: {  	[tilespmem:s31], [sflag:$0x2] =	stream.indirect.gather [hbm4b:s3+s11], $0x40, s1, s11, $0xb8;
	[tilespmem:$0x16400] =	vst v63  }
0x47: {  	s1 =	simm.s32 $0x2A0  }
0x48: {  	[tilespmem:s22], [sflag:$0x2] =	stream.indirect.gather [hbm4b:s3+s11], $0x40, s1, s11, $0xb8;
	[tilespmem:$0x16400] =	vst v63  }
0x49: {  	s22 =	simm.s32 $0x2C0  }
0x4a: {  	[tilespmem:s29], [sflag:$0x2] =	stream.indirect.gather [hbm4b:s3+s11], $0x40, s22, s11, $0xb8;
	[tilespmem:$0x16400] =	vst v63  }
0x4b: {  	s1 =	simm.s32 $0x2E0;
	s22 =	simm.s32 $0x11C00  }
0x4c: {  	[tilespmem:s22], [sflag:$0x2] =	stream.indirect.gather [hbm4b:s3+s11], $0x40, s1, s11, $0xb8;
	[tilespmem:$0x16400] =	vst v63  }
0x4d: {  	s22 =	simm.s32 $0x12400;
	s1 =	simm.s32 $0x300  }
0x4e: {  	[tilespmem:s22], [sflag:$0x2] =	stream.indirect.gather [hbm4b:s3+s11], $0x40, s1, s11, $0xb8;
	[tilespmem:$0x16400] =	vst v63  }
0x4f: {  	s22 =	simm.s32 $0x12C00;
	s1 =	simm.s32 $0x320  }
0x50: {  	[tilespmem:s22], [sflag:$0x2] =	stream.indirect.gather [hbm4b:s3+s11], $0x40, s1, s11, $0xb8;
	[tilespmem:$0x16400] =	vst v63  }
0x51: {  	s22 =	simm.s32 $0x13400;
	s1 =	simm.s32 $0x340  }
0x52: {  	[tilespmem:s22], [sflag:$0x2] =	stream.indirect.gather [hbm4b:s3+s11], $0x40, s1, s11, $0xb8;
	[tilespmem:$0x16400] =	vst v63  }
0x53: {  	s22 =	simm.s32 $0x13C00;
	s1 =	simm.s32 $0x360  }
0x54: {  	[tilespmem:s22], [sflag:$0x2] =	stream.indirect.gather [hbm4b:s3+s11], $0x40, s1, s11, $0xb8;
	[tilespmem:$0x16400] =	vst v63  }
0x55: {  	s22 =	simm.s32 $0x14400;
	s1 =	simm.s32 $0x380  }
0x56: {  	[tilespmem:s22], [sflag:$0x2] =	stream.indirect.gather [hbm4b:s3+s11], $0x40, s1, s11, $0xb8;
	[tilespmem:$0x16400] =	vst v63  }
0x57: {  	s22 =	simm.s32 $0x14C00;
	s1 =	simm.s32 $0x3A0  }
0x58: {  	[tilespmem:s22], [sflag:$0x2] =	stream.indirect.gather [hbm4b:s3+s11], $0x40, s1, s11, $0xb8;
	[tilespmem:$0x16400] =	vst v63  }
0x59: {  	s22 =	simm.s32 $0x15400;
	s1 =	simm.s32 $0x3C0  }
0x5a: {  	[tilespmem:s22], [sflag:$0x2] =	stream.indirect.gather [hbm4b:s3+s11], $0x40, s1, s11, $0xb8;
	[tilespmem:$0x16400] =	vst v63  }
0x5b: {  	s1 =	simm.s32 $0x15C00;
	s22 =	simm.s32 $0x3E0  }
0x5c: {  	[tilespmem:s1], [sflag:$0x2] =	stream.indirect.gather [hbm4b:s3+s11], $0x40, s22, s11, $0xb8;
	[tilespmem:$0x16400] =	vst v63  }
0x5d: {  	_ =	swait.ge [sflag:s21], $0x8000  }
0x5e: {  	[sflag:s21] =	ssyncset.done $0x0  }
0x5f: {  	s22 =	rddreg [dreg:$0x8];
	[sflag:s21] =	ssyncadd.s32 $0xFFFF8000  }
0x60: {  	[hbm4b:s22+s2] =	stream.linear.scatter [tilespmem:s12], [sflag:$0x3], $0x8000, $0x38;
	[tilespmem:$0x16400] =	vst v63  }
0x61: {  	_ =	swait.ge [sflag:s23], $0x8000  }
0x62: {  	[sflag:s23] =	ssyncset.done $0x0  }
0x63: {  	s1 =	simm.s32 $0x400;
	[sflag:s23] =	ssyncadd.s32 $0xFFFF8000  }
0x64: {  	[tilespmem:s12], [sflag:$0x1] =	stream.indirect.gather [hbm4b:s3+s11], $0x40, s1, s11, $0xb8;
	[tilespmem:$0x16400] =	vst v63  }
0x65: {  	s1 =	simm.s32 $0x420  }
0x66: {  	[tilespmem:s14], [sflag:$0x1] =	stream.indirect.gather [hbm4b:s3+s11], $0x40, s1, s11, $0xb8;
	[tilespmem:$0x16400] =	vst v63  }
0x67: {  	s14 =	simm.s32 $0x440  }
0x68: {  	[tilespmem:s18], [sflag:$0x1] =	stream.indirect.gather [hbm4b:s3+s11], $0x40, s14, s11, $0xb8;
	[tilespmem:$0x16400] =	vst v63  }
0x69: {  	s14 =	simm.s32 $0x460  }
0x6a: {  	[tilespmem:s24], [sflag:$0x1] =	stream.indirect.gather [hbm4b:s3+s11], $0x40, s14, s11, $0xb8;
	[tilespmem:$0x16400] =	vst v63  }
0x6b: {  	s18 =	simm.s32 $0x480  }
0x6c: {  	[tilespmem:s0], [sflag:$0x1] =	stream.indirect.gather [hbm4b:s3+s11], $0x40, s18, s11, $0xb8;
	[tilespmem:$0x16400] =	vst v63  }
0x6d: {  	s24 =	simm.s32 $0x4A0  }
0x6e: {  	[tilespmem:s26], [sflag:$0x1] =	stream.indirect.gather [hbm4b:s3+s11], $0x40, s24, s11, $0xb8;
	[tilespmem:$0x16400] =	vst v63  }
0x6f: {  	s26 =	simm.s32 $0x4C0  }
0x70: {  	[tilespmem:s20], [sflag:$0x1] =	stream.indirect.gather [hbm4b:s3+s11], $0x40, s26, s11, $0xb8;
	[tilespmem:$0x16400] =	vst v63  }
0x71: {  	s0 =	simm.s32 $0x4E0  }
0x72: {  	[tilespmem:s4], [sflag:$0x1] =	stream.indirect.gather [hbm4b:s3+s11], $0x40, s0, s11, $0xb8;
	[tilespmem:$0x16400] =	vst v63  }
0x73: {  	s4 =	simm.s32 $0x500  }
0x74: {  	[tilespmem:s5], [sflag:$0x1] =	stream.indirect.gather [hbm4b:s3+s11], $0x40, s4, s11, $0xb8;
	[tilespmem:$0x16400] =	vst v63  }
0x75: {  	s5 =	simm.s32 $0x520  }
0x76: {  	[tilespmem:s6], [sflag:$0x1] =	stream.indirect.gather [hbm4b:s3+s11], $0x40, s5, s11, $0xb8;
	[tilespmem:$0x16400] =	vst v63  }
0x77: {  	s6 =	simm.s32 $0x540  }
0x78: {  	[tilespmem:s7], [sflag:$0x1] =	stream.indirect.gather [hbm4b:s3+s11], $0x40, s6, s11, $0xb8;
	[tilespmem:$0x16400] =	vst v63  }
0x79: {  	s7 =	simm.s32 $0x560  }
0x7a: {  	[tilespmem:s10], [sflag:$0x1] =	stream.indirect.gather [hbm4b:s3+s11], $0x40, s7, s11, $0xb8;
	[tilespmem:$0x16400] =	vst v63  }
0x7b: {  	s14 =	simm.s32 $0x580  }
0x7c: {  	[tilespmem:s8], [sflag:$0x1] =	stream.indirect.gather [hbm4b:s3+s11], $0x40, s14, s11, $0xb8;
	[tilespmem:$0x16400] =	vst v63  }
0x7d: {  	s18 =	simm.s32 $0x5A0  }
0x7e: {  	[tilespmem:s9], [sflag:$0x1] =	stream.indirect.gather [hbm4b:s3+s11], $0x40, s18, s11, $0xb8;
	[tilespmem:$0x16400] =	vst v63  }
0x7f: {  	s20 =	simm.s32 $0x5C0  }
0x80: {  	[tilespmem:s13], [sflag:$0x1] =	stream.indirect.gather [hbm4b:s3+s11], $0x40, s20, s11, $0xb8;
	[tilespmem:$0x16400] =	vst v63  }
0x81: {  	s24 =	simm.s32 $0x5E0  }
0x82: {  	[tilespmem:s15], [sflag:$0x1] =	stream.indirect.gather [hbm4b:s3+s11], $0x40, s24, s11, $0xb8;
	[tilespmem:$0x16400] =	vst v63  }
0x83: {  	_ =	swait.ge [sflag:s25], $0x8000  }
0x84: {  	[sflag:s25] =	ssyncset.done $0x0  }
0x85: {  	s14 =	rddreg [dreg:$0x7];
	[sflag:s25] =	ssyncadd.s32 $0xFFFF8000  }
0x86: {  	[hbm4b:s14+s2] =	stream.linear.scatter [tilespmem:s16], [sflag:$0x4], $0x8000, $0x38;
	[tilespmem:$0x16400] =	vst v63  }
0x87: {  	_ =	swait.ge [sflag:s28], $0x8000  }
0x88: {  	[sflag:s28] =	ssyncset.done $0x0  }
0x89: {  	s26 =	simm.s32 $0x600;
	[sflag:s28] =	ssyncadd.s32 $0xFFFF8000  }
0x8a: {  	[tilespmem:s16], [sflag:$0x2] =	stream.indirect.gather [hbm4b:s3+s11], $0x40, s26, s11, $0xb8;
	[tilespmem:$0x16400] =	vst v63  }
0x8b: {  	s4 =	simm.s32 $0x620  }
0x8c: {  	[tilespmem:s17], [sflag:$0x2] =	stream.indirect.gather [hbm4b:s3+s11], $0x40, s4, s11, $0xb8;
	[tilespmem:$0x16400] =	vst v63  }
0x8d: {  	s29 =	simm.s32 $0x10C00;
	s0 =	simm.s32 $0x11400;
	s5 =	simm.s32 $0x640  }
0x8e: {  	[tilespmem:s19], [sflag:$0x2] =	stream.indirect.gather [hbm4b:s3+s11], $0x40, s5, s11, $0xb8;
	[tilespmem:$0x16400] =	vst v63  }
0x8f: {  	s6 =	simm.s32 $0x660;
	s7 =	simm.s32 $0x680;
	s10 =	simm.s32 $0x6C0  }
0x90: {  	[tilespmem:s30], [sflag:$0x2] =	stream.indirect.gather [hbm4b:s3+s11], $0x40, s6, s11, $0xb8;
	[tilespmem:$0x16400] =	vst v63  }
0x91: {  	s8 =	simm.s32 $0x6A0;
	s9 =	simm.s32 $0x10C00;
	s18 =	simm.s32 $0x700  }
0x92: {  	[tilespmem:s31], [sflag:$0x2] =	stream.indirect.gather [hbm4b:s3+s11], $0x40, s7, s11, $0xb8;
	[tilespmem:$0x16400] =	vst v63  }
0x93: {  	s13 =	simm.s32 $0x6E0;
	s20 =	simm.s32 $0x11C00;
	s15 =	simm.s32 $0xDC00  }
0x94: {  	[tilespmem:s29], [sflag:$0x2] =	stream.indirect.gather [hbm4b:s3+s11], $0x40, s8, s11, $0xb8;
	[tilespmem:$0x16400] =	vst v63  }
0x95: {  	s24 =	simm.s32 $0x720;
	s1 =	sadd.s32 $0x2000, s14;
	s14 =	sadd.s32 $0x2000, s22  }
0x96: {  	[tilespmem:s0], [sflag:$0x2] =	stream.indirect.gather [hbm4b:s3+s11], $0x40, s10, s11, $0xb8;
	[tilespmem:$0x16400] =	vst v63  }
0x97: {  	s26 =	simm.s32 $0x12C00;
	s17 =	simm.s32 $0x11C00;
	s4 =	simm.s32 $0x12C00  }
0x98: {  	[tilespmem:s17], [sflag:$0x2] =	stream.indirect.gather [hbm4b:s3+s11], $0x40, s13, s11, $0xb8;
	[tilespmem:$0x16400] =	vst v63  }
0x99: {  	s19 =	simm.s32 $0x12400;
	s5 =	simm.s32 $0x13400;
	s6 =	simm.s32 $0x740  }
0x9a: {  	[tilespmem:s19], [sflag:$0x2] =	stream.indirect.gather [hbm4b:s3+s11], $0x40, s18, s11, $0xb8;
	[tilespmem:$0x16400] =	vst v63  }
0x9b: {  	s30 =	simm.s32 $0x1000;
	s7 =	simm.s32 $0x13400;
	s31 =	simm.s32 $0x7400  }
0x9c: {  	[tilespmem:s26], [sflag:$0x2] =	stream.indirect.gather [hbm4b:s3+s11], $0x40, s24, s11, $0xb8;
	[tilespmem:$0x16400] =	vst v63  }
0x9d: {  	s29 =	simm.s32 $0x12400;
	s8 =	simm.s32 $0x760;
	s10 =	simm.s32 $0x13C00  }
0x9e: {  	[tilespmem:s7], [sflag:$0x2] =	stream.indirect.gather [hbm4b:s3+s11], $0x40, s6, s11, $0xb8;
	[tilespmem:$0x16400] =	vst v63  }
0x9f: {  	s13 =	simm.s32 $0x780;
	s17 =	simm.s32 $0x14400;
	s18 =	simm.s32 $0x7A0  }
0xa0: {  	[tilespmem:s10], [sflag:$0x2] =	stream.indirect.gather [hbm4b:s3+s11], $0x40, s8, s11, $0xb8;
	[tilespmem:$0x16400] =	vst v63  }
0xa1: {  	s19 =	simm.s32 $0x14C00;
	s24 =	simm.s32 $0x7C0;
	s26 =	simm.s32 $0x15400  }
0xa2: {  	[tilespmem:s17], [sflag:$0x2] =	stream.indirect.gather [hbm4b:s3+s11], $0x40, s13, s11, $0xb8;
	[tilespmem:$0x16400] =	vst v63  }
0xa3: {  	s6 =	simm.s32 $0x13C00;
	s7 =	simm.s32 $0x14400;
	s10 =	simm.s32 $0x14C00  }
0xa4: {  	[tilespmem:s19], [sflag:$0x2] =	stream.indirect.gather [hbm4b:s3+s11], $0x40, s18, s11, $0xb8;
	[tilespmem:$0x16400] =	vst v63  }
0xa5: {  	s8 =	simm.s32 $0x15400;
	s17 =	simm.s32 $0xEC00;
	s19 =	simm.s32 $0xF400  }
0xa6: {  	[tilespmem:s26], [sflag:$0x2] =	stream.indirect.gather [hbm4b:s3+s11], $0x40, s24, s11, $0xb8;
	[tilespmem:$0x16400] =	vst v63  }
0xa7: {  	s18 =	simm.s32 $0x7E0;
	s26 =	simm.s32 $0xFC00;
	s24 =	simm.s32 $0x10400  }
.LBB2_2:
0xa8: {  	s22 =	simm.s32 $0x15C00  }
0xa9: {  	[tilespmem:s22], [sflag:$0x2] =	stream.indirect.gather [hbm4b:s3+s11], $0x40, s18, s11, $0xb8;
	[tilespmem:$0x16400] =	vst v63  }
0xaa: {  	s18 =	smov.u32 s30  }
0xab: {  	p0 =	sne.s32 s30, $0x17000;
	s30 =	sadd.s32 $0x1000, s30;
	_ =	swait.ge [sflag:s21], $0x8000  }
0xac: {  	[sflag:s21] =	ssyncset.done $0x0  }
0xad: {  	[sflag:s21] =	ssyncadd.s32 $0xFFFF8000  }
0xae: {  	[hbm4b:s14+s2] =	stream.linear.scatter [tilespmem:s12], [sflag:$0x3], $0x8000, $0x38;
	[tilespmem:$0x16400] =	vst v63  }
0xaf: {  	_ =	swait.ge [sflag:s23], $0x8000  }
0xb0: {  	s18 =	sshra.s32 s18, $0x2;
	[sflag:s23] =	ssyncset.done $0x0  }
0xb1: {  	s22 =	sadd.s32 $0x400, s18;
	[sflag:s23] =	ssyncadd.s32 $0xFFFF8000  }
0xb2: {  	[tilespmem:s12], [sflag:$0x1] =	stream.indirect.gather [hbm4b:s3+s11], $0x40, s22, s11, $0xb8;
	[tilespmem:$0x16400] =	vst v63  }
0xb3: {  	s13 =	simm.s32 $0x6C00;
	s22 =	sadd.s32 $0x420, s18  }
0xb4: {  	[tilespmem:s13], [sflag:$0x1] =	stream.indirect.gather [hbm4b:s3+s11], $0x40, s22, s11, $0xb8;
	[tilespmem:$0x16400] =	vst v63  }
0xb5: {  	s22 =	sadd.s32 $0x440, s18  }
0xb6: {  	[tilespmem:s31], [sflag:$0x1] =	stream.indirect.gather [hbm4b:s3+s11], $0x40, s22, s11, $0xb8;
	[tilespmem:$0x16400] =	vst v63  }
0xb7: {  	s13 =	simm.s32 $0x7C00;
	s22 =	sadd.s32 $0x460, s18  }
0xb8: {  	[tilespmem:s13], [sflag:$0x1] =	stream.indirect.gather [hbm4b:s3+s11], $0x40, s22, s11, $0xb8;
	[tilespmem:$0x16400] =	vst v63  }
0xb9: {  	s22 =	sadd.s32 $0x480, s18;
	s13 =	simm.s32 $0x8400  }
0xba: {  	[tilespmem:s13], [sflag:$0x1] =	stream.indirect.gather [hbm4b:s3+s11], $0x40, s22, s11, $0xb8;
	[tilespmem:$0x16400] =	vst v63  }
0xbb: {  	s22 =	sadd.s32 $0x4A0, s18;
	s13 =	simm.s32 $0x8C00  }
0xbc: {  	[tilespmem:s13], [sflag:$0x1] =	stream.indirect.gather [hbm4b:s3+s11], $0x40, s22, s11, $0xb8;
	[tilespmem:$0x16400] =	vst v63  }
0xbd: {  	s22 =	sadd.s32 $0x4C0, s18;
	s13 =	simm.s32 $0x9400  }
0xbe: {  	[tilespmem:s13], [sflag:$0x1] =	stream.indirect.gather [hbm4b:s3+s11], $0x40, s22, s11, $0xb8;
	[tilespmem:$0x16400] =	vst v63  }
0xbf: {  	s22 =	sadd.s32 $0x4E0, s18;
	s13 =	simm.s32 $0x9C00  }
0xc0: {  	[tilespmem:s13], [sflag:$0x1] =	stream.indirect.gather [hbm4b:s3+s11], $0x40, s22, s11, $0xb8;
	[tilespmem:$0x16400] =	vst v63  }
0xc1: {  	s22 =	sadd.s32 $0x500, s18;
	s13 =	simm.s32 $0xA400  }
0xc2: {  	[tilespmem:s13], [sflag:$0x1] =	stream.indirect.gather [hbm4b:s3+s11], $0x40, s22, s11, $0xb8;
	[tilespmem:$0x16400] =	vst v63  }
0xc3: {  	s22 =	sadd.s32 $0x520, s18;
	s13 =	simm.s32 $0xAC00  }
0xc4: {  	[tilespmem:s13], [sflag:$0x1] =	stream.indirect.gather [hbm4b:s3+s11], $0x40, s22, s11, $0xb8;
	[tilespmem:$0x16400] =	vst v63  }
0xc5: {  	s22 =	sadd.s32 $0x540, s18;
	s13 =	simm.s32 $0xB400  }
0xc6: {  	[tilespmem:s13], [sflag:$0x1] =	stream.indirect.gather [hbm4b:s3+s11], $0x40, s22, s11, $0xb8;
	[tilespmem:$0x16400] =	vst v63  }
0xc7: {  	s22 =	sadd.s32 $0x560, s18;
	s13 =	simm.s32 $0xBC00  }
0xc8: {  	[tilespmem:s13], [sflag:$0x1] =	stream.indirect.gather [hbm4b:s3+s11], $0x40, s22, s11, $0xb8;
	[tilespmem:$0x16400] =	vst v63  }
0xc9: {  	s22 =	sadd.s32 $0x580, s18;
	s13 =	simm.s32 $0xC400  }
0xca: {  	[tilespmem:s13], [sflag:$0x1] =	stream.indirect.gather [hbm4b:s3+s11], $0x40, s22, s11, $0xb8;
	[tilespmem:$0x16400] =	vst v63  }
0xcb: {  	s22 =	sadd.s32 $0x5A0, s18;
	s13 =	simm.s32 $0xCC00  }
0xcc: {  	[tilespmem:s13], [sflag:$0x1] =	stream.indirect.gather [hbm4b:s3+s11], $0x40, s22, s11, $0xb8;
	[tilespmem:$0x16400] =	vst v63  }
0xcd: {  	s22 =	sadd.s32 $0x5C0, s18;
	s13 =	simm.s32 $0xD400  }
0xce: {  	[tilespmem:s13], [sflag:$0x1] =	stream.indirect.gather [hbm4b:s3+s11], $0x40, s22, s11, $0xb8;
	[tilespmem:$0x16400] =	vst v63  }
0xcf: {  	s22 =	sadd.s32 $0x5E0, s18  }
0xd0: {  	[tilespmem:s15], [sflag:$0x1] =	stream.indirect.gather [hbm4b:s3+s11], $0x40, s22, s11, $0xb8;
	[tilespmem:$0x16400] =	vst v63  }
0xd1: {  	_ =	swait.ge [sflag:s25], $0x8000  }
0xd2: {  	[sflag:s25] =	ssyncset.done $0x0  }
0xd3: {  	[sflag:s25] =	ssyncadd.s32 $0xFFFF8000  }
0xd4: {  	[hbm4b:s1+s2] =	stream.linear.scatter [tilespmem:s16], [sflag:$0x4], $0x8000, $0x38;
	[tilespmem:$0x16400] =	vst v63  }
0xd5: {  	_ =	swait.ge [sflag:s28], $0x8000  }
0xd6: {  	[sflag:s28] =	ssyncset.done $0x0  }
0xd7: {  	s22 =	sadd.s32 $0x600, s18;
	[sflag:s28] =	ssyncadd.s32 $0xFFFF8000  }
0xd8: {  	[tilespmem:s16], [sflag:$0x2] =	stream.indirect.gather [hbm4b:s3+s11], $0x40, s22, s11, $0xb8;
	[tilespmem:$0x16400] =	vst v63  }
0xd9: {  	s22 =	sadd.s32 $0x620, s18  }
0xda: {  	[tilespmem:s17], [sflag:$0x2] =	stream.indirect.gather [hbm4b:s3+s11], $0x40, s22, s11, $0xb8;
	[tilespmem:$0x16400] =	vst v63  }
0xdb: {  	s22 =	sadd.s32 $0x640, s18  }
0xdc: {  	[tilespmem:s19], [sflag:$0x2] =	stream.indirect.gather [hbm4b:s3+s11], $0x40, s22, s11, $0xb8;
	[tilespmem:$0x16400] =	vst v63  }
0xdd: {  	s22 =	sadd.s32 $0x660, s18  }
0xde: {  	[tilespmem:s26], [sflag:$0x2] =	stream.indirect.gather [hbm4b:s3+s11], $0x40, s22, s11, $0xb8;
	[tilespmem:$0x16400] =	vst v63  }
0xdf: {  	s22 =	sadd.s32 $0x680, s18  }
0xe0: {  	[tilespmem:s24], [sflag:$0x2] =	stream.indirect.gather [hbm4b:s3+s11], $0x40, s22, s11, $0xb8;
	[tilespmem:$0x16400] =	vst v63  }
0xe1: {  	s22 =	sadd.s32 $0x6A0, s18  }
0xe2: {  	[tilespmem:s9], [sflag:$0x2] =	stream.indirect.gather [hbm4b:s3+s11], $0x40, s22, s11, $0xb8;
	[tilespmem:$0x16400] =	vst v63  }
0xe3: {  	s22 =	sadd.s32 $0x6C0, s18  }
0xe4: {  	[tilespmem:s0], [sflag:$0x2] =	stream.indirect.gather [hbm4b:s3+s11], $0x40, s22, s11, $0xb8;
	[tilespmem:$0x16400] =	vst v63  }
0xe5: {  	s22 =	sadd.s32 $0x6E0, s18  }
0xe6: {  	[tilespmem:s20], [sflag:$0x2] =	stream.indirect.gather [hbm4b:s3+s11], $0x40, s22, s11, $0xb8;
	[tilespmem:$0x16400] =	vst v63  }
0xe7: {  	s22 =	sadd.s32 $0x700, s18  }
0xe8: {  	[tilespmem:s29], [sflag:$0x2] =	stream.indirect.gather [hbm4b:s3+s11], $0x40, s22, s11, $0xb8;
	[tilespmem:$0x16400] =	vst v63  }
0xe9: {  	s22 =	sadd.s32 $0x720, s18  }
0xea: {  	[tilespmem:s4], [sflag:$0x2] =	stream.indirect.gather [hbm4b:s3+s11], $0x40, s22, s11, $0xb8;
	[tilespmem:$0x16400] =	vst v63  }
0xeb: {  	s22 =	sadd.s32 $0x740, s18  }
0xec: {  	[tilespmem:s5], [sflag:$0x2] =	stream.indirect.gather [hbm4b:s3+s11], $0x40, s22, s11, $0xb8;
	[tilespmem:$0x16400] =	vst v63  }
0xed: {  	s22 =	sadd.s32 $0x760, s18  }
0xee: {  	[tilespmem:s6], [sflag:$0x2] =	stream.indirect.gather [hbm4b:s3+s11], $0x40, s22, s11, $0xb8;
	[tilespmem:$0x16400] =	vst v63  }
0xef: {  	s22 =	sadd.s32 $0x780, s18  }
0xf0: {  	[tilespmem:s7], [sflag:$0x2] =	stream.indirect.gather [hbm4b:s3+s11], $0x40, s22, s11, $0xb8;
	[tilespmem:$0x16400] =	vst v63  }
.Ltmp0:
0xf1: {  	s22 =	sadd.s32 $0x7A0, s18;
	(pc) =	sbr.rel @p0 .LBB2_2-.Ltmp0, $4  }
0xf2: {  	[tilespmem:s10], [sflag:$0x2] =	stream.indirect.gather [hbm4b:s3+s11], $0x40, s22, s11, $0xb8;
	[tilespmem:$0x16400] =	vst v63  }
0xf3: {  	s22 =	sadd.s32 $0x7C0, s18  }
0xf4: {  	[tilespmem:s8], [sflag:$0x2] =	stream.indirect.gather [hbm4b:s3+s11], $0x40, s22, s11, $0xb8;
	[tilespmem:$0x16400] =	vst v63  }
0xf5: {  	s14 =	sadd.s32 $0x2000, s14;
	s1 =	sadd.s32 $0x2000, s1;
	s18 =	sadd.s32 $0x7E0, s18  }
0xf6: {  	s0 =	simm.s32 $0x15C00  }
0xf7: {  	[tilespmem:s0], [sflag:$0x2] =	stream.indirect.gather [hbm4b:s3+s11], $0x40, s18, s11, $0xb8;
	[tilespmem:$0x16400] =	vst v63  }
0xf8: {  	_ =	swait.ge [sflag:s21], $0x8000  }
0xf9: {  	[sflag:s21] =	ssyncset.done $0x0  }
0xfa: {  	s1 =	rddreg [dreg:$0x4];
	[sflag:s21] =	ssyncadd.s32 $0xFFFF8000  }
0xfb: {  	[hbm4b:s1+s2] =	stream.linear.scatter [tilespmem:s12], [sflag:$0x3], $0x8000, $0x38;
	[tilespmem:$0x16400] =	vst v63  }
0xfc: {  	_ =	swait.ge [sflag:s23], $0x8000  }
0xfd: {  	[sflag:s23] =	ssyncset.done $0x0  }
0xfe: {  	[sflag:s23] =	ssyncadd.s32 $0xFFFF8000  }
0xff: {  	_ =	swait.ge [sflag:s25], $0x8000  }
0x100: {  	s14 =	simm.s32 $0x6C00;
	s20 =	simm.s32 $0x9400;
	[sflag:s25] =	ssyncset.done $0x0  }
0x101: {  	s4 =	simm.s32 $0x9C00;
	s22 =	rddreg [dreg:$0x5];
	[sflag:s25] =	ssyncadd.s32 $0xFFFF8000  }
0x102: {  	[hbm4b:s22+s2] =	stream.linear.scatter [tilespmem:s16], [sflag:$0x4], $0x8000, $0x38;
	[tilespmem:$0x16400] =	vst v63  }
0x103: {  	s5 =	simm.s32 $0xA400;
	s6 =	simm.s32 $0xAC00;
	_ =	swait.ge [sflag:s28], $0x8000  }
0x104: {  	s7 =	simm.s32 $0xB400;
	s10 =	simm.s32 $0xBC00;
	s24 =	rddreg [dreg:$0x9]  }
0x105: {  	s8 =	simm.s32 $0xC400;
	s26 =	rddreg [dreg:$0x6];
	s0 =	sadd.s32 $0x1, s24  }
0x106: {  	s9 =	simm.s32 $0xCC00;
	s13 =	simm.s32 $0xD400;
	p0 =	sne.s32 s0, s26  }
.Ltmp1:
0x107: {  	s15 =	simm.s32 $0xDC00;
	s17 =	simm.s32 $0xEC00;
	(pc) =	sbr.rel @p0 .LBB2_1-.Ltmp1, $4  }
0x108: {  	s19 =	simm.s32 $0xF400;
	s30 =	simm.s32 $0xFC00;
	s31 =	simm.s32 $0x10400  }
0x109: {  	s29 =	simm.s32 $0x11400;
	s18 =	simm.s32 $0x7400;
	[sflag:s28] =	ssyncset.done $0x0  }
0x10a: {  	s22 =	simm.s32 $0x10C00;
	[sflag:s28] =	ssyncadd.s32 $0xFFFF8000;
	s24 =	simm.s32 $0x7C00  }
0x10b: {  	[dreg:$0x9] =	wrdreg s0;
	s0 =	simm.s32 $0x8400;
	s26 =	simm.s32 $0x8C00  }
0x10c: {  	_ =	sfence.sel $0x180000  }
0x10d: {  	[bflag:$0x0] =	sbarrier.arrive $0xFFFF  }
0x10e: {  	_ =	strace $0x90000047  }
0x10f: {  	s0 =	stileid.u32;
	[bflag:$0x2] =	sbarrier.arrive $0xFFFF  }
0x110: {  	p0 =	sne.s32 s0, $0x0;
	s0 =	rddreg [dreg:$0x2]  }
0x111: {  	s0 =	sadd.s32 @!p0 $0x100000, s0  }
0x112: {  	[sflag:s0] =	ssyncadd.tile.s32 @!p0 $0x1;
	_ =	shalt  }
.Lfunc_end2:
_tile_overlayer_lowered:
.L_overlay_start_2:
0x113: {  	(tag) =	ssettag $0x2  }
0x114: {  	s0 =	rddreg [dreg:$0x0];
	s2 =	stileid.u32  }
0x115: {  	s1 =	rddreg [dreg:$0x1];
	p0 =	sne.s32 s2, $0x0  }
0x116: {  	s3 =	rddreg [dreg:$0x2];
	[bflag:$0x3] =	sbarrier.arrive $0xFFFF;
	s2 =	simm.s32 @!p0 $0x1C05  }
0x117: {  	[timem:s3], [sflag:s2] =	dma.local @!p0 [hbm:s0], s1  }
0x118: {  	s0 =	simm.s32 @!p0 $0x5  }
0x119: {  	_ =	swait.ge @!p0 [sflag:s0], s1  }
0x11a: {  	s1 =	ssub.s32 @!p0 $0x0, s1;
	[sflag:s0] =	ssyncset.done @!p0 $0x0  }
0x11b: {  	[sflag:s0] =	ssyncadd.s32 @!p0 s1  }
0x11c: {  	[bflag:$0x3] =	sbarrier.arrive $0xFFFF  }
0x11d: {  	_ =	shalt  }

// kernel: sparse-core-data-format-call.cloned.1.call-start
scs
called_computation_lowered:
.L_overlay_start_0:
0x0: {  	s2 =	sld [smem:$0x3FD9]  }
0x1: {  	s3 =	sld [smem:$0x3FFE];
	_ =	sdelay $0x1  }
0x2: {  	s1 =	srdreg.scid  }
0x3: {  	s0 =	sand.u32 $0x1, s1  }
0x4: {  	s18 =	sshll.u32 s0, $0xA;
	s2 =	sadd.s32 s3, s2  }
0x5: {  	s2 =	sadd.s32 s2, s18  }
0x6: {  	[smem:$0x3FC6] =	sst s2  }
0x7: {  	_ = 	snop  }
0x8: {  	s2 =	sld [smem:$0x3FD0];
	(tm) =	ssettm $0x1  }
0x9: {  	s19 =	sld [smem:$0x3FFB];
	_ =	sdelay $0x3  }
0xa: {  	_ =	strace s19  }
0xb: {  	s3 =	sld [smem:$0x3FFC];
	_ =	sdelay $0x3  }
0xc: {  	_ =	strace s3  }
0xd: {  	s3 =	sld [smem:$0x3FFD];
	_ =	sdelay $0x3  }
0xe: {  	_ =	strace s3  }
0xf: {  	_ =	strace $0x8FFFFFFF  }
0x10: {  	s20 =	sld [smem:$0x3FDB];
	_ =	sdelay $0x1  }
0x11: {  	s4 =	simm.s32 $_scs_section_size  }
0x12: {  	s5 =	simm.s32 $_size__tile_overlayer_lowered;
	s6 =	simm.s32 $_tile_overlayer_lowered  }
0x13: {  	s23 =	simm.s32 $0x1BFF;
	s22 =	sshll.u32 s6, $0x1;
	s3 =	sadd.s32 s4, s20  }
0x14: {  	s7 =	simm.s32 $0x0;
	s21 =	sshll.u32 s5, $0x1;
	s5 =	sadd.s32 s22, s3  }
0x15: {  	[timem:s7], [sflag:s23] =	dma.local [hbm:s5], s21  }
0x16: {  	_ =	swait.ge [sflag:s23], s21  }
0x17: {  	s4 =	ssub.s32 $0x0, s21;
	[sflag:s23] =	ssyncset.done $0x0  }
0x18: {  	[sflag:s23] =	ssyncadd.s32 s4;
	_ =	sdelay $0x1  }
0x19: {  	s24 =	simm.s32 $0x1B8B  }
0x1a: {  	_ =	swait.ge [sflag:s24], $0x1  }
0x1b: {  	[sflag:s24] =	ssyncset.done $0x0  }
0x1c: {  	s26 =	simm.s32 $0x1B8E;
	s25 =	sld [smem:$0x3FFE];
	[sflag:s24] =	ssyncadd.s32 $0xFFFFFFFF  }
0x1d: {  	s27 =	simm.s32 $execute0_lowered;
	[smem:$0x3FD2] =	sst s26  }
0x1e: {  	s5 =	sshll.u32 s27, $0x1;
	_ =	strace $0x80000049;
	[dreg:$0x1] =	wrdreg $0xFFFFFFFF  }
0x1f: {  	s28 =	simm.s32 $_size_execute0_lowered;
	s3 =	sadd.s32 s3, s5;
	[dreg:$0x0] =	wrdreg $0x0  }
0x20: {  	s5 =	sshll.u32 s28, $0x1;
	[dreg:$0x2] =	wrdreg s3  }
0x21: {  	[dreg:$0x3] =	wrdreg s5  }
0x22: {  	[dreg:$0x4] =	wrdreg $0xC0  }
0x23: {  	_ =	task [dreg:s7], $0x5FFFF  }
0x24: {  	[dreg:$0x1] =	wrdreg $0xFFFFFFFF  }
0x25: {  	[dreg:$0x0] =	wrdreg $0x60  }
0x26: {  	[dreg:$0x2] =	wrdreg s25  }
0x27: {  	[dreg:$0x3] =	wrdreg s2  }
0x28: {  	[dreg:$0x4] =	wrdreg $0x9  }
0x29: {  	_ =	task.clear_ibuf [dreg:s7], $0x5FFFF;
	_ =	strace $0x90000049  }
0x2a: {  	s29 =	simm.s32 $0x9;
	_ =	strace $0x8000004B  }
0x2b: {  	_ =	swait.ge [sflag:s29], $0x1  }
0x2c: {  	[sflag:s29] =	ssyncadd.s32 $0xFFFFFFFF  }
0x2d: {  	_ =	strace $0x9000004B  }
0x2e: {  	_ =	sfence  }
0x2f: {  	s30 =	sld [smem:$0x0];
	_ =	sdelay $0x2  }
0x30: {  	s31 =	sshll.u32 s1, $0xD;
	s1 =	sshrl.u32 s1, $0x2  }
0x31: {  	s3 =	sand.u32 $0x4000, s31;
	s1 =	sadd.s32 s1, s30  }
0x32: {  	s0 =	sor.u32 s3, s0;
	s1 =	sshll.u32 s1, $0x11  }
0x33: {  	s0 =	sor.u32 s1, s0  }
0x34: {  	s0 =	sadd.s32 $0x8F2B, s0  }
0x35: {  	[sflag:s0] =	ssyncadd.remote.s32 $0x1  }
0x36: {  	_ =	sfence.sel $0xFFFF  }
0x37: {  	[dreg:$0x0] =	wrdreg $0xFFFFFFFF;
	(pc) =	sbr.abs _section_cstart, $3  }
0x38: {  	[dreg:$0x1] =	wrdreg $0xFFFFFFFF  }
0x39: {  	_ =	task.clear_ibuf [dreg:s7], $0x2FFFF;
	_ =	strace $0x9FFFFFFF  }
0x3a: {  	(tm) =	ssettm $0x7FFFFFFF  }
0x3b: {  	_ =	shalt  }
tec
execute0_lowered:
.L_overlay_start_1:
0x0: {  	(tag) =	ssettag $0x1  }
0x1: {  	s0 =	srdreg.scid  }
0x2: {  	s1 =	sshll.u32 s0, $0x4  }
0x3: {  	s0 =	stileid.u32;
	s1 =	sand.u32 $0x10, s1  }
0x4: {  	s1 =	sor.u32 s0, s1  }
0x5: {  	s6 =	rddreg [dreg:$0x0];
	s4 =	simm.s32 $0x1;
	s2 =	sshll.u32 s1, $0x7  }
0x6: {  	s7 =	simm.s32 $0x2;
	s12 =	simm.s32 $0x0;
	s1 =	ssub.s32 $0x4000, s2  }
0x7: {  	s8 =	simm.s32 $0x20000;
	s13 =	simm.s32 $0x0;
	s3 =	sand.u32 $0xF80, s1  }
0x8: {  	s9 =	simm.s32 $0x0;
	s5 =	sshrl.u32 s1, $0xC;
	p0 =	sne.s32 s3, $0x0  }
.Ltmp0:
0x9: {  	s1 =	rddreg [dreg:$0x2];
	s4 =	simm.s32 @!p0 $0x0;
	(pc) =	sbr.rel .LBB1_1-.Ltmp0, $4  }
0xa: {  	s11 =	simm.s32 $0x0;
	s3 =	rddreg [dreg:$0x1];
	s5 =	sadd.s32 s4, s5  }
0xb: {  	_ =	strace $0x8000004A;
	s4 =	simm.s32 $0x1;
	s5 =	smul.u32 $0x32, s5  }
0xc: {  	s6 =	sadd.s32 $0xA00, s6;
	s10 =	smov.u32 s2;
	[sflag:s4] =	ssyncpa.u1 $0x0  }
0xd: {  	p0 =	por $0x0, $0x0;
	[sflag:s7] =	ssyncpa.u1 $0x0;
	s7 =	sor.u32 $0x1, s5  }
.LBB1_4:
0xe: {  	s16 =	sshll.u32 s13, $0x3;
	s17 =	sand.u32 $0x78, s13  }
0xf: {  	s30 =	sand.u32 $0x1F800, s13;
	s12 =	sshll.u32 s12, $0x11;
	s16 =	sand.u32 $0x3C00, s16  }
0x10: {  	[tilespmem:s15+$0x810 ss:$0x81] =	vst.msk $0xffff, v2;
	s31 =	sand.u32 $0x7, s13;
	s16 =	sor.u32 s17, s16;
	s17 =	sadd.s32 s3, s30  }
0x11: {  	[tilespmem:s15+$0x1020 ss:$0x81] =	vst.msk $0xffff, v0;
	s13 =	sshll.u32 s31, $0x12;
	s12 =	sadd.s32 s12, s17;
	s16 =	sshrl.u32 s16, $0x3  }
0x12: {  	[tilespmem:s15+$0x0 ss:$0x81] =	vst.msk $0xffff, v1;
	s13 =	sor.u32 $0x400, s13;
	s12 =	sadd.s32 s16, s12  }
0x13: {  	[hbm4b:s12+s13] =	stream.strided.scatter [tilespmem:s14], [sflag:$0x2], $0x2000, s8, s13, $0x20;
	[tilespmem:$0x8080] =	vst v63  }
.LBB1_5:
0x14: {  	s14 =	sadd.s32 $0x1, s9  }
0x15: {  	s12 =	sadd.s32 $0x1000, s10;
	s16 =	smov.u32 s10;
	p2 =	sgt.s32 s14, $0x31  }
0x16: {  	s16 =	smov.u32 @p2 s12  }
0x17: {  	s14 =	simm.s32 @p2 $0x0;
	p2 =	sgt.s32 s16, $0x3FFF  }
0x18: {  	s16 =	smov.u32 @p2 s2;
	p2 =	sne.s32 s11, s7  }
.Ltmp1:
0x19: {  	p1 =	slt.u32 s11, $0x2;
	(pc) =	sbr.rel @!p2 .LBB1_6-.Ltmp1, $4  }
0x1a: {  	s15 =	simm.s32 @!p1 $0x2  }
0x1b: {  	s13 =	smov.u32 s10;
	p0 =	por !p0, !p0;
	_ =	swait.ge @!p1 [sflag:s15], $0x2000  }
0x1c: {  	s12 =	smov.u32 s9;
	[sflag:s15] =	ssyncset.done @!p1 $0x0;
	s9 =	smov.u32 s14  }
0x1d: {  	s11 =	sadd.s32 $0x1, s11;
	[sflag:s15] =	ssyncadd.s32 @!p1 $0xFFFFE000;
	s10 =	smov.u32 s16  }
.LBB1_1:
0x1e: {  	p1 =	sge.u32 s11, s5  }
0x1f: {  	s14 =	sand.u32 @!p1 $0x1FFFFFF, s9  }
0x20: {  	s15 =	smulhi.u32 @!p1 $0x4924925, s14;
	_ =	sdelay $0x1  }
0x21: {  	s15 =	smul.u32 @!p1 $0x38, s15  }
0x22: {  	s16 =	sxor.u32 @!p1 $0xFFFFFFFF, s11;
	s17 =	smul.u32 @!p1 $0x380, s10  }
0x23: {  	s31 =	sadd.s32 $0xFFFFFFFF, s11;
	s16 =	sshll.u32 @!p1 s16, $0xD;
	s14 =	ssub.s32 @!p1 s14, s15  }
0x24: {  	s15 =	sand.u32 @!p1 $0x2000, s16;
	s16 =	sadd.s32 @!p1 s6, s17;
	s14 =	sshll.u32 @!p1 s14, $0x4  }
0x25: {  	s17 =	simm.s32 @!p1 $0x1C00;
	s14 =	sadd.s32 @!p1 s14, s16;
	s16 =	simm.s32 @!p1 $0x40  }
0x26: {  	[tilespmem:s15], [sflag:$0x1] =	stream.strided.gather @!p1 [hbm4b:s14+s16], $0x2000, s17, s16, $0x38;
	[tilespmem:$0x8080] =	vst v63  }
0x27: {  	p1 =	sge.u32 s31, s5  }
.Ltmp2:
0x28: {  	_ = 	snop;
	(pc) =	sbr.rel @p1 .LBB1_5-.Ltmp2, $1  }
0x29: {  	_ =	sdelay $0x3  }
0x2a: {  	s14 =	simm.s32 $0x1  }
0x2b: {  	_ =	swait.ge [sflag:s4], $0x2000;
	s14 =	simm.s32 @!p0 $0x0  }
0x2c: {  	[sflag:s4] =	ssyncset.done $0x0;
	s15 =	sshll.u32 s14, $0xD  }
0x2d: {  	[sflag:s4] =	ssyncadd.s32 $0xFFFFE000;
	s18 =	sor.u32 $0x20, s15  }
0x2e: {  	s14 =	smul.u32 $0x8100, s14;
	v3 =	vld [tilespmem:s18+$0x10]  }
0x2f: {  	s30 =	sand.u32 $0x1, s11;
	v2 =	vld [tilespmem:s18+$0xFFFFFFF0]  }
0x30: {  	s15 =	smul.u32 $0x8100, s30;
	s14 =	sshrl.u32 s14, $0x2;
	v0 =	vld [tilespmem:s18+$0x0]  }
0x31: {  	v1 =	vld [tilespmem:s18+$0xFFFFFFE0];
	s16 =	sor.u32 $0x4000, s14  }
0x32: {  	s31 =	sshrl.u32 s15, $0x2;
	s15 =	sadd.s32 $0x0, s16  }
0x33: {  	s17 =	simm.s32 $0x4;
	s18 =	sadd.s32 $0x40, s18;
	s14 =	sor.u32 $0x4000, s31;
	[tilespmem:s15+$0x1830 ss:$0x81] =	vst.msk $0xffff, v3  }
.LBB1_3:
0x34: {  	v3 =	vld [tilespmem:s18+$0x10];
	p1 =	sne.s32 s17, $0x1FC;
	[tilespmem:s15+$0x810 ss:$0x81] =	vst.msk $0xffff, v2;
	s19 =	smov.u32 s17;
	s17 =	sadd.s32 $0x4, s17  }
.Ltmp3:
0x35: {  	v2 =	vld [tilespmem:s18+$0xFFFFFFF0];
	[tilespmem:s15+$0x1020 ss:$0x81] =	vst.msk $0xffff, v0;
	(pc) =	sbr.rel @p1 .LBB1_3-.Ltmp3, $4  }
0x36: {  	v0 =	vld [tilespmem:s18+$0x0];
	[tilespmem:s15+$0x0 ss:$0x81] =	vst.msk $0xffff, v1  }
0x37: {  	s15 =	sshra.s32 s19, $0x2;
	v1 =	vld [tilespmem:s18+$0xFFFFFFE0]  }
0x38: {  	s15 =	sadd.s32 s15, s16  }
0x39: {  	s18 =	sadd.s32 $0x40, s18;
	[tilespmem:s15+$0x1830 ss:$0x81] =	vst.msk $0xffff, v3  }
.Ltmp4:
0x3a: {  	_ = 	snop;
	(pc) =	sbr.rel .LBB1_4-.Ltmp4, $1  }
0x3b: {  	_ =	sdelay $0x3  }
.LBB1_6:
0x3c: {  	_ =	sfence.sel $0x180000  }
0x3d: {  	s2 =	simm.s32 $0x1;
	[bflag:$0x0] =	sbarrier.arrive $0xFFFF  }
0x3e: {  	s31 =	simm.s32 $0x2;
	[sflag:s2] =	ssyncpa.u1 $0x1  }
0x3f: {  	[sflag:s31] =	ssyncpa.u1 $0x1  }
0x40: {  	p0 =	sne.s32 s0, $0x0;
	_ =	strace $0x9000004A  }
0x41: {  	s0 =	sadd.s32 @!p0 $0x100000, s1;
	[bflag:$0x2] =	sbarrier.arrive $0xFFFF  }
0x42: {  	[sflag:s0] =	ssyncadd.tile.s32 @!p0 $0x1;
	_ =	shalt  }
.Lfunc_end1:
_tile_overlayer_lowered:
.L_overlay_start_2:
0x43: {  	(tag) =	ssettag $0x2  }
0x44: {  	s0 =	rddreg [dreg:$0x0];
	s2 =	stileid.u32  }
0x45: {  	s1 =	rddreg [dreg:$0x1];
	p0 =	sne.s32 s2, $0x0  }
0x46: {  	s3 =	rddreg [dreg:$0x2];
	[bflag:$0x3] =	sbarrier.arrive $0xFFFF;
	s2 =	simm.s32 @!p0 $0x1C01  }
0x47: {  	[timem:s3], [sflag:s2] =	dma.local @!p0 [hbm:s0], s1  }
0x48: {  	s0 =	simm.s32 @!p0 $0x1  }
0x49: {  	_ =	swait.ge @!p0 [sflag:s0], s1  }
0x4a: {  	s1 =	ssub.s32 @!p0 $0x0, s1;
	[sflag:s0] =	ssyncset.done @!p0 $0x0  }
0x4b: {  	[sflag:s0] =	ssyncadd.s32 @!p0 s1  }
0x4c: {  	[bflag:$0x3] =	sbarrier.arrive $0xFFFF  }
0x4d: {  	_ =	shalt  }

</sc_bundles>
